<compile_context>
chip_gen: v7x
topology: tpu7x:2x2x1
jax: 0.10.2.dev20260603
libtpu: 0.0.44.dev20260713+nightly
codegen_flags: <defaults>
</compile_context>

<pallas_src>
import functools

import jax
import jax.numpy as jnp
from jax import lax
from jax.experimental import pallas as pl
from jax.experimental.pallas import tpu as pltpu
from jax.experimental.pallas import tpu_sc as plsc

N = 10000
D = 128
G = 512
E = 320000
NC = 2
NS = 16
NW = NC * NS
C = 80
K = E // (NW * C)
EPW = E // NW
CB = 5
NP = 10240
RPS = NP // NS
ZR = 80
DEG_PAD = 10240
DPS = DEG_PAD // NS




def _deg_body(e_hbm, degp_hbm, dacc, idx_d, ones_v, zb, dsem):
    c = lax.axis_index("c")
    s = lax.axis_index("s")
    w = s * NC + c
    one = jnp.ones((16,), jnp.float32)
    zero = jnp.zeros((16,), jnp.float32)
    for t in range(128 // 16):
        ones_v[pl.ds(t * 16, 16)] = one

    def zbody(t, carry):
        zb[pl.ds(t * 16, 16)] = zero
        return carry

    lax.fori_loop(0, DPS // 16, zbody, 0)
    pltpu.sync_copy(zb, dacc.at[pl.ds(s * DPS, DPS)])
    plsc.subcore_barrier()
    pltpu.sync_copy(e_hbm.at[1].at[pl.ds(w * EPW, EPW)], idx_d)

    def step(j, carry):
        pltpu.async_copy(ones_v.at[pl.ds(0, C)],
                         dacc.at[idx_d.at[pl.ds(j * C, C)]], dsem, add=True)
        return carry

    lax.fori_loop(0, K, step, 0)

    def drain(j, carry):
        pltpu.make_async_copy(ones_v.at[pl.ds(0, C)],
                              dacc.at[idx_d.at[pl.ds(j * C, C)]], dsem).wait()
        return carry

    lax.fori_loop(0, K, drain, 0)
    plsc.subcore_barrier()
    pltpu.sync_copy(dacc.at[pl.ds(s * DPS, DPS)],
                    degp_hbm.at[c].at[pl.ds(s * DPS, DPS)])


def _edge_body(y_hbm, e_hbm, z_hbm, acc, idx_s, idx_d, rows,
               sem0, sem1, sem2, sem3, sem4):
    c = lax.axis_index("c")
    s = lax.axis_index("s")
    w = s * NC + c
    sems = (sem0, sem1, sem2, sem3, sem4)

    zero = jnp.zeros((32,), jnp.bfloat16)

    def zbody(t, carry):
        i = t // (D // 32)
        q = t % (D // 32)
        rows[0, i, pl.ds(q * 32, 32)] = zero
        return carry

    lax.fori_loop(0, ZR * (D // 32), zbody, 0)
    for r in range(RPS // ZR):
        pltpu.sync_copy(rows.at[0].at[pl.ds(0, ZR)],
                        acc.at[pl.ds(s * RPS + r * ZR, ZR)])
    plsc.subcore_barrier()

    pltpu.sync_copy(e_hbm.at[0].at[pl.ds(w * EPW, EPW)], idx_s)
    pltpu.sync_copy(e_hbm.at[1].at[pl.ds(w * EPW, EPW)], idx_d)

    for b in range(CB - 1):
        pltpu.async_copy(y_hbm.at[idx_s.at[pl.ds(b * C, C)]], rows.at[b],
                         sems[b])

    def quint(p, carry):
        j0 = p * CB
        for i in range(CB):
            j = j0 + i
            pltpu.make_async_copy(y_hbm.at[idx_s.at[pl.ds(j * C, C)]],
                                  rows.at[i], sems[i]).wait()
            nb = (i + CB - 1) % CB

            @pl.when(j + CB - 1 < K)
            def _():
                pltpu.async_copy(
                    y_hbm.at[idx_s.at[pl.ds((j + CB - 1) * C, C)]],
                    rows.at[nb], sems[nb])

            pltpu.sync_copy(rows.at[i], acc.at[idx_d.at[pl.ds(j * C, C)]],
                            add=True)
        return carry

    lax.fori_loop(0, K // CB, quint, 0)

    plsc.subcore_barrier()
    pltpu.sync_copy(acc.at[pl.ds(s * RPS, RPS)],
                    z_hbm.at[c].at[pl.ds(s * RPS, RPS)])




@functools.cache
def _sc_kernels():
    mesh = plsc.VectorSubcoreMesh(core_axis_name="c", subcore_axis_name="s",
                                  num_cores=NC, num_subcores=NS)
    deg = pl.kernel(
        _deg_body,
        mesh=mesh,
        out_type=jax.ShapeDtypeStruct((NC, DEG_PAD), jnp.float32),
        compiler_params=pltpu.CompilerParams(use_tc_tiling_on_sc=False),
        scratch_types=[
            pltpu.VMEM_SHARED((DEG_PAD,), jnp.float32),
            pltpu.VMEM((EPW,), jnp.int32),
            pltpu.VMEM((128,), jnp.float32),
            pltpu.VMEM((DPS,), jnp.float32),
            pltpu.SemaphoreType.DMA,
        ],
    )
    edge = pl.kernel(
        _edge_body,
        mesh=mesh,
        out_type=jax.ShapeDtypeStruct((NC, NP, D), jnp.bfloat16),
        compiler_params=pltpu.CompilerParams(use_tc_tiling_on_sc=False),
        scratch_types=[
            pltpu.VMEM_SHARED((NP, D), jnp.bfloat16),
            pltpu.VMEM((EPW,), jnp.int32),
            pltpu.VMEM((EPW,), jnp.int32),
            pltpu.VMEM((CB, C, D), jnp.bfloat16),
            pltpu.SemaphoreType.DMA,
            pltpu.SemaphoreType.DMA,
            pltpu.SemaphoreType.DMA,
            pltpu.SemaphoreType.DMA,
            pltpu.SemaphoreType.DMA,
        ],
    )
    return deg, edge

def _tc1_body(degp_ref, x_ref, w1_ref, dinv_ref, y1_ref):
    dsum = degp_ref[0:1, :N] + degp_ref[1:2, :N] + 1.0
    dinv = jnp.transpose(lax.rsqrt(dsum))
    dinv_ref[...] = dinv
    xw = jnp.dot(x_ref[...], w1_ref[...], preferred_element_type=jnp.float32)
    y1_ref[...] = (xw * dinv).astype(jnp.bfloat16)


def _tc2_body(z_ref, y1_ref, dinv_ref, b1_ref, w2_ref, h1_ref, y2_ref):
    dinv = dinv_ref[...]
    zt = (z_ref[0, :N].astype(jnp.float32) + z_ref[1, :N].astype(jnp.float32)
          + y1_ref[...].astype(jnp.float32))
    h1 = jnp.tanh(zt * dinv + b1_ref[...])
    h1_ref[...] = h1.astype(jnp.bfloat16)
    y2_ref[...] = (jnp.dot(h1, w2_ref[...],
                           preferred_element_type=jnp.float32) *
                   dinv).astype(jnp.bfloat16)


def _tc34_body(z_ref, y2_ref, dinv_ref, b2_ref, batch_ref, x_ref, h1_ref,
               wfc_ref, bfc_ref, out_ref):
    zt = (z_ref[0, :N].astype(jnp.float32) + z_ref[1, :N].astype(jnp.float32)
          + y2_ref[...].astype(jnp.float32))
    h2 = jnp.tanh(zt * dinv_ref[...] + b2_ref[...])
    gids = jax.lax.broadcasted_iota(jnp.int32, (G, N), 0)
    st = (batch_ref[...] == gids).astype(jnp.bfloat16)
    dn = (((1,), (0,)), ((), ()))
    px = jax.lax.dot_general(st, x_ref[...].astype(jnp.bfloat16), dn,
                             preferred_element_type=jnp.float32)
    p1 = jax.lax.dot_general(st, h1_ref[...], dn,
                             preferred_element_type=jnp.float32)
    p2 = jax.lax.dot_general(st, h2.astype(jnp.bfloat16), dn,
                             preferred_element_type=jnp.float32)
    pooled = jnp.concatenate([px, p1, p2], axis=1)
    out_ref[...] = jnp.dot(pooled, wfc_ref[...],
                           preferred_element_type=jnp.float32) + bfc_ref[...]


def kernel(x, edge_index, batch, edge_index_cg, W1, b1, W2, b2, Wfc, bfc):
    _deg_kernel, _edge_kernel = _sc_kernels()
    degp = _deg_kernel(edge_index)

    dinv, y1 = pl.pallas_call(
        _tc1_body,
        out_shape=(jax.ShapeDtypeStruct((N, 1), jnp.float32),
                   jax.ShapeDtypeStruct((N, D), jnp.bfloat16)),
    )(degp, x, W1)

    z1 = _edge_kernel(y1, edge_index)

    h1, y2 = pl.pallas_call(
        _tc2_body,
        out_shape=(jax.ShapeDtypeStruct((N, D), jnp.bfloat16),
                   jax.ShapeDtypeStruct((N, D), jnp.bfloat16)),
    )(z1, y1, dinv, b1, W2)

    z2 = _edge_kernel(y2, edge_index)

    out = pl.pallas_call(
        _tc34_body,
        out_shape=jax.ShapeDtypeStruct((G, D * 3), jnp.float32),
    )(z2, y2, dinv, b2, batch.reshape(1, N), x, h1, Wfc, bfc)
    return out

# --- scband reference (transcript-rebuilt; emitter-appended) ---
"""Pipeline reference for scband-gemini-acfg-49357764166123 (READ-ONLY COPY).

The authoritative reference and input builder live on the scoring server;
editing this copy changes nothing except your own understanding.
"""

import jax, jax.numpy as jnp
import numpy as np

N = 10000
E = 320000
D = 128
G = 512
FC = 384  # 128 (input feats) + 128 + 128


def setup_inputs(seed: int = 0) -> dict:
    key = jax.random.key(seed)
    ks = jax.random.split(key, 12)
    x = jax.random.normal(ks[0], (N, D), dtype=jnp.float32)
    edge_index = jax.random.randint(ks[1], (2, E), 0, N, dtype=jnp.int32)
    batch = jnp.sort(jax.random.randint(ks[2], (N,), 0, G, dtype=jnp.int32))
    edge_index_cg = jax.random.randint(ks[3], (2, 10000), 0, G, dtype=jnp.int32)
    s = 1.0 / np.sqrt(D)
    W1 = jax.random.normal(ks[4], (D, 128), dtype=jnp.float32) * s
    b1 = jnp.zeros((128,), dtype=jnp.float32)
    W2 = jax.random.normal(ks[5], (128, 128), dtype=jnp.float32) * s
    b2 = jnp.zeros((128,), dtype=jnp.float32)
    Wfc = jax.random.normal(ks[6], (FC, FC), dtype=jnp.float32) * (1.0 / np.sqrt(FC))
    bfc = jnp.zeros((FC,), dtype=jnp.float32)
    return {"x": x, "edge_index": edge_index, "batch": batch,
            "edge_index_cg": edge_index_cg, "W1": W1, "b1": b1,
            "W2": W2, "b2": b2, "Wfc": Wfc, "bfc": bfc}


def _gcn_conv(x, edge_index, W, b):
    # PyG GCNConv: add self-loops, symmetric normalization, linear then propagate
    n = x.shape[0]
    loop = jnp.arange(n, dtype=edge_index.dtype)
    src = jnp.concatenate([edge_index[0], loop])
    dst = jnp.concatenate([edge_index[1], loop])
    deg = jax.ops.segment_sum(jnp.ones_like(src, dtype=jnp.float32), dst, num_segments=n)
    dinv = jnp.where(deg > 0, 1.0 / jnp.sqrt(deg), 0.0)
    norm = dinv[src] * dinv[dst]
    xw = x @ W
    msg = jnp.take(xw, src, axis=0) * norm[:, None]
    out = jax.ops.segment_sum(msg, dst, num_segments=n)
    return out + b


def reference(x, edge_index, batch, edge_index_cg, W1, b1, W2, b2, Wfc, bfc):
    outputs = [x]
    h = jnp.tanh(_gcn_conv(x, edge_index, W1, b1))
    outputs.append(h)
    h = jnp.tanh(_gcn_conv(h, edge_index, W2, b2))
    outputs.append(h)
    cat = jnp.concatenate(outputs, axis=-1)
    # dropout p=0.0 -> identity
    pooled = jax.ops.segment_sum(cat, batch, num_segments=G)  # global_add_pool
    out = pooled @ Wfc + bfc
    return out

if __name__ == "__main__":
    import jax
    _d = setup_inputs()
    print(jax.jit(kernel)(*tuple(_d.values())))

</pallas_src>

<mosaic_0001>
#map = affine_map<(d0, d1) -> (0, 0)>
module attributes {stable_mosaic.version = 14 : i64} {
  func.func @_deg_body(%arg0: i32, %arg1: i32, %arg2: memref<2x320000xi32, #tpu.memory_space<hbm>>, %arg3: memref<2x10240xf32, #tpu.memory_space<hbm>>, %arg4: memref<10240xf32, #tpu.memory_space<vmem_shared>>, %arg5: memref<10000xi32, #tpu.memory_space<vmem>>, %arg6: memref<128xf32, #tpu.memory_space<vmem>>, %arg7: memref<640xf32, #tpu.memory_space<vmem>>, %arg8: memref<!tpu.dma_semaphore, #tpu.memory_space<semaphore_mem>>) attributes {dimension_semantics = [#tpu.dimension_semantics<core_parallel>, #tpu.dimension_semantics<subcore_parallel>], iteration_bounds = array<i64: 2, 16>, scalar_prefetch = 0 : i64, scratch_operands = 5 : i64, tpu.core_type = #tpu.core_type<sc_vector_subcore>, window_params = [{transform_indices = #map}, {transform_indices = #map}]} {
    %mul3A = arith.constant 2 : i32
    %mul3A_0 = arith.muli %arg1, %mul3A : i32
    %add3A = arith.addi %mul3A_0, %arg0 : i32
    %broadcast_in_dim3A = arith.constant 1.000000e+00 : f32
    %broadcast_in_dim3A_1 = vector.broadcast %broadcast_in_dim3A : f32 to vector<16xf32>
    %broadcast_in_dim3A_2 = arith.constant 0.000000e+00 : f32
    %broadcast_in_dim3A_3 = vector.broadcast %broadcast_in_dim3A_2 : f32 to vector<16xf32>
    %swap3A = arith.constant 0 : index
    %swap3A_4 = tpu.vector_load %arg6[%swap3A] {strides = array<i32>} : memref<128xf32, #tpu.memory_space<vmem>>, vector<16xf32>,
    %swap3A_5 = vector.shape_cast %swap3A_4 : vector<16xf32> to vector<16xf32>
    %swap3A_6 = vector.shape_cast %broadcast_in_dim3A_1 : vector<16xf32> to vector<16xf32>
    tpu.vector_store %arg6[%swap3A], %swap3A_6 {strides = array<i32>} : memref<128xf32, #tpu.memory_space<vmem>>, vector<16xf32>,
    %swap3A_7 = arith.constant 16 : index
    %swap3A_8 = tpu.vector_load %arg6[%swap3A_7] {strides = array<i32>} : memref<128xf32, #tpu.memory_space<vmem>>, vector<16xf32>,
    %swap3A_9 = vector.shape_cast %swap3A_8 : vector<16xf32> to vector<16xf32>
    %swap3A_10 = vector.shape_cast %broadcast_in_dim3A_1 : vector<16xf32> to vector<16xf32>
    tpu.vector_store %arg6[%swap3A_7], %swap3A_10 {strides = array<i32>} : memref<128xf32, #tpu.memory_space<vmem>>, vector<16xf32>,
    %swap3A_11 = arith.constant 32 : index
    %swap3A_12 = tpu.vector_load %arg6[%swap3A_11] {strides = array<i32>} : memref<128xf32, #tpu.memory_space<vmem>>, vector<16xf32>,
    %swap3A_13 = vector.shape_cast %swap3A_12 : vector<16xf32> to vector<16xf32>
    %swap3A_14 = vector.shape_cast %broadcast_in_dim3A_1 : vector<16xf32> to vector<16xf32>
    tpu.vector_store %arg6[%swap3A_11], %swap3A_14 {strides = array<i32>} : memref<128xf32, #tpu.memory_space<vmem>>, vector<16xf32>,
    %swap3A_15 = arith.constant 48 : index
    %swap3A_16 = tpu.vector_load %arg6[%swap3A_15] {strides = array<i32>} : memref<128xf32, #tpu.memory_space<vmem>>, vector<16xf32>,
    %swap3A_17 = vector.shape_cast %swap3A_16 : vector<16xf32> to vector<16xf32>
    %swap3A_18 = vector.shape_cast %broadcast_in_dim3A_1 : vector<16xf32> to vector<16xf32>
    tpu.vector_store %arg6[%swap3A_15], %swap3A_18 {strides = array<i32>} : memref<128xf32, #tpu.memory_space<vmem>>, vector<16xf32>,
    %swap3A_19 = arith.constant 64 : index
    %swap3A_20 = tpu.vector_load %arg6[%swap3A_19] {strides = array<i32>} : memref<128xf32, #tpu.memory_space<vmem>>, vector<16xf32>,
    %swap3A_21 = vector.shape_cast %swap3A_20 : vector<16xf32> to vector<16xf32>
    %swap3A_22 = vector.shape_cast %broadcast_in_dim3A_1 : vector<16xf32> to vector<16xf32>
    tpu.vector_store %arg6[%swap3A_19], %swap3A_22 {strides = array<i32>} : memref<128xf32, #tpu.memory_space<vmem>>, vector<16xf32>,
    %swap3A_23 = arith.constant 80 : index
    %swap3A_24 = tpu.vector_load %arg6[%swap3A_23] {strides = array<i32>} : memref<128xf32, #tpu.memory_space<vmem>>, vector<16xf32>,
    %swap3A_25 = vector.shape_cast %swap3A_24 : vector<16xf32> to vector<16xf32>
    %swap3A_26 = vector.shape_cast %broadcast_in_dim3A_1 : vector<16xf32> to vector<16xf32>
    tpu.vector_store %arg6[%swap3A_23], %swap3A_26 {strides = array<i32>} : memref<128xf32, #tpu.memory_space<vmem>>, vector<16xf32>,
    %swap3A_27 = arith.constant 96 : index
    %swap3A_28 = tpu.vector_load %arg6[%swap3A_27] {strides = array<i32>} : memref<128xf32, #tpu.memory_space<vmem>>, vector<16xf32>,
    %swap3A_29 = vector.shape_cast %swap3A_28 : vector<16xf32> to vector<16xf32>
    %swap3A_30 = vector.shape_cast %broadcast_in_dim3A_1 : vector<16xf32> to vector<16xf32>
    tpu.vector_store %arg6[%swap3A_27], %swap3A_30 {strides = array<i32>} : memref<128xf32, #tpu.memory_space<vmem>>, vector<16xf32>,
    %swap3A_31 = arith.constant 112 : index
    %swap3A_32 = tpu.vector_load %arg6[%swap3A_31] {strides = array<i32>} : memref<128xf32, #tpu.memory_space<vmem>>, vector<16xf32>,
    %swap3A_33 = vector.shape_cast %swap3A_32 : vector<16xf32> to vector<16xf32>
    %swap3A_34 = vector.shape_cast %broadcast_in_dim3A_1 : vector<16xf32> to vector<16xf32>
    tpu.vector_store %arg6[%swap3A_31], %swap3A_34 {strides = array<i32>} : memref<128xf32, #tpu.memory_space<vmem>>, vector<16xf32>,
    %scan3A = arith.constant 0 : i32
    %scan3A_35 = arith.constant 0 : i32
    %scan3A_36 = arith.constant 40 : i32
    %scan3A_37 = arith.addi %scan3A_35, %scan3A_36 : i32
    %scan3A_38 = arith.constant 1 : i32
    scf.for %scan3A_61 = %scan3A_35 to %scan3A_37 step %scan3A_38  : i32 {
      %mul3A_62 = arith.constant 16 : i32
      %mul3A_63 = arith.muli %scan3A_61, %mul3A_62 : i32
      %swap3A_64 = arith.index_cast %mul3A_63 : i32 to index
      %swap3A_65 = tpu.vector_load %arg7[%swap3A_64] {strides = array<i32>} : memref<640xf32, #tpu.memory_space<vmem>>, vector<16xf32>,
      %swap3A_66 = vector.shape_cast %swap3A_65 : vector<16xf32> to vector<16xf32>
      %swap3A_67 = vector.shape_cast %broadcast_in_dim3A_3 : vector<16xf32> to vector<16xf32>
      tpu.vector_store %arg7[%swap3A_64], %swap3A_67 {strides = array<i32>} : memref<640xf32, #tpu.memory_space<vmem>>, vector<16xf32>,
    }
    %scan3A_39 = arith.constant 40 : i32
    %mul3A_40 = arith.constant 640 : i32
    %mul3A_41 = arith.muli %arg1, %mul3A_40 : i32
    "tpu.region"() ({
      %run_scoped3A_61 = tpu.sem_alloc : memref<!tpu.dma_semaphore, #tpu.memory_space<semaphore_mem>>
      %dma_start3A = tpu.memref_slice %arg4[%mul3A_41] : memref<10240xf32, #tpu.memory_space<vmem_shared>> -> memref<640xf32, #tpu.memory_space<vmem_shared>>
      %dma_start3A_62 = tpu.memref_slice %arg4[%mul3A_41] : memref<10240xf32, #tpu.memory_space<vmem_shared>> -> memref<640xf32, #tpu.memory_space<vmem_shared>>
      tpu.enqueue_dma source(%arg7 : memref<640xf32, #tpu.memory_space<vmem>>) target(%dma_start3A_62 : memref<640xf32, #tpu.memory_space<vmem_shared>>) target_semaphore(%run_scoped3A_61 : memref<!tpu.dma_semaphore, #tpu.memory_space<semaphore_mem>>)
      %dma_wait3A = tpu.memref_slice %arg4[%mul3A_41] : memref<10240xf32, #tpu.memory_space<vmem_shared>> -> memref<640xf32, #tpu.memory_space<vmem_shared>>
      %dma_wait3A_63 = tpu.memref_slice %arg4[%mul3A_41] : memref<10240xf32, #tpu.memory_space<vmem_shared>> -> memref<640xf32, #tpu.memory_space<vmem_shared>>
      tpu.wait_dma2 semaphore(%run_scoped3A_61 : memref<!tpu.dma_semaphore, #tpu.memory_space<semaphore_mem>>) src(%arg7 : memref<640xf32, #tpu.memory_space<vmem>>) dst(%dma_wait3A_63 : memref<640xf32, #tpu.memory_space<vmem_shared>>)
      tpu.yield
    }) : () -> ()
    %barrier3A = arith.constant 0 : index
    tpu.barrier barrier_id(%barrier3A)
    %mul3A_42 = arith.constant 10000 : i32
    %mul3A_43 = arith.muli %add3A, %mul3A_42 : i32
    %run_scoped3A = arith.constant 1 : i32
    "tpu.region"() ({
      %run_scoped3A_61 = tpu.sem_alloc : memref<!tpu.dma_semaphore, #tpu.memory_space<semaphore_mem>>
      %dma_start3A = arith.constant 0 : i32
      %dma_start3A_62 = tpu.memref_slice %arg2[%run_scoped3A, %dma_start3A] : memref<2x320000xi32, #tpu.memory_space<hbm>> -> memref<1x320000xi32, #tpu.memory_space<hbm>>
      %dma_start3A_63 = tpu.memref_squeeze %dma_start3A_62 : memref<1x320000xi32, #tpu.memory_space<hbm>> -> memref<320000xi32, #tpu.memory_space<hbm>>
      %dma_start3A_64 = tpu.memref_slice %dma_start3A_63[%mul3A_43] : memref<320000xi32, #tpu.memory_space<hbm>> -> memref<10000xi32, #tpu.memory_space<hbm>>
      %dma_start3A_65 = arith.constant 0 : i32
      %dma_start3A_66 = tpu.memref_slice %arg2[%run_scoped3A, %dma_start3A_65] : memref<2x320000xi32, #tpu.memory_space<hbm>> -> memref<1x320000xi32, #tpu.memory_space<hbm>>
      %dma_start3A_67 = tpu.memref_squeeze %dma_start3A_66 : memref<1x320000xi32, #tpu.memory_space<hbm>> -> memref<320000xi32, #tpu.memory_space<hbm>>
      %dma_start3A_68 = tpu.memref_slice %dma_start3A_67[%mul3A_43] : memref<320000xi32, #tpu.memory_space<hbm>> -> memref<10000xi32, #tpu.memory_space<hbm>>
      tpu.enqueue_dma source(%dma_start3A_68 : memref<10000xi32, #tpu.memory_space<hbm>>) target(%arg5 : memref<10000xi32, #tpu.memory_space<vmem>>) target_semaphore(%run_scoped3A_61 : memref<!tpu.dma_semaphore, #tpu.memory_space<semaphore_mem>>)
      %dma_wait3A = arith.constant 0 : i32
      %dma_wait3A_69 = tpu.memref_slice %arg2[%run_scoped3A, %dma_wait3A] : memref<2x320000xi32, #tpu.memory_space<hbm>> -> memref<1x320000xi32, #tpu.memory_space<hbm>>
      %dma_wait3A_70 = tpu.memref_squeeze %dma_wait3A_69 : memref<1x320000xi32, #tpu.memory_space<hbm>> -> memref<320000xi32, #tpu.memory_space<hbm>>
      %dma_wait3A_71 = tpu.memref_slice %dma_wait3A_70[%mul3A_43] : memref<320000xi32, #tpu.memory_space<hbm>> -> memref<10000xi32, #tpu.memory_space<hbm>>
      %dma_wait3A_72 = arith.constant 0 : i32
      %dma_wait3A_73 = tpu.memref_slice %arg2[%run_scoped3A, %dma_wait3A_72] : memref<2x320000xi32, #tpu.memory_space<hbm>> -> memref<1x320000xi32, #tpu.memory_space<hbm>>
      %dma_wait3A_74 = tpu.memref_squeeze %dma_wait3A_73 : memref<1x320000xi32, #tpu.memory_space<hbm>> -> memref<320000xi32, #tpu.memory_space<hbm>>
      %dma_wait3A_75 = tpu.memref_slice %dma_wait3A_74[%mul3A_43] : memref<320000xi32, #tpu.memory_space<hbm>> -> memref<10000xi32, #tpu.memory_space<hbm>>
      tpu.wait_dma2 semaphore(%run_scoped3A_61 : memref<!tpu.dma_semaphore, #tpu.memory_space<semaphore_mem>>) src(%dma_wait3A_75 : memref<10000xi32, #tpu.memory_space<hbm>>) dst(%arg5 : memref<10000xi32, #tpu.memory_space<vmem>>)
      tpu.yield
    }) : () -> ()
    %scan3A_44 = arith.constant 0 : i32
    %scan3A_45 = arith.constant 0 : i32
    %scan3A_46 = arith.constant 125 : i32
    %scan3A_47 = arith.addi %scan3A_45, %scan3A_46 : i32
    %scan3A_48 = arith.constant 1 : i32
    scf.for %scan3A_61 = %scan3A_45 to %scan3A_47 step %scan3A_48  : i32 {
      %mul3A_62 = arith.constant 80 : i32
      %mul3A_63 = arith.muli %scan3A_61, %mul3A_62 : i32
      %dma_start3A = arith.constant 0 : i32
      %dma_start3A_64 = tpu.memref_slice %arg6[%dma_start3A] : memref<128xf32, #tpu.memory_space<vmem>> -> memref<80xf32, #tpu.memory_space<vmem>>
      %dma_start3A_65 = tpu.memref_slice %arg5[%mul3A_63] : memref<10000xi32, #tpu.memory_space<vmem>> -> memref<80xi32, #tpu.memory_space<vmem>>
      %dma_start3A_66 = arith.constant 0 : i32
      %dma_start3A_67 = tpu.memref_slice %arg4[%dma_start3A_66] : memref<10240xf32, #tpu.memory_space<vmem_shared>> -> memref<10240xf32, #tpu.memory_space<vmem_shared>>
      tpu.enqueue_indirect_dma source(%dma_start3A_64 : memref<80xf32, #tpu.memory_space<vmem>>) target(%dma_start3A_67 : memref<10240xf32, #tpu.memory_space<vmem_shared>>) offsets(%dma_start3A_65 : memref<80xi32, #tpu.memory_space<vmem>>) semaphore(%arg8 : memref<!tpu.dma_semaphore, #tpu.memory_space<semaphore_mem>>) {add = true}
    }
    %scan3A_49 = arith.constant 125 : i32
    %scan3A_50 = arith.constant 0 : i32
    %scan3A_51 = arith.constant 0 : i32
    %scan3A_52 = arith.constant 125 : i32
    %scan3A_53 = arith.addi %scan3A_51, %scan3A_52 : i32
    %scan3A_54 = arith.constant 1 : i32
    scf.for %scan3A_61 = %scan3A_51 to %scan3A_53 step %scan3A_54  : i32 {
      %mul3A_62 = arith.constant 80 : i32
      %mul3A_63 = arith.muli %scan3A_61, %mul3A_62 : i32
      %dma_wait3A = arith.constant 0 : i32
      %dma_wait3A_64 = tpu.memref_slice %arg6[%dma_wait3A] : memref<128xf32, #tpu.memory_space<vmem>> -> memref<80xf32, #tpu.memory_space<vmem>>
      %dma_wait3A_65 = tpu.memref_slice %arg5[%mul3A_63] : memref<10000xi32, #tpu.memory_space<vmem>> -> memref<80xi32, #tpu.memory_space<vmem>>
      %dma_wait3A_66 = arith.constant 0 : i32
      %dma_wait3A_67 = tpu.memref_slice %arg4[%dma_wait3A_66] : memref<10240xf32, #tpu.memory_space<vmem_shared>> -> memref<10240xf32, #tpu.memory_space<vmem_shared>>
      tpu.wait_indirect_dma semaphore(%arg8 : memref<!tpu.dma_semaphore, #tpu.memory_space<semaphore_mem>>) src(%dma_wait3A_64 : memref<80xf32, #tpu.memory_space<vmem>>) dst(%dma_wait3A_67 : memref<10240xf32, #tpu.memory_space<vmem_shared>>)
    }
    %scan3A_55 = arith.constant 125 : i32
    %barrier3A_56 = arith.constant 0 : index
    tpu.barrier barrier_id(%barrier3A_56)
    %mul3A_57 = arith.constant 640 : i32
    %mul3A_58 = arith.muli %arg1, %mul3A_57 : i32
    %mul3A_59 = arith.constant 640 : i32
    %mul3A_60 = arith.muli %arg1, %mul3A_59 : i32
    "tpu.region"() ({
      %run_scoped3A_61 = tpu.sem_alloc : memref<!tpu.dma_semaphore, #tpu.memory_space<semaphore_mem>>
      %dma_start3A = arith.constant 0 : i32
      %dma_start3A_62 = tpu.memref_slice %arg3[%arg0, %dma_start3A] : memref<2x10240xf32, #tpu.memory_space<hbm>> -> memref<1x10240xf32, #tpu.memory_space<hbm>>
      %dma_start3A_63 = tpu.memref_squeeze %dma_start3A_62 : memref<1x10240xf32, #tpu.memory_space<hbm>> -> memref<10240xf32, #tpu.memory_space<hbm>>
      %dma_start3A_64 = tpu.memref_slice %dma_start3A_63[%mul3A_60] : memref<10240xf32, #tpu.memory_space<hbm>> -> memref<640xf32, #tpu.memory_space<hbm>>
      %dma_start3A_65 = tpu.memref_slice %arg4[%mul3A_58] : memref<10240xf32, #tpu.memory_space<vmem_shared>> -> memref<640xf32, #tpu.memory_space<vmem_shared>>
      tpu.enqueue_dma source(%dma_start3A_65 : memref<640xf32, #tpu.memory_space<vmem_shared>>) target(%dma_start3A_64 : memref<640xf32, #tpu.memory_space<hbm>>) target_semaphore(%run_scoped3A_61 : memref<!tpu.dma_semaphore, #tpu.memory_space<semaphore_mem>>)
      %dma_wait3A = arith.constant 0 : i32
      %dma_wait3A_66 = tpu.memref_slice %arg3[%arg0, %dma_wait3A] : memref<2x10240xf32, #tpu.memory_space<hbm>> -> memref<1x10240xf32, #tpu.memory_space<hbm>>
      %dma_wait3A_67 = tpu.memref_squeeze %dma_wait3A_66 : memref<1x10240xf32, #tpu.memory_space<hbm>> -> memref<10240xf32, #tpu.memory_space<hbm>>
      %dma_wait3A_68 = tpu.memref_slice %dma_wait3A_67[%mul3A_60] : memref<10240xf32, #tpu.memory_space<hbm>> -> memref<640xf32, #tpu.memory_space<hbm>>
      %dma_wait3A_69 = tpu.memref_slice %arg4[%mul3A_58] : memref<10240xf32, #tpu.memory_space<vmem_shared>> -> memref<640xf32, #tpu.memory_space<vmem_shared>>
      tpu.wait_dma2 semaphore(%run_scoped3A_61 : memref<!tpu.dma_semaphore, #tpu.memory_space<semaphore_mem>>) src(%dma_wait3A_69 : memref<640xf32, #tpu.memory_space<vmem_shared>>) dst(%dma_wait3A_68 : memref<640xf32, #tpu.memory_space<hbm>>)
      tpu.yield
    }) : () -> ()
    return
  }
}

#map = affine_map<(d0, d1) -> (0, 0)>
#map1 = affine_map<(d0, d1) -> (0, 0, 0)>
module attributes {stable_mosaic.version = 14 : i64} {
  func.func @_edge_body(%arg0: i32, %arg1: i32, %arg2: memref<10000x128xbf16, #tpu.memory_space<hbm>>, %arg3: memref<2x320000xi32, #tpu.memory_space<hbm>>, %arg4: memref<2x10240x128xbf16, #tpu.memory_space<hbm>>, %arg5: memref<10240x128xbf16, #tpu.memory_space<vmem_shared>>, %arg6: memref<10000xi32, #tpu.memory_space<vmem>>, %arg7: memref<10000xi32, #tpu.memory_space<vmem>>, %arg8: memref<5x80x128xbf16, #tpu.memory_space<vmem>>, %arg9: memref<!tpu.dma_semaphore, #tpu.memory_space<semaphore_mem>>, %arg10: memref<!tpu.dma_semaphore, #tpu.memory_space<semaphore_mem>>, %arg11: memref<!tpu.dma_semaphore, #tpu.memory_space<semaphore_mem>>, %arg12: memref<!tpu.dma_semaphore, #tpu.memory_space<semaphore_mem>>, %arg13: memref<!tpu.dma_semaphore, #tpu.memory_space<semaphore_mem>>) attributes {dimension_semantics = [#tpu.dimension_semantics<core_parallel>, #tpu.dimension_semantics<subcore_parallel>], iteration_bounds = array<i64: 2, 16>, scalar_prefetch = 0 : i64, scratch_operands = 9 : i64, tpu.core_type = #tpu.core_type<sc_vector_subcore>, window_params = [{transform_indices = #map}, {transform_indices = #map}, {transform_indices = #map1}]} {
    %mul3A = arith.constant 2 : i32
    %mul3A_0 = arith.muli %arg1, %mul3A : i32
    %add3A = arith.addi %mul3A_0, %arg0 : i32
    %broadcast_in_dim3A = arith.constant 0.000000e+00 : bf16
    %broadcast_in_dim3A_1 = vector.broadcast %broadcast_in_dim3A : bf16 to vector<32xbf16>
    %scan3A = arith.constant 0 : i32
    %scan3A_2 = arith.constant 0 : i32
    %scan3A_3 = arith.constant 320 : i32
    %scan3A_4 = arith.addi %scan3A_2, %scan3A_3 : i32
    %scan3A_5 = arith.constant 1 : i32
    scf.for %scan3A_102 = %scan3A_2 to %scan3A_4 step %scan3A_5  : i32 {
      %jit3A = arith.constant 4 : i32
      %div3A = arith.divsi %scan3A_102, %jit3A : i32
      %sign3A = arith.constant 0 : i32
      %sign3A_103 = arith.cmpi sgt, %scan3A_102, %sign3A : i32
      %sign3A_104 = arith.extui %sign3A_103 : i1 to i32
      %sign3A_105 = arith.constant 0 : i32
      %sign3A_106 = arith.cmpi slt, %scan3A_102, %sign3A_105 : i32
      %sign3A_107 = arith.extui %sign3A_106 : i1 to i32
      %sign3A_108 = arith.subi %sign3A_104, %sign3A_107 : i32
      %sign3A_109 = arith.constant 0 : i32
      %sign3A_110 = arith.cmpi sgt, %jit3A, %sign3A_109 : i32
      %sign3A_111 = arith.extui %sign3A_110 : i1 to i32
      %sign3A_112 = arith.constant 0 : i32
      %sign3A_113 = arith.cmpi slt, %jit3A, %sign3A_112 : i32
      %sign3A_114 = arith.extui %sign3A_113 : i1 to i32
      %sign3A_115 = arith.subi %sign3A_111, %sign3A_114 : i32
      %ne3A = arith.cmpi ne, %sign3A_108, %sign3A_115 : i32
      %rem3A = arith.remsi %scan3A_102, %jit3A : i32
      %ne3A_116 = arith.constant 0 : i32
      %ne3A_117 = arith.cmpi ne, %rem3A, %ne3A_116 : i32
      %and3A = arith.andi %ne3A, %ne3A_117 : i1
      %sub3A = arith.constant 1 : i32
      %sub3A_118 = arith.subi %div3A, %sub3A : i32
      %select_n3A = arith.select %and3A, %sub3A_118, %div3A : i32
      %jit3A_119 = arith.constant 4 : i32
      %eq3A = arith.constant 0 : i32
      %eq3A_120 = arith.cmpi eq, %jit3A_119, %eq3A : i32
      %jit3A_121 = arith.constant 1 : i32
      %select_n3A_122 = arith.select %eq3A_120, %jit3A_121, %jit3A_119 : i32
      %rem3A_123 = arith.remsi %scan3A_102, %select_n3A_122 : i32
      %ne3A_124 = arith.constant 0 : i32
      %ne3A_125 = arith.cmpi ne, %rem3A_123, %ne3A_124 : i32
      %lt3A = arith.constant 0 : i32
      %lt3A_126 = arith.cmpi slt, %rem3A_123, %lt3A : i32
      %lt3A_127 = arith.constant 0 : i32
      %lt3A_128 = arith.cmpi slt, %select_n3A_122, %lt3A_127 : i32
      %ne3A_129 = arith.xori %lt3A_126, %lt3A_128 : i1
      %and3A_130 = arith.andi %ne3A_129, %ne3A_125 : i1
      %add3A_131 = arith.addi %rem3A_123, %select_n3A_122 : i32
      %select_n3A_132 = arith.select %and3A_130, %add3A_131, %rem3A_123 : i32
      %mul3A_133 = arith.constant 32 : i32
      %mul3A_134 = arith.muli %select_n3A_132, %mul3A_133 : i32
      %swap3A = arith.constant 0 : i32
      %swap3A_135 = arith.index_cast %swap3A : i32 to index
      %swap3A_136 = arith.index_cast %select_n3A : i32 to index
      %swap3A_137 = arith.index_cast %mul3A_134 : i32 to index
      %swap3A_138 = tpu.vector_load %arg8[%swap3A_135, %swap3A_136, %swap3A_137] {strides = array<i32>} : memref<5x80x128xbf16, #tpu.memory_space<vmem>>, vector<1x1x32xbf16>,
      %swap3A_139 = vector.shape_cast %swap3A_138 : vector<1x1x32xbf16> to vector<32xbf16>
      %swap3A_140 = vector.shape_cast %broadcast_in_dim3A_1 : vector<32xbf16> to vector<1x1x32xbf16>
      tpu.vector_store %arg8[%swap3A_135, %swap3A_136, %swap3A_137], %swap3A_140 {strides = array<i32>} : memref<5x80x128xbf16, #tpu.memory_space<vmem>>, vector<1x1x32xbf16>,
    }
    %scan3A_6 = arith.constant 320 : i32
    %mul3A_7 = arith.constant 640 : i32
    %mul3A_8 = arith.muli %arg1, %mul3A_7 : i32
    %add3A_9 = arith.constant 0 : i32
    %add3A_10 = arith.addi %mul3A_8, %add3A_9 : i32
    %run_scoped3A = arith.constant 0 : i32
    "tpu.region"() ({
      %run_scoped3A_102 = tpu.sem_alloc : memref<!tpu.dma_semaphore, #tpu.memory_space<semaphore_mem>>
      %dma_start3A_103 = arith.constant 0 : i32
      %dma_start3A_104 = arith.constant 0 : i32
      %dma_start3A_105 = tpu.memref_slice %arg8[%run_scoped3A, %dma_start3A_103, %dma_start3A_104] : memref<5x80x128xbf16, #tpu.memory_space<vmem>> -> memref<1x80x128xbf16, #tpu.memory_space<vmem>>
      %dma_start3A_106 = tpu.memref_squeeze %dma_start3A_105 : memref<1x80x128xbf16, #tpu.memory_space<vmem>> -> memref<80x128xbf16, #tpu.memory_space<vmem>>
      %dma_start3A_107 = arith.constant 0 : i32
      %dma_start3A_108 = arith.constant 0 : i32
      %dma_start3A_109 = tpu.memref_slice %dma_start3A_106[%dma_start3A_107, %dma_start3A_108] : memref<80x128xbf16, #tpu.memory_space<vmem>> -> memref<80x128xbf16, #tpu.memory_space<vmem>>
      %dma_start3A_110 = arith.constant 0 : i32
      %dma_start3A_111 = tpu.memref_slice %arg5[%add3A_10, %dma_start3A_110] : memref<10240x128xbf16, #tpu.memory_space<vmem_shared>> -> memref<80x128xbf16, #tpu.memory_space<vmem_shared>>
      %dma_start3A_112 = arith.constant 0 : i32
      %dma_start3A_113 = tpu.memref_slice %arg5[%add3A_10, %dma_start3A_112] : memref<10240x128xbf16, #tpu.memory_space<vmem_shared>> -> memref<80x128xbf16, #tpu.memory_space<vmem_shared>>
      %dma_start3A_114 = arith.constant 0 : i32
      %dma_start3A_115 = arith.constant 0 : i32
      %dma_start3A_116 = tpu.memref_slice %arg8[%run_scoped3A, %dma_start3A_114, %dma_start3A_115] : memref<5x80x128xbf16, #tpu.memory_space<vmem>> -> memref<1x80x128xbf16, #tpu.memory_space<vmem>>
      %dma_start3A_117 = tpu.memref_squeeze %dma_start3A_116 : memref<1x80x128xbf16, #tpu.memory_space<vmem>> -> memref<80x128xbf16, #tpu.memory_space<vmem>>
      %dma_start3A_118 = arith.constant 0 : i32
      %dma_start3A_119 = arith.constant 0 : i32
      %dma_start3A_120 = tpu.memref_slice %dma_start3A_117[%dma_start3A_118, %dma_start3A_119] : memref<80x128xbf16, #tpu.memory_space<vmem>> -> memref<80x128xbf16, #tpu.memory_space<vmem>>
      tpu.enqueue_dma source(%dma_start3A_120 : memref<80x128xbf16, #tpu.memory_space<vmem>>) target(%dma_start3A_113 : memref<80x128xbf16, #tpu.memory_space<vmem_shared>>) target_semaphore(%run_scoped3A_102 : memref<!tpu.dma_semaphore, #tpu.memory_space<semaphore_mem>>)
      %dma_wait3A = arith.constant 0 : i32
      %dma_wait3A_121 = arith.constant 0 : i32
      %dma_wait3A_122 = tpu.memref_slice %arg8[%run_scoped3A, %dma_wait3A, %dma_wait3A_121] : memref<5x80x128xbf16, #tpu.memory_space<vmem>> -> memref<1x80x128xbf16, #tpu.memory_space<vmem>>
      %dma_wait3A_123 = tpu.memref_squeeze %dma_wait3A_122 : memref<1x80x128xbf16, #tpu.memory_space<vmem>> -> memref<80x128xbf16, #tpu.memory_space<vmem>>
      %dma_wait3A_124 = arith.constant 0 : i32
      %dma_wait3A_125 = arith.constant 0 : i32
      %dma_wait3A_126 = tpu.memref_slice %dma_wait3A_123[%dma_wait3A_124, %dma_wait3A_125] : memref<80x128xbf16, #tpu.memory_space<vmem>> -> memref<80x128xbf16, #tpu.memory_space<vmem>>
      %dma_wait3A_127 = arith.constant 0 : i32
      %dma_wait3A_128 = tpu.memref_slice %arg5[%add3A_10, %dma_wait3A_127] : memref<10240x128xbf16, #tpu.memory_space<vmem_shared>> -> memref<80x128xbf16, #tpu.memory_space<vmem_shared>>
      %dma_wait3A_129 = arith.constant 0 : i32
      %dma_wait3A_130 = tpu.memref_slice %arg5[%add3A_10, %dma_wait3A_129] : memref<10240x128xbf16, #tpu.memory_space<vmem_shared>> -> memref<80x128xbf16, #tpu.memory_space<vmem_shared>>
      %dma_wait3A_131 = arith.constant 0 : i32
      %dma_wait3A_132 = arith.constant 0 : i32
      %dma_wait3A_133 = tpu.memref_slice %arg8[%run_scoped3A, %dma_wait3A_131, %dma_wait3A_132] : memref<5x80x128xbf16, #tpu.memory_space<vmem>> -> memref<1x80x128xbf16, #tpu.memory_space<vmem>>
      %dma_wait3A_134 = tpu.memref_squeeze %dma_wait3A_133 : memref<1x80x128xbf16, #tpu.memory_space<vmem>> -> memref<80x128xbf16, #tpu.memory_space<vmem>>
      %dma_wait3A_135 = arith.constant 0 : i32
      %dma_wait3A_136 = arith.constant 0 : i32
      %dma_wait3A_137 = tpu.memref_slice %dma_wait3A_134[%dma_wait3A_135, %dma_wait3A_136] : memref<80x128xbf16, #tpu.memory_space<vmem>> -> memref<80x128xbf16, #tpu.memory_space<vmem>>
      tpu.wait_dma2 semaphore(%run_scoped3A_102 : memref<!tpu.dma_semaphore, #tpu.memory_space<semaphore_mem>>) src(%dma_wait3A_137 : memref<80x128xbf16, #tpu.memory_space<vmem>>) dst(%dma_wait3A_130 : memref<80x128xbf16, #tpu.memory_space<vmem_shared>>)
      tpu.yield
    }) : () -> ()
    %mul3A_11 = arith.constant 640 : i32
    %mul3A_12 = arith.muli %arg1, %mul3A_11 : i32
    %add3A_13 = arith.constant 80 : i32
    %add3A_14 = arith.addi %mul3A_12, %add3A_13 : i32
    %run_scoped3A_15 = arith.constant 0 : i32
    "tpu.region"() ({
      %run_scoped3A_102 = tpu.sem_alloc : memref<!tpu.dma_semaphore, #tpu.memory_space<semaphore_mem>>
      %dma_start3A_103 = arith.constant 0 : i32
      %dma_start3A_104 = arith.constant 0 : i32
      %dma_start3A_105 = tpu.memref_slice %arg8[%run_scoped3A_15, %dma_start3A_103, %dma_start3A_104] : memref<5x80x128xbf16, #tpu.memory_space<vmem>> -> memref<1x80x128xbf16, #tpu.memory_space<vmem>>
      %dma_start3A_106 = tpu.memref_squeeze %dma_start3A_105 : memref<1x80x128xbf16, #tpu.memory_space<vmem>> -> memref<80x128xbf16, #tpu.memory_space<vmem>>
      %dma_start3A_107 = arith.constant 0 : i32
      %dma_start3A_108 = arith.constant 0 : i32
      %dma_start3A_109 = tpu.memref_slice %dma_start3A_106[%dma_start3A_107, %dma_start3A_108] : memref<80x128xbf16, #tpu.memory_space<vmem>> -> memref<80x128xbf16, #tpu.memory_space<vmem>>
      %dma_start3A_110 = arith.constant 0 : i32
      %dma_start3A_111 = tpu.memref_slice %arg5[%add3A_14, %dma_start3A_110] : memref<10240x128xbf16, #tpu.memory_space<vmem_shared>> -> memref<80x128xbf16, #tpu.memory_space<vmem_shared>>
      %dma_start3A_112 = arith.constant 0 : i32
      %dma_start3A_113 = tpu.memref_slice %arg5[%add3A_14, %dma_start3A_112] : memref<10240x128xbf16, #tpu.memory_space<vmem_shared>> -> memref<80x128xbf16, #tpu.memory_space<vmem_shared>>
      %dma_start3A_114 = arith.constant 0 : i32
      %dma_start3A_115 = arith.constant 0 : i32
      %dma_start3A_116 = tpu.memref_slice %arg8[%run_scoped3A_15, %dma_start3A_114, %dma_start3A_115] : memref<5x80x128xbf16, #tpu.memory_space<vmem>> -> memref<1x80x128xbf16, #tpu.memory_space<vmem>>
      %dma_start3A_117 = tpu.memref_squeeze %dma_start3A_116 : memref<1x80x128xbf16, #tpu.memory_space<vmem>> -> memref<80x128xbf16, #tpu.memory_space<vmem>>
      %dma_start3A_118 = arith.constant 0 : i32
      %dma_start3A_119 = arith.constant 0 : i32
      %dma_start3A_120 = tpu.memref_slice %dma_start3A_117[%dma_start3A_118, %dma_start3A_119] : memref<80x128xbf16, #tpu.memory_space<vmem>> -> memref<80x128xbf16, #tpu.memory_space<vmem>>
      tpu.enqueue_dma source(%dma_start3A_120 : memref<80x128xbf16, #tpu.memory_space<vmem>>) target(%dma_start3A_113 : memref<80x128xbf16, #tpu.memory_space<vmem_shared>>) target_semaphore(%run_scoped3A_102 : memref<!tpu.dma_semaphore, #tpu.memory_space<semaphore_mem>>)
      %dma_wait3A = arith.constant 0 : i32
      %dma_wait3A_121 = arith.constant 0 : i32
      %dma_wait3A_122 = tpu.memref_slice %arg8[%run_scoped3A_15, %dma_wait3A, %dma_wait3A_121] : memref<5x80x128xbf16, #tpu.memory_space<vmem>> -> memref<1x80x128xbf16, #tpu.memory_space<vmem>>
      %dma_wait3A_123 = tpu.memref_squeeze %dma_wait3A_122 : memref<1x80x128xbf16, #tpu.memory_space<vmem>> -> memref<80x128xbf16, #tpu.memory_space<vmem>>
      %dma_wait3A_124 = arith.constant 0 : i32
      %dma_wait3A_125 = arith.constant 0 : i32
      %dma_wait3A_126 = tpu.memref_slice %dma_wait3A_123[%dma_wait3A_124, %dma_wait3A_125] : memref<80x128xbf16, #tpu.memory_space<vmem>> -> memref<80x128xbf16, #tpu.memory_space<vmem>>
      %dma_wait3A_127 = arith.constant 0 : i32
      %dma_wait3A_128 = tpu.memref_slice %arg5[%add3A_14, %dma_wait3A_127] : memref<10240x128xbf16, #tpu.memory_space<vmem_shared>> -> memref<80x128xbf16, #tpu.memory_space<vmem_shared>>
      %dma_wait3A_129 = arith.constant 0 : i32
      %dma_wait3A_130 = tpu.memref_slice %arg5[%add3A_14, %dma_wait3A_129] : memref<10240x128xbf16, #tpu.memory_space<vmem_shared>> -> memref<80x128xbf16, #tpu.memory_space<vmem_shared>>
      %dma_wait3A_131 = arith.constant 0 : i32
      %dma_wait3A_132 = arith.constant 0 : i32
      %dma_wait3A_133 = tpu.memref_slice %arg8[%run_scoped3A_15, %dma_wait3A_131, %dma_wait3A_132] : memref<5x80x128xbf16, #tpu.memory_space<vmem>> -> memref<1x80x128xbf16, #tpu.memory_space<vmem>>
      %dma_wait3A_134 = tpu.memref_squeeze %dma_wait3A_133 : memref<1x80x128xbf16, #tpu.memory_space<vmem>> -> memref<80x128xbf16, #tpu.memory_space<vmem>>
      %dma_wait3A_135 = arith.constant 0 : i32
      %dma_wait3A_136 = arith.constant 0 : i32
      %dma_wait3A_137 = tpu.memref_slice %dma_wait3A_134[%dma_wait3A_135, %dma_wait3A_136] : memref<80x128xbf16, #tpu.memory_space<vmem>> -> memref<80x128xbf16, #tpu.memory_space<vmem>>
      tpu.wait_dma2 semaphore(%run_scoped3A_102 : memref<!tpu.dma_semaphore, #tpu.memory_space<semaphore_mem>>) src(%dma_wait3A_137 : memref<80x128xbf16, #tpu.memory_space<vmem>>) dst(%dma_wait3A_130 : memref<80x128xbf16, #tpu.memory_space<vmem_shared>>)
      tpu.yield
    }) : () -> ()
    %mul3A_16 = arith.constant 640 : i32
    %mul3A_17 = arith.muli %arg1, %mul3A_16 : i32
    %add3A_18 = arith.constant 160 : i32
    %add3A_19 = arith.addi %mul3A_17, %add3A_18 : i32
    %run_scoped3A_20 = arith.constant 0 : i32
    "tpu.region"() ({
      %run_scoped3A_102 = tpu.sem_alloc : memref<!tpu.dma_semaphore, #tpu.memory_space<semaphore_mem>>
      %dma_start3A_103 = arith.constant 0 : i32
      %dma_start3A_104 = arith.constant 0 : i32
      %dma_start3A_105 = tpu.memref_slice %arg8[%run_scoped3A_20, %dma_start3A_103, %dma_start3A_104] : memref<5x80x128xbf16, #tpu.memory_space<vmem>> -> memref<1x80x128xbf16, #tpu.memory_space<vmem>>
      %dma_start3A_106 = tpu.memref_squeeze %dma_start3A_105 : memref<1x80x128xbf16, #tpu.memory_space<vmem>> -> memref<80x128xbf16, #tpu.memory_space<vmem>>
      %dma_start3A_107 = arith.constant 0 : i32
      %dma_start3A_108 = arith.constant 0 : i32
      %dma_start3A_109 = tpu.memref_slice %dma_start3A_106[%dma_start3A_107, %dma_start3A_108] : memref<80x128xbf16, #tpu.memory_space<vmem>> -> memref<80x128xbf16, #tpu.memory_space<vmem>>
      %dma_start3A_110 = arith.constant 0 : i32
      %dma_start3A_111 = tpu.memref_slice %arg5[%add3A_19, %dma_start3A_110] : memref<10240x128xbf16, #tpu.memory_space<vmem_shared>> -> memref<80x128xbf16, #tpu.memory_space<vmem_shared>>
      %dma_start3A_112 = arith.constant 0 : i32
      %dma_start3A_113 = tpu.memref_slice %arg5[%add3A_19, %dma_start3A_112] : memref<10240x128xbf16, #tpu.memory_space<vmem_shared>> -> memref<80x128xbf16, #tpu.memory_space<vmem_shared>>
      %dma_start3A_114 = arith.constant 0 : i32
      %dma_start3A_115 = arith.constant 0 : i32
      %dma_start3A_116 = tpu.memref_slice %arg8[%run_scoped3A_20, %dma_start3A_114, %dma_start3A_115] : memref<5x80x128xbf16, #tpu.memory_space<vmem>> -> memref<1x80x128xbf16, #tpu.memory_space<vmem>>
      %dma_start3A_117 = tpu.memref_squeeze %dma_start3A_116 : memref<1x80x128xbf16, #tpu.memory_space<vmem>> -> memref<80x128xbf16, #tpu.memory_space<vmem>>
      %dma_start3A_118 = arith.constant 0 : i32
      %dma_start3A_119 = arith.constant 0 : i32
      %dma_start3A_120 = tpu.memref_slice %dma_start3A_117[%dma_start3A_118, %dma_start3A_119] : memref<80x128xbf16, #tpu.memory_space<vmem>> -> memref<80x128xbf16, #tpu.memory_space<vmem>>
      tpu.enqueue_dma source(%dma_start3A_120 : memref<80x128xbf16, #tpu.memory_space<vmem>>) target(%dma_start3A_113 : memref<80x128xbf16, #tpu.memory_space<vmem_shared>>) target_semaphore(%run_scoped3A_102 : memref<!tpu.dma_semaphore, #tpu.memory_space<semaphore_mem>>)
      %dma_wait3A = arith.constant 0 : i32
      %dma_wait3A_121 = arith.constant 0 : i32
      %dma_wait3A_122 = tpu.memref_slice %arg8[%run_scoped3A_20, %dma_wait3A, %dma_wait3A_121] : memref<5x80x128xbf16, #tpu.memory_space<vmem>> -> memref<1x80x128xbf16, #tpu.memory_space<vmem>>
      %dma_wait3A_123 = tpu.memref_squeeze %dma_wait3A_122 : memref<1x80x128xbf16, #tpu.memory_space<vmem>> -> memref<80x128xbf16, #tpu.memory_space<vmem>>
      %dma_wait3A_124 = arith.constant 0 : i32
      %dma_wait3A_125 = arith.constant 0 : i32
      %dma_wait3A_126 = tpu.memref_slice %dma_wait3A_123[%dma_wait3A_124, %dma_wait3A_125] : memref<80x128xbf16, #tpu.memory_space<vmem>> -> memref<80x128xbf16, #tpu.memory_space<vmem>>
      %dma_wait3A_127 = arith.constant 0 : i32
      %dma_wait3A_128 = tpu.memref_slice %arg5[%add3A_19, %dma_wait3A_127] : memref<10240x128xbf16, #tpu.memory_space<vmem_shared>> -> memref<80x128xbf16, #tpu.memory_space<vmem_shared>>
      %dma_wait3A_129 = arith.constant 0 : i32
      %dma_wait3A_130 = tpu.memref_slice %arg5[%add3A_19, %dma_wait3A_129] : memref<10240x128xbf16, #tpu.memory_space<vmem_shared>> -> memref<80x128xbf16, #tpu.memory_space<vmem_shared>>
      %dma_wait3A_131 = arith.constant 0 : i32
      %dma_wait3A_132 = arith.constant 0 : i32
      %dma_wait3A_133 = tpu.memref_slice %arg8[%run_scoped3A_20, %dma_wait3A_131, %dma_wait3A_132] : memref<5x80x128xbf16, #tpu.memory_space<vmem>> -> memref<1x80x128xbf16, #tpu.memory_space<vmem>>
      %dma_wait3A_134 = tpu.memref_squeeze %dma_wait3A_133 : memref<1x80x128xbf16, #tpu.memory_space<vmem>> -> memref<80x128xbf16, #tpu.memory_space<vmem>>
      %dma_wait3A_135 = arith.constant 0 : i32
      %dma_wait3A_136 = arith.constant 0 : i32
      %dma_wait3A_137 = tpu.memref_slice %dma_wait3A_134[%dma_wait3A_135, %dma_wait3A_136] : memref<80x128xbf16, #tpu.memory_space<vmem>> -> memref<80x128xbf16, #tpu.memory_space<vmem>>
      tpu.wait_dma2 semaphore(%run_scoped3A_102 : memref<!tpu.dma_semaphore, #tpu.memory_space<semaphore_mem>>) src(%dma_wait3A_137 : memref<80x128xbf16, #tpu.memory_space<vmem>>) dst(%dma_wait3A_130 : memref<80x128xbf16, #tpu.memory_space<vmem_shared>>)
      tpu.yield
    }) : () -> ()
    %mul3A_21 = arith.constant 640 : i32
    %mul3A_22 = arith.muli %arg1, %mul3A_21 : i32
    %add3A_23 = arith.constant 240 : i32
    %add3A_24 = arith.addi %mul3A_22, %add3A_23 : i32
    %run_scoped3A_25 = arith.constant 0 : i32
    "tpu.region"() ({
      %run_scoped3A_102 = tpu.sem_alloc : memref<!tpu.dma_semaphore, #tpu.memory_space<semaphore_mem>>
      %dma_start3A_103 = arith.constant 0 : i32
      %dma_start3A_104 = arith.constant 0 : i32
      %dma_start3A_105 = tpu.memref_slice %arg8[%run_scoped3A_25, %dma_start3A_103, %dma_start3A_104] : memref<5x80x128xbf16, #tpu.memory_space<vmem>> -> memref<1x80x128xbf16, #tpu.memory_space<vmem>>
      %dma_start3A_106 = tpu.memref_squeeze %dma_start3A_105 : memref<1x80x128xbf16, #tpu.memory_space<vmem>> -> memref<80x128xbf16, #tpu.memory_space<vmem>>
      %dma_start3A_107 = arith.constant 0 : i32
      %dma_start3A_108 = arith.constant 0 : i32
      %dma_start3A_109 = tpu.memref_slice %dma_start3A_106[%dma_start3A_107, %dma_start3A_108] : memref<80x128xbf16, #tpu.memory_space<vmem>> -> memref<80x128xbf16, #tpu.memory_space<vmem>>
      %dma_start3A_110 = arith.constant 0 : i32
      %dma_start3A_111 = tpu.memref_slice %arg5[%add3A_24, %dma_start3A_110] : memref<10240x128xbf16, #tpu.memory_space<vmem_shared>> -> memref<80x128xbf16, #tpu.memory_space<vmem_shared>>
      %dma_start3A_112 = arith.constant 0 : i32
      %dma_start3A_113 = tpu.memref_slice %arg5[%add3A_24, %dma_start3A_112] : memref<10240x128xbf16, #tpu.memory_space<vmem_shared>> -> memref<80x128xbf16, #tpu.memory_space<vmem_shared>>
      %dma_start3A_114 = arith.constant 0 : i32
      %dma_start3A_115 = arith.constant 0 : i32
      %dma_start3A_116 = tpu.memref_slice %arg8[%run_scoped3A_25, %dma_start3A_114, %dma_start3A_115] : memref<5x80x128xbf16, #tpu.memory_space<vmem>> -> memref<1x80x128xbf16, #tpu.memory_space<vmem>>
      %dma_start3A_117 = tpu.memref_squeeze %dma_start3A_116 : memref<1x80x128xbf16, #tpu.memory_space<vmem>> -> memref<80x128xbf16, #tpu.memory_space<vmem>>
      %dma_start3A_118 = arith.constant 0 : i32
      %dma_start3A_119 = arith.constant 0 : i32
      %dma_start3A_120 = tpu.memref_slice %dma_start3A_117[%dma_start3A_118, %dma_start3A_119] : memref<80x128xbf16, #tpu.memory_space<vmem>> -> memref<80x128xbf16, #tpu.memory_space<vmem>>
      tpu.enqueue_dma source(%dma_start3A_120 : memref<80x128xbf16, #tpu.memory_space<vmem>>) target(%dma_start3A_113 : memref<80x128xbf16, #tpu.memory_space<vmem_shared>>) target_semaphore(%run_scoped3A_102 : memref<!tpu.dma_semaphore, #tpu.memory_space<semaphore_mem>>)
      %dma_wait3A = arith.constant 0 : i32
      %dma_wait3A_121 = arith.constant 0 : i32
      %dma_wait3A_122 = tpu.memref_slice %arg8[%run_scoped3A_25, %dma_wait3A, %dma_wait3A_121] : memref<5x80x128xbf16, #tpu.memory_space<vmem>> -> memref<1x80x128xbf16, #tpu.memory_space<vmem>>
      %dma_wait3A_123 = tpu.memref_squeeze %dma_wait3A_122 : memref<1x80x128xbf16, #tpu.memory_space<vmem>> -> memref<80x128xbf16, #tpu.memory_space<vmem>>
      %dma_wait3A_124 = arith.constant 0 : i32
      %dma_wait3A_125 = arith.constant 0 : i32
      %dma_wait3A_126 = tpu.memref_slice %dma_wait3A_123[%dma_wait3A_124, %dma_wait3A_125] : memref<80x128xbf16, #tpu.memory_space<vmem>> -> memref<80x128xbf16, #tpu.memory_space<vmem>>
      %dma_wait3A_127 = arith.constant 0 : i32
      %dma_wait3A_128 = tpu.memref_slice %arg5[%add3A_24, %dma_wait3A_127] : memref<10240x128xbf16, #tpu.memory_space<vmem_shared>> -> memref<80x128xbf16, #tpu.memory_space<vmem_shared>>
      %dma_wait3A_129 = arith.constant 0 : i32
      %dma_wait3A_130 = tpu.memref_slice %arg5[%add3A_24, %dma_wait3A_129] : memref<10240x128xbf16, #tpu.memory_space<vmem_shared>> -> memref<80x128xbf16, #tpu.memory_space<vmem_shared>>
      %dma_wait3A_131 = arith.constant 0 : i32
      %dma_wait3A_132 = arith.constant 0 : i32
      %dma_wait3A_133 = tpu.memref_slice %arg8[%run_scoped3A_25, %dma_wait3A_131, %dma_wait3A_132] : memref<5x80x128xbf16, #tpu.memory_space<vmem>> -> memref<1x80x128xbf16, #tpu.memory_space<vmem>>
      %dma_wait3A_134 = tpu.memref_squeeze %dma_wait3A_133 : memref<1x80x128xbf16, #tpu.memory_space<vmem>> -> memref<80x128xbf16, #tpu.memory_space<vmem>>
      %dma_wait3A_135 = arith.constant 0 : i32
      %dma_wait3A_136 = arith.constant 0 : i32
      %dma_wait3A_137 = tpu.memref_slice %dma_wait3A_134[%dma_wait3A_135, %dma_wait3A_136] : memref<80x128xbf16, #tpu.memory_space<vmem>> -> memref<80x128xbf16, #tpu.memory_space<vmem>>
      tpu.wait_dma2 semaphore(%run_scoped3A_102 : memref<!tpu.dma_semaphore, #tpu.memory_space<semaphore_mem>>) src(%dma_wait3A_137 : memref<80x128xbf16, #tpu.memory_space<vmem>>) dst(%dma_wait3A_130 : memref<80x128xbf16, #tpu.memory_space<vmem_shared>>)
      tpu.yield
    }) : () -> ()
    %mul3A_26 = arith.constant 640 : i32
    %mul3A_27 = arith.muli %arg1, %mul3A_26 : i32
    %add3A_28 = arith.constant 320 : i32
    %add3A_29 = arith.addi %mul3A_27, %add3A_28 : i32
    %run_scoped3A_30 = arith.constant 0 : i32
    "tpu.region"() ({
      %run_scoped3A_102 = tpu.sem_alloc : memref<!tpu.dma_semaphore, #tpu.memory_space<semaphore_mem>>
      %dma_start3A_103 = arith.constant 0 : i32
      %dma_start3A_104 = arith.constant 0 : i32
      %dma_start3A_105 = tpu.memref_slice %arg8[%run_scoped3A_30, %dma_start3A_103, %dma_start3A_104] : memref<5x80x128xbf16, #tpu.memory_space<vmem>> -> memref<1x80x128xbf16, #tpu.memory_space<vmem>>
      %dma_start3A_106 = tpu.memref_squeeze %dma_start3A_105 : memref<1x80x128xbf16, #tpu.memory_space<vmem>> -> memref<80x128xbf16, #tpu.memory_space<vmem>>
      %dma_start3A_107 = arith.constant 0 : i32
      %dma_start3A_108 = arith.constant 0 : i32
      %dma_start3A_109 = tpu.memref_slice %dma_start3A_106[%dma_start3A_107, %dma_start3A_108] : memref<80x128xbf16, #tpu.memory_space<vmem>> -> memref<80x128xbf16, #tpu.memory_space<vmem>>
      %dma_start3A_110 = arith.constant 0 : i32
      %dma_start3A_111 = tpu.memref_slice %arg5[%add3A_29, %dma_start3A_110] : memref<10240x128xbf16, #tpu.memory_space<vmem_shared>> -> memref<80x128xbf16, #tpu.memory_space<vmem_shared>>
      %dma_start3A_112 = arith.constant 0 : i32
      %dma_start3A_113 = tpu.memref_slice %arg5[%add3A_29, %dma_start3A_112] : memref<10240x128xbf16, #tpu.memory_space<vmem_shared>> -> memref<80x128xbf16, #tpu.memory_space<vmem_shared>>
      %dma_start3A_114 = arith.constant 0 : i32
      %dma_start3A_115 = arith.constant 0 : i32
      %dma_start3A_116 = tpu.memref_slice %arg8[%run_scoped3A_30, %dma_start3A_114, %dma_start3A_115] : memref<5x80x128xbf16, #tpu.memory_space<vmem>> -> memref<1x80x128xbf16, #tpu.memory_space<vmem>>
      %dma_start3A_117 = tpu.memref_squeeze %dma_start3A_116 : memref<1x80x128xbf16, #tpu.memory_space<vmem>> -> memref<80x128xbf16, #tpu.memory_space<vmem>>
      %dma_start3A_118 = arith.constant 0 : i32
      %dma_start3A_119 = arith.constant 0 : i32
      %dma_start3A_120 = tpu.memref_slice %dma_start3A_117[%dma_start3A_118, %dma_start3A_119] : memref<80x128xbf16, #tpu.memory_space<vmem>> -> memref<80x128xbf16, #tpu.memory_space<vmem>>
      tpu.enqueue_dma source(%dma_start3A_120 : memref<80x128xbf16, #tpu.memory_space<vmem>>) target(%dma_start3A_113 : memref<80x128xbf16, #tpu.memory_space<vmem_shared>>) target_semaphore(%run_scoped3A_102 : memref<!tpu.dma_semaphore, #tpu.memory_space<semaphore_mem>>)
      %dma_wait3A = arith.constant 0 : i32
      %dma_wait3A_121 = arith.constant 0 : i32
      %dma_wait3A_122 = tpu.memref_slice %arg8[%run_scoped3A_30, %dma_wait3A, %dma_wait3A_121] : memref<5x80x128xbf16, #tpu.memory_space<vmem>> -> memref<1x80x128xbf16, #tpu.memory_space<vmem>>
      %dma_wait3A_123 = tpu.memref_squeeze %dma_wait3A_122 : memref<1x80x128xbf16, #tpu.memory_space<vmem>> -> memref<80x128xbf16, #tpu.memory_space<vmem>>
      %dma_wait3A_124 = arith.constant 0 : i32
      %dma_wait3A_125 = arith.constant 0 : i32
      %dma_wait3A_126 = tpu.memref_slice %dma_wait3A_123[%dma_wait3A_124, %dma_wait3A_125] : memref<80x128xbf16, #tpu.memory_space<vmem>> -> memref<80x128xbf16, #tpu.memory_space<vmem>>
      %dma_wait3A_127 = arith.constant 0 : i32
      %dma_wait3A_128 = tpu.memref_slice %arg5[%add3A_29, %dma_wait3A_127] : memref<10240x128xbf16, #tpu.memory_space<vmem_shared>> -> memref<80x128xbf16, #tpu.memory_space<vmem_shared>>
      %dma_wait3A_129 = arith.constant 0 : i32
      %dma_wait3A_130 = tpu.memref_slice %arg5[%add3A_29, %dma_wait3A_129] : memref<10240x128xbf16, #tpu.memory_space<vmem_shared>> -> memref<80x128xbf16, #tpu.memory_space<vmem_shared>>
      %dma_wait3A_131 = arith.constant 0 : i32
      %dma_wait3A_132 = arith.constant 0 : i32
      %dma_wait3A_133 = tpu.memref_slice %arg8[%run_scoped3A_30, %dma_wait3A_131, %dma_wait3A_132] : memref<5x80x128xbf16, #tpu.memory_space<vmem>> -> memref<1x80x128xbf16, #tpu.memory_space<vmem>>
      %dma_wait3A_134 = tpu.memref_squeeze %dma_wait3A_133 : memref<1x80x128xbf16, #tpu.memory_space<vmem>> -> memref<80x128xbf16, #tpu.memory_space<vmem>>
      %dma_wait3A_135 = arith.constant 0 : i32
      %dma_wait3A_136 = arith.constant 0 : i32
      %dma_wait3A_137 = tpu.memref_slice %dma_wait3A_134[%dma_wait3A_135, %dma_wait3A_136] : memref<80x128xbf16, #tpu.memory_space<vmem>> -> memref<80x128xbf16, #tpu.memory_space<vmem>>
      tpu.wait_dma2 semaphore(%run_scoped3A_102 : memref<!tpu.dma_semaphore, #tpu.memory_space<semaphore_mem>>) src(%dma_wait3A_137 : memref<80x128xbf16, #tpu.memory_space<vmem>>) dst(%dma_wait3A_130 : memref<80x128xbf16, #tpu.memory_space<vmem_shared>>)
      tpu.yield
    }) : () -> ()
    %mul3A_31 = arith.constant 640 : i32
    %mul3A_32 = arith.muli %arg1, %mul3A_31 : i32
    %add3A_33 = arith.constant 400 : i32
    %add3A_34 = arith.addi %mul3A_32, %add3A_33 : i32
    %run_scoped3A_35 = arith.constant 0 : i32
    "tpu.region"() ({
      %run_scoped3A_102 = tpu.sem_alloc : memref<!tpu.dma_semaphore, #tpu.memory_space<semaphore_mem>>
      %dma_start3A_103 = arith.constant 0 : i32
      %dma_start3A_104 = arith.constant 0 : i32
      %dma_start3A_105 = tpu.memref_slice %arg8[%run_scoped3A_35, %dma_start3A_103, %dma_start3A_104] : memref<5x80x128xbf16, #tpu.memory_space<vmem>> -> memref<1x80x128xbf16, #tpu.memory_space<vmem>>
      %dma_start3A_106 = tpu.memref_squeeze %dma_start3A_105 : memref<1x80x128xbf16, #tpu.memory_space<vmem>> -> memref<80x128xbf16, #tpu.memory_space<vmem>>
      %dma_start3A_107 = arith.constant 0 : i32
      %dma_start3A_108 = arith.constant 0 : i32
      %dma_start3A_109 = tpu.memref_slice %dma_start3A_106[%dma_start3A_107, %dma_start3A_108] : memref<80x128xbf16, #tpu.memory_space<vmem>> -> memref<80x128xbf16, #tpu.memory_space<vmem>>
      %dma_start3A_110 = arith.constant 0 : i32
      %dma_start3A_111 = tpu.memref_slice %arg5[%add3A_34, %dma_start3A_110] : memref<10240x128xbf16, #tpu.memory_space<vmem_shared>> -> memref<80x128xbf16, #tpu.memory_space<vmem_shared>>
      %dma_start3A_112 = arith.constant 0 : i32
      %dma_start3A_113 = tpu.memref_slice %arg5[%add3A_34, %dma_start3A_112] : memref<10240x128xbf16, #tpu.memory_space<vmem_shared>> -> memref<80x128xbf16, #tpu.memory_space<vmem_shared>>
      %dma_start3A_114 = arith.constant 0 : i32
      %dma_start3A_115 = arith.constant 0 : i32
      %dma_start3A_116 = tpu.memref_slice %arg8[%run_scoped3A_35, %dma_start3A_114, %dma_start3A_115] : memref<5x80x128xbf16, #tpu.memory_space<vmem>> -> memref<1x80x128xbf16, #tpu.memory_space<vmem>>
      %dma_start3A_117 = tpu.memref_squeeze %dma_start3A_116 : memref<1x80x128xbf16, #tpu.memory_space<vmem>> -> memref<80x128xbf16, #tpu.memory_space<vmem>>
      %dma_start3A_118 = arith.constant 0 : i32
      %dma_start3A_119 = arith.constant 0 : i32
      %dma_start3A_120 = tpu.memref_slice %dma_start3A_117[%dma_start3A_118, %dma_start3A_119] : memref<80x128xbf16, #tpu.memory_space<vmem>> -> memref<80x128xbf16, #tpu.memory_space<vmem>>
      tpu.enqueue_dma source(%dma_start3A_120 : memref<80x128xbf16, #tpu.memory_space<vmem>>) target(%dma_start3A_113 : memref<80x128xbf16, #tpu.memory_space<vmem_shared>>) target_semaphore(%run_scoped3A_102 : memref<!tpu.dma_semaphore, #tpu.memory_space<semaphore_mem>>)
      %dma_wait3A = arith.constant 0 : i32
      %dma_wait3A_121 = arith.constant 0 : i32
      %dma_wait3A_122 = tpu.memref_slice %arg8[%run_scoped3A_35, %dma_wait3A, %dma_wait3A_121] : memref<5x80x128xbf16, #tpu.memory_space<vmem>> -> memref<1x80x128xbf16, #tpu.memory_space<vmem>>
      %dma_wait3A_123 = tpu.memref_squeeze %dma_wait3A_122 : memref<1x80x128xbf16, #tpu.memory_space<vmem>> -> memref<80x128xbf16, #tpu.memory_space<vmem>>
      %dma_wait3A_124 = arith.constant 0 : i32
      %dma_wait3A_125 = arith.constant 0 : i32
      %dma_wait3A_126 = tpu.memref_slice %dma_wait3A_123[%dma_wait3A_124, %dma_wait3A_125] : memref<80x128xbf16, #tpu.memory_space<vmem>> -> memref<80x128xbf16, #tpu.memory_space<vmem>>
      %dma_wait3A_127 = arith.constant 0 : i32
      %dma_wait3A_128 = tpu.memref_slice %arg5[%add3A_34, %dma_wait3A_127] : memref<10240x128xbf16, #tpu.memory_space<vmem_shared>> -> memref<80x128xbf16, #tpu.memory_space<vmem_shared>>
      %dma_wait3A_129 = arith.constant 0 : i32
      %dma_wait3A_130 = tpu.memref_slice %arg5[%add3A_34, %dma_wait3A_129] : memref<10240x128xbf16, #tpu.memory_space<vmem_shared>> -> memref<80x128xbf16, #tpu.memory_space<vmem_shared>>
      %dma_wait3A_131 = arith.constant 0 : i32
      %dma_wait3A_132 = arith.constant 0 : i32
      %dma_wait3A_133 = tpu.memref_slice %arg8[%run_scoped3A_35, %dma_wait3A_131, %dma_wait3A_132] : memref<5x80x128xbf16, #tpu.memory_space<vmem>> -> memref<1x80x128xbf16, #tpu.memory_space<vmem>>
      %dma_wait3A_134 = tpu.memref_squeeze %dma_wait3A_133 : memref<1x80x128xbf16, #tpu.memory_space<vmem>> -> memref<80x128xbf16, #tpu.memory_space<vmem>>
      %dma_wait3A_135 = arith.constant 0 : i32
      %dma_wait3A_136 = arith.constant 0 : i32
      %dma_wait3A_137 = tpu.memref_slice %dma_wait3A_134[%dma_wait3A_135, %dma_wait3A_136] : memref<80x128xbf16, #tpu.memory_space<vmem>> -> memref<80x128xbf16, #tpu.memory_space<vmem>>
      tpu.wait_dma2 semaphore(%run_scoped3A_102 : memref<!tpu.dma_semaphore, #tpu.memory_space<semaphore_mem>>) src(%dma_wait3A_137 : memref<80x128xbf16, #tpu.memory_space<vmem>>) dst(%dma_wait3A_130 : memref<80x128xbf16, #tpu.memory_space<vmem_shared>>)
      tpu.yield
    }) : () -> ()
    %mul3A_36 = arith.constant 640 : i32
    %mul3A_37 = arith.muli %arg1, %mul3A_36 : i32
    %add3A_38 = arith.constant 480 : i32
    %add3A_39 = arith.addi %mul3A_37, %add3A_38 : i32
    %run_scoped3A_40 = arith.constant 0 : i32
    "tpu.region"() ({
      %run_scoped3A_102 = tpu.sem_alloc : memref<!tpu.dma_semaphore, #tpu.memory_space<semaphore_mem>>
      %dma_start3A_103 = arith.constant 0 : i32
      %dma_start3A_104 = arith.constant 0 : i32
      %dma_start3A_105 = tpu.memref_slice %arg8[%run_scoped3A_40, %dma_start3A_103, %dma_start3A_104] : memref<5x80x128xbf16, #tpu.memory_space<vmem>> -> memref<1x80x128xbf16, #tpu.memory_space<vmem>>
      %dma_start3A_106 = tpu.memref_squeeze %dma_start3A_105 : memref<1x80x128xbf16, #tpu.memory_space<vmem>> -> memref<80x128xbf16, #tpu.memory_space<vmem>>
      %dma_start3A_107 = arith.constant 0 : i32
      %dma_start3A_108 = arith.constant 0 : i32
      %dma_start3A_109 = tpu.memref_slice %dma_start3A_106[%dma_start3A_107, %dma_start3A_108] : memref<80x128xbf16, #tpu.memory_space<vmem>> -> memref<80x128xbf16, #tpu.memory_space<vmem>>
      %dma_start3A_110 = arith.constant 0 : i32
      %dma_start3A_111 = tpu.memref_slice %arg5[%add3A_39, %dma_start3A_110] : memref<10240x128xbf16, #tpu.memory_space<vmem_shared>> -> memref<80x128xbf16, #tpu.memory_space<vmem_shared>>
      %dma_start3A_112 = arith.constant 0 : i32
      %dma_start3A_113 = tpu.memref_slice %arg5[%add3A_39, %dma_start3A_112] : memref<10240x128xbf16, #tpu.memory_space<vmem_shared>> -> memref<80x128xbf16, #tpu.memory_space<vmem_shared>>
      %dma_start3A_114 = arith.constant 0 : i32
      %dma_start3A_115 = arith.constant 0 : i32
      %dma_start3A_116 = tpu.memref_slice %arg8[%run_scoped3A_40, %dma_start3A_114, %dma_start3A_115] : memref<5x80x128xbf16, #tpu.memory_space<vmem>> -> memref<1x80x128xbf16, #tpu.memory_space<vmem>>
      %dma_start3A_117 = tpu.memref_squeeze %dma_start3A_116 : memref<1x80x128xbf16, #tpu.memory_space<vmem>> -> memref<80x128xbf16, #tpu.memory_space<vmem>>
      %dma_start3A_118 = arith.constant 0 : i32
      %dma_start3A_119 = arith.constant 0 : i32
      %dma_start3A_120 = tpu.memref_slice %dma_start3A_117[%dma_start3A_118, %dma_start3A_119] : memref<80x128xbf16, #tpu.memory_space<vmem>> -> memref<80x128xbf16, #tpu.memory_space<vmem>>
      tpu.enqueue_dma source(%dma_start3A_120 : memref<80x128xbf16, #tpu.memory_space<vmem>>) target(%dma_start3A_113 : memref<80x128xbf16, #tpu.memory_space<vmem_shared>>) target_semaphore(%run_scoped3A_102 : memref<!tpu.dma_semaphore, #tpu.memory_space<semaphore_mem>>)
      %dma_wait3A = arith.constant 0 : i32
      %dma_wait3A_121 = arith.constant 0 : i32
      %dma_wait3A_122 = tpu.memref_slice %arg8[%run_scoped3A_40, %dma_wait3A, %dma_wait3A_121] : memref<5x80x128xbf16, #tpu.memory_space<vmem>> -> memref<1x80x128xbf16, #tpu.memory_space<vmem>>
      %dma_wait3A_123 = tpu.memref_squeeze %dma_wait3A_122 : memref<1x80x128xbf16, #tpu.memory_space<vmem>> -> memref<80x128xbf16, #tpu.memory_space<vmem>>
      %dma_wait3A_124 = arith.constant 0 : i32
      %dma_wait3A_125 = arith.constant 0 : i32
      %dma_wait3A_126 = tpu.memref_slice %dma_wait3A_123[%dma_wait3A_124, %dma_wait3A_125] : memref<80x128xbf16, #tpu.memory_space<vmem>> -> memref<80x128xbf16, #tpu.memory_space<vmem>>
      %dma_wait3A_127 = arith.constant 0 : i32
      %dma_wait3A_128 = tpu.memref_slice %arg5[%add3A_39, %dma_wait3A_127] : memref<10240x128xbf16, #tpu.memory_space<vmem_shared>> -> memref<80x128xbf16, #tpu.memory_space<vmem_shared>>
      %dma_wait3A_129 = arith.constant 0 : i32
      %dma_wait3A_130 = tpu.memref_slice %arg5[%add3A_39, %dma_wait3A_129] : memref<10240x128xbf16, #tpu.memory_space<vmem_shared>> -> memref<80x128xbf16, #tpu.memory_space<vmem_shared>>
      %dma_wait3A_131 = arith.constant 0 : i32
      %dma_wait3A_132 = arith.constant 0 : i32
      %dma_wait3A_133 = tpu.memref_slice %arg8[%run_scoped3A_40, %dma_wait3A_131, %dma_wait3A_132] : memref<5x80x128xbf16, #tpu.memory_space<vmem>> -> memref<1x80x128xbf16, #tpu.memory_space<vmem>>
      %dma_wait3A_134 = tpu.memref_squeeze %dma_wait3A_133 : memref<1x80x128xbf16, #tpu.memory_space<vmem>> -> memref<80x128xbf16, #tpu.memory_space<vmem>>
      %dma_wait3A_135 = arith.constant 0 : i32
      %dma_wait3A_136 = arith.constant 0 : i32
      %dma_wait3A_137 = tpu.memref_slice %dma_wait3A_134[%dma_wait3A_135, %dma_wait3A_136] : memref<80x128xbf16, #tpu.memory_space<vmem>> -> memref<80x128xbf16, #tpu.memory_space<vmem>>
      tpu.wait_dma2 semaphore(%run_scoped3A_102 : memref<!tpu.dma_semaphore, #tpu.memory_space<semaphore_mem>>) src(%dma_wait3A_137 : memref<80x128xbf16, #tpu.memory_space<vmem>>) dst(%dma_wait3A_130 : memref<80x128xbf16, #tpu.memory_space<vmem_shared>>)
      tpu.yield
    }) : () -> ()
    %mul3A_41 = arith.constant 640 : i32
    %mul3A_42 = arith.muli %arg1, %mul3A_41 : i32
    %add3A_43 = arith.constant 560 : i32
    %add3A_44 = arith.addi %mul3A_42, %add3A_43 : i32
    %run_scoped3A_45 = arith.constant 0 : i32
    "tpu.region"() ({
      %run_scoped3A_102 = tpu.sem_alloc : memref<!tpu.dma_semaphore, #tpu.memory_space<semaphore_mem>>
      %dma_start3A_103 = arith.constant 0 : i32
      %dma_start3A_104 = arith.constant 0 : i32
      %dma_start3A_105 = tpu.memref_slice %arg8[%run_scoped3A_45, %dma_start3A_103, %dma_start3A_104] : memref<5x80x128xbf16, #tpu.memory_space<vmem>> -> memref<1x80x128xbf16, #tpu.memory_space<vmem>>
      %dma_start3A_106 = tpu.memref_squeeze %dma_start3A_105 : memref<1x80x128xbf16, #tpu.memory_space<vmem>> -> memref<80x128xbf16, #tpu.memory_space<vmem>>
      %dma_start3A_107 = arith.constant 0 : i32
      %dma_start3A_108 = arith.constant 0 : i32
      %dma_start3A_109 = tpu.memref_slice %dma_start3A_106[%dma_start3A_107, %dma_start3A_108] : memref<80x128xbf16, #tpu.memory_space<vmem>> -> memref<80x128xbf16, #tpu.memory_space<vmem>>
      %dma_start3A_110 = arith.constant 0 : i32
      %dma_start3A_111 = tpu.memref_slice %arg5[%add3A_44, %dma_start3A_110] : memref<10240x128xbf16, #tpu.memory_space<vmem_shared>> -> memref<80x128xbf16, #tpu.memory_space<vmem_shared>>
      %dma_start3A_112 = arith.constant 0 : i32
      %dma_start3A_113 = tpu.memref_slice %arg5[%add3A_44, %dma_start3A_112] : memref<10240x128xbf16, #tpu.memory_space<vmem_shared>> -> memref<80x128xbf16, #tpu.memory_space<vmem_shared>>
      %dma_start3A_114 = arith.constant 0 : i32
      %dma_start3A_115 = arith.constant 0 : i32
      %dma_start3A_116 = tpu.memref_slice %arg8[%run_scoped3A_45, %dma_start3A_114, %dma_start3A_115] : memref<5x80x128xbf16, #tpu.memory_space<vmem>> -> memref<1x80x128xbf16, #tpu.memory_space<vmem>>
      %dma_start3A_117 = tpu.memref_squeeze %dma_start3A_116 : memref<1x80x128xbf16, #tpu.memory_space<vmem>> -> memref<80x128xbf16, #tpu.memory_space<vmem>>
      %dma_start3A_118 = arith.constant 0 : i32
      %dma_start3A_119 = arith.constant 0 : i32
      %dma_start3A_120 = tpu.memref_slice %dma_start3A_117[%dma_start3A_118, %dma_start3A_119] : memref<80x128xbf16, #tpu.memory_space<vmem>> -> memref<80x128xbf16, #tpu.memory_space<vmem>>
      tpu.enqueue_dma source(%dma_start3A_120 : memref<80x128xbf16, #tpu.memory_space<vmem>>) target(%dma_start3A_113 : memref<80x128xbf16, #tpu.memory_space<vmem_shared>>) target_semaphore(%run_scoped3A_102 : memref<!tpu.dma_semaphore, #tpu.memory_space<semaphore_mem>>)
      %dma_wait3A = arith.constant 0 : i32
      %dma_wait3A_121 = arith.constant 0 : i32
      %dma_wait3A_122 = tpu.memref_slice %arg8[%run_scoped3A_45, %dma_wait3A, %dma_wait3A_121] : memref<5x80x128xbf16, #tpu.memory_space<vmem>> -> memref<1x80x128xbf16, #tpu.memory_space<vmem>>
      %dma_wait3A_123 = tpu.memref_squeeze %dma_wait3A_122 : memref<1x80x128xbf16, #tpu.memory_space<vmem>> -> memref<80x128xbf16, #tpu.memory_space<vmem>>
      %dma_wait3A_124 = arith.constant 0 : i32
      %dma_wait3A_125 = arith.constant 0 : i32
      %dma_wait3A_126 = tpu.memref_slice %dma_wait3A_123[%dma_wait3A_124, %dma_wait3A_125] : memref<80x128xbf16, #tpu.memory_space<vmem>> -> memref<80x128xbf16, #tpu.memory_space<vmem>>
      %dma_wait3A_127 = arith.constant 0 : i32
      %dma_wait3A_128 = tpu.memref_slice %arg5[%add3A_44, %dma_wait3A_127] : memref<10240x128xbf16, #tpu.memory_space<vmem_shared>> -> memref<80x128xbf16, #tpu.memory_space<vmem_shared>>
      %dma_wait3A_129 = arith.constant 0 : i32
      %dma_wait3A_130 = tpu.memref_slice %arg5[%add3A_44, %dma_wait3A_129] : memref<10240x128xbf16, #tpu.memory_space<vmem_shared>> -> memref<80x128xbf16, #tpu.memory_space<vmem_shared>>
      %dma_wait3A_131 = arith.constant 0 : i32
      %dma_wait3A_132 = arith.constant 0 : i32
      %dma_wait3A_133 = tpu.memref_slice %arg8[%run_scoped3A_45, %dma_wait3A_131, %dma_wait3A_132] : memref<5x80x128xbf16, #tpu.memory_space<vmem>> -> memref<1x80x128xbf16, #tpu.memory_space<vmem>>
      %dma_wait3A_134 = tpu.memref_squeeze %dma_wait3A_133 : memref<1x80x128xbf16, #tpu.memory_space<vmem>> -> memref<80x128xbf16, #tpu.memory_space<vmem>>
      %dma_wait3A_135 = arith.constant 0 : i32
      %dma_wait3A_136 = arith.constant 0 : i32
      %dma_wait3A_137 = tpu.memref_slice %dma_wait3A_134[%dma_wait3A_135, %dma_wait3A_136] : memref<80x128xbf16, #tpu.memory_space<vmem>> -> memref<80x128xbf16, #tpu.memory_space<vmem>>
      tpu.wait_dma2 semaphore(%run_scoped3A_102 : memref<!tpu.dma_semaphore, #tpu.memory_space<semaphore_mem>>) src(%dma_wait3A_137 : memref<80x128xbf16, #tpu.memory_space<vmem>>) dst(%dma_wait3A_130 : memref<80x128xbf16, #tpu.memory_space<vmem_shared>>)
      tpu.yield
    }) : () -> ()
    %barrier3A = arith.constant 0 : index
    tpu.barrier barrier_id(%barrier3A)
    %mul3A_46 = arith.constant 10000 : i32
    %mul3A_47 = arith.muli %add3A, %mul3A_46 : i32
    %run_scoped3A_48 = arith.constant 0 : i32
    "tpu.region"() ({
      %run_scoped3A_102 = tpu.sem_alloc : memref<!tpu.dma_semaphore, #tpu.memory_space<semaphore_mem>>
      %dma_start3A_103 = arith.constant 0 : i32
      %dma_start3A_104 = tpu.memref_slice %arg3[%run_scoped3A_48, %dma_start3A_103] : memref<2x320000xi32, #tpu.memory_space<hbm>> -> memref<1x320000xi32, #tpu.memory_space<hbm>>
      %dma_start3A_105 = tpu.memref_squeeze %dma_start3A_104 : memref<1x320000xi32, #tpu.memory_space<hbm>> -> memref<320000xi32, #tpu.memory_space<hbm>>
      %dma_start3A_106 = tpu.memref_slice %dma_start3A_105[%mul3A_47] : memref<320000xi32, #tpu.memory_space<hbm>> -> memref<10000xi32, #tpu.memory_space<hbm>>
      %dma_start3A_107 = arith.constant 0 : i32
      %dma_start3A_108 = tpu.memref_slice %arg3[%run_scoped3A_48, %dma_start3A_107] : memref<2x320000xi32, #tpu.memory_space<hbm>> -> memref<1x320000xi32, #tpu.memory_space<hbm>>
      %dma_start3A_109 = tpu.memref_squeeze %dma_start3A_108 : memref<1x320000xi32, #tpu.memory_space<hbm>> -> memref<320000xi32, #tpu.memory_space<hbm>>
      %dma_start3A_110 = tpu.memref_slice %dma_start3A_109[%mul3A_47] : memref<320000xi32, #tpu.memory_space<hbm>> -> memref<10000xi32, #tpu.memory_space<hbm>>
      tpu.enqueue_dma source(%dma_start3A_110 : memref<10000xi32, #tpu.memory_space<hbm>>) target(%arg6 : memref<10000xi32, #tpu.memory_space<vmem>>) target_semaphore(%run_scoped3A_102 : memref<!tpu.dma_semaphore, #tpu.memory_space<semaphore_mem>>)
      %dma_wait3A = arith.constant 0 : i32
      %dma_wait3A_111 = tpu.memref_slice %arg3[%run_scoped3A_48, %dma_wait3A] : memref<2x320000xi32, #tpu.memory_space<hbm>> -> memref<1x320000xi32, #tpu.memory_space<hbm>>
      %dma_wait3A_112 = tpu.memref_squeeze %dma_wait3A_111 : memref<1x320000xi32, #tpu.memory_space<hbm>> -> memref<320000xi32, #tpu.memory_space<hbm>>
      %dma_wait3A_113 = tpu.memref_slice %dma_wait3A_112[%mul3A_47] : memref<320000xi32, #tpu.memory_space<hbm>> -> memref<10000xi32, #tpu.memory_space<hbm>>
      %dma_wait3A_114 = arith.constant 0 : i32
      %dma_wait3A_115 = tpu.memref_slice %arg3[%run_scoped3A_48, %dma_wait3A_114] : memref<2x320000xi32, #tpu.memory_space<hbm>> -> memref<1x320000xi32, #tpu.memory_space<hbm>>
      %dma_wait3A_116 = tpu.memref_squeeze %dma_wait3A_115 : memref<1x320000xi32, #tpu.memory_space<hbm>> -> memref<320000xi32, #tpu.memory_space<hbm>>
      %dma_wait3A_117 = tpu.memref_slice %dma_wait3A_116[%mul3A_47] : memref<320000xi32, #tpu.memory_space<hbm>> -> memref<10000xi32, #tpu.memory_space<hbm>>
      tpu.wait_dma2 semaphore(%run_scoped3A_102 : memref<!tpu.dma_semaphore, #tpu.memory_space<semaphore_mem>>) src(%dma_wait3A_117 : memref<10000xi32, #tpu.memory_space<hbm>>) dst(%arg6 : memref<10000xi32, #tpu.memory_space<vmem>>)
      tpu.yield
    }) : () -> ()
    %mul3A_49 = arith.constant 10000 : i32
    %mul3A_50 = arith.muli %add3A, %mul3A_49 : i32
    %run_scoped3A_51 = arith.constant 1 : i32
    "tpu.region"() ({
      %run_scoped3A_102 = tpu.sem_alloc : memref<!tpu.dma_semaphore, #tpu.memory_space<semaphore_mem>>
      %dma_start3A_103 = arith.constant 0 : i32
      %dma_start3A_104 = tpu.memref_slice %arg3[%run_scoped3A_51, %dma_start3A_103] : memref<2x320000xi32, #tpu.memory_space<hbm>> -> memref<1x320000xi32, #tpu.memory_space<hbm>>
      %dma_start3A_105 = tpu.memref_squeeze %dma_start3A_104 : memref<1x320000xi32, #tpu.memory_space<hbm>> -> memref<320000xi32, #tpu.memory_space<hbm>>
      %dma_start3A_106 = tpu.memref_slice %dma_start3A_105[%mul3A_50] : memref<320000xi32, #tpu.memory_space<hbm>> -> memref<10000xi32, #tpu.memory_space<hbm>>
      %dma_start3A_107 = arith.constant 0 : i32
      %dma_start3A_108 = tpu.memref_slice %arg3[%run_scoped3A_51, %dma_start3A_107] : memref<2x320000xi32, #tpu.memory_space<hbm>> -> memref<1x320000xi32, #tpu.memory_space<hbm>>
      %dma_start3A_109 = tpu.memref_squeeze %dma_start3A_108 : memref<1x320000xi32, #tpu.memory_space<hbm>> -> memref<320000xi32, #tpu.memory_space<hbm>>
      %dma_start3A_110 = tpu.memref_slice %dma_start3A_109[%mul3A_50] : memref<320000xi32, #tpu.memory_space<hbm>> -> memref<10000xi32, #tpu.memory_space<hbm>>
      tpu.enqueue_dma source(%dma_start3A_110 : memref<10000xi32, #tpu.memory_space<hbm>>) target(%arg7 : memref<10000xi32, #tpu.memory_space<vmem>>) target_semaphore(%run_scoped3A_102 : memref<!tpu.dma_semaphore, #tpu.memory_space<semaphore_mem>>)
      %dma_wait3A = arith.constant 0 : i32
      %dma_wait3A_111 = tpu.memref_slice %arg3[%run_scoped3A_51, %dma_wait3A] : memref<2x320000xi32, #tpu.memory_space<hbm>> -> memref<1x320000xi32, #tpu.memory_space<hbm>>
      %dma_wait3A_112 = tpu.memref_squeeze %dma_wait3A_111 : memref<1x320000xi32, #tpu.memory_space<hbm>> -> memref<320000xi32, #tpu.memory_space<hbm>>
      %dma_wait3A_113 = tpu.memref_slice %dma_wait3A_112[%mul3A_50] : memref<320000xi32, #tpu.memory_space<hbm>> -> memref<10000xi32, #tpu.memory_space<hbm>>
      %dma_wait3A_114 = arith.constant 0 : i32
      %dma_wait3A_115 = tpu.memref_slice %arg3[%run_scoped3A_51, %dma_wait3A_114] : memref<2x320000xi32, #tpu.memory_space<hbm>> -> memref<1x320000xi32, #tpu.memory_space<hbm>>
      %dma_wait3A_116 = tpu.memref_squeeze %dma_wait3A_115 : memref<1x320000xi32, #tpu.memory_space<hbm>> -> memref<320000xi32, #tpu.memory_space<hbm>>
      %dma_wait3A_117 = tpu.memref_slice %dma_wait3A_116[%mul3A_50] : memref<320000xi32, #tpu.memory_space<hbm>> -> memref<10000xi32, #tpu.memory_space<hbm>>
      tpu.wait_dma2 semaphore(%run_scoped3A_102 : memref<!tpu.dma_semaphore, #tpu.memory_space<semaphore_mem>>) src(%dma_wait3A_117 : memref<10000xi32, #tpu.memory_space<hbm>>) dst(%arg7 : memref<10000xi32, #tpu.memory_space<vmem>>)
      tpu.yield
    }) : () -> ()
    %dma_start3A = arith.constant 0 : i32
    %dma_start3A_52 = arith.constant 0 : i32
    %dma_start3A_53 = arith.constant 0 : i32
    %dma_start3A_54 = tpu.memref_slice %arg8[%dma_start3A, %dma_start3A_52, %dma_start3A_53] : memref<5x80x128xbf16, #tpu.memory_space<vmem>> -> memref<1x80x128xbf16, #tpu.memory_space<vmem>>
    %dma_start3A_55 = tpu.memref_squeeze %dma_start3A_54 : memref<1x80x128xbf16, #tpu.memory_space<vmem>> -> memref<80x128xbf16, #tpu.memory_space<vmem>>
    %dma_start3A_56 = arith.constant 0 : i32
    %dma_start3A_57 = tpu.memref_slice %arg6[%dma_start3A_56] : memref<10000xi32, #tpu.memory_space<vmem>> -> memref<80xi32, #tpu.memory_space<vmem>>
    %dma_start3A_58 = arith.constant 0 : i32
    %dma_start3A_59 = arith.constant 0 : i32
    %dma_start3A_60 = tpu.memref_slice %arg2[%dma_start3A_58, %dma_start3A_59] : memref<10000x128xbf16, #tpu.memory_space<hbm>> -> memref<10000x128xbf16, #tpu.memory_space<hbm>>
    tpu.enqueue_indirect_dma source(%dma_start3A_60 : memref<10000x128xbf16, #tpu.memory_space<hbm>>) target(%dma_start3A_55 : memref<80x128xbf16, #tpu.memory_space<vmem>>) offsets(%dma_start3A_57 : memref<80xi32, #tpu.memory_space<vmem>>) semaphore(%arg9 : memref<!tpu.dma_semaphore, #tpu.memory_space<semaphore_mem>>)
    %dma_start3A_61 = arith.constant 1 : i32
    %dma_start3A_62 = arith.constant 0 : i32
    %dma_start3A_63 = arith.constant 0 : i32
    %dma_start3A_64 = tpu.memref_slice %arg8[%dma_start3A_61, %dma_start3A_62, %dma_start3A_63] : memref<5x80x128xbf16, #tpu.memory_space<vmem>> -> memref<1x80x128xbf16, #tpu.memory_space<vmem>>
    %dma_start3A_65 = tpu.memref_squeeze %dma_start3A_64 : memref<1x80x128xbf16, #tpu.memory_space<vmem>> -> memref<80x128xbf16, #tpu.memory_space<vmem>>
    %dma_start3A_66 = arith.constant 80 : i32
    %dma_start3A_67 = tpu.memref_slice %arg6[%dma_start3A_66] : memref<10000xi32, #tpu.memory_space<vmem>> -> memref<80xi32, #tpu.memory_space<vmem>>
    %dma_start3A_68 = arith.constant 0 : i32
    %dma_start3A_69 = arith.constant 0 : i32
    %dma_start3A_70 = tpu.memref_slice %arg2[%dma_start3A_68, %dma_start3A_69] : memref<10000x128xbf16, #tpu.memory_space<hbm>> -> memref<10000x128xbf16, #tpu.memory_space<hbm>>
    tpu.enqueue_indirect_dma source(%dma_start3A_70 : memref<10000x128xbf16, #tpu.memory_space<hbm>>) target(%dma_start3A_65 : memref<80x128xbf16, #tpu.memory_space<vmem>>) offsets(%dma_start3A_67 : memref<80xi32, #tpu.memory_space<vmem>>) semaphore(%arg10 : memref<!tpu.dma_semaphore, #tpu.memory_space<semaphore_mem>>)
    %dma_start3A_71 = arith.constant 2 : i32
    %dma_start3A_72 = arith.constant 0 : i32
    %dma_start3A_73 = arith.constant 0 : i32
    %dma_start3A_74 = tpu.memref_slice %arg8[%dma_start3A_71, %dma_start3A_72, %dma_start3A_73] : memref<5x80x128xbf16, #tpu.memory_space<vmem>> -> memref<1x80x128xbf16, #tpu.memory_space<vmem>>
    %dma_start3A_75 = tpu.memref_squeeze %dma_start3A_74 : memref<1x80x128xbf16, #tpu.memory_space<vmem>> -> memref<80x128xbf16, #tpu.memory_space<vmem>>
    %dma_start3A_76 = arith.constant 160 : i32
    %dma_start3A_77 = tpu.memref_slice %arg6[%dma_start3A_76] : memref<10000xi32, #tpu.memory_space<vmem>> -> memref<80xi32, #tpu.memory_space<vmem>>
    %dma_start3A_78 = arith.constant 0 : i32
    %dma_start3A_79 = arith.constant 0 : i32
    %dma_start3A_80 = tpu.memref_slice %arg2[%dma_start3A_78, %dma_start3A_79] : memref<10000x128xbf16, #tpu.memory_space<hbm>> -> memref<10000x128xbf16, #tpu.memory_space<hbm>>
    tpu.enqueue_indirect_dma source(%dma_start3A_80 : memref<10000x128xbf16, #tpu.memory_space<hbm>>) target(%dma_start3A_75 : memref<80x128xbf16, #tpu.memory_space<vmem>>) offsets(%dma_start3A_77 : memref<80xi32, #tpu.memory_space<vmem>>) semaphore(%arg11 : memref<!tpu.dma_semaphore, #tpu.memory_space<semaphore_mem>>)
    %dma_start3A_81 = arith.constant 3 : i32
    %dma_start3A_82 = arith.constant 0 : i32
    %dma_start3A_83 = arith.constant 0 : i32
    %dma_start3A_84 = tpu.memref_slice %arg8[%dma_start3A_81, %dma_start3A_82, %dma_start3A_83] : memref<5x80x128xbf16, #tpu.memory_space<vmem>> -> memref<1x80x128xbf16, #tpu.memory_space<vmem>>
    %dma_start3A_85 = tpu.memref_squeeze %dma_start3A_84 : memref<1x80x128xbf16, #tpu.memory_space<vmem>> -> memref<80x128xbf16, #tpu.memory_space<vmem>>
    %dma_start3A_86 = arith.constant 240 : i32
    %dma_start3A_87 = tpu.memref_slice %arg6[%dma_start3A_86] : memref<10000xi32, #tpu.memory_space<vmem>> -> memref<80xi32, #tpu.memory_space<vmem>>
    %dma_start3A_88 = arith.constant 0 : i32
    %dma_start3A_89 = arith.constant 0 : i32
    %dma_start3A_90 = tpu.memref_slice %arg2[%dma_start3A_88, %dma_start3A_89] : memref<10000x128xbf16, #tpu.memory_space<hbm>> -> memref<10000x128xbf16, #tpu.memory_space<hbm>>
    tpu.enqueue_indirect_dma source(%dma_start3A_90 : memref<10000x128xbf16, #tpu.memory_space<hbm>>) target(%dma_start3A_85 : memref<80x128xbf16, #tpu.memory_space<vmem>>) offsets(%dma_start3A_87 : memref<80xi32, #tpu.memory_space<vmem>>) semaphore(%arg12 : memref<!tpu.dma_semaphore, #tpu.memory_space<semaphore_mem>>)
    %scan3A_91 = arith.constant 0 : i32
    %scan3A_92 = arith.constant 0 : i32
    %scan3A_93 = arith.constant 25 : i32
    %scan3A_94 = arith.addi %scan3A_92, %scan3A_93 : i32
    %scan3A_95 = arith.constant 1 : i32
    scf.for %scan3A_102 = %scan3A_92 to %scan3A_94 step %scan3A_95  : i32 {
      %mul3A_103 = arith.constant 5 : i32
      %mul3A_104 = arith.muli %scan3A_102, %mul3A_103 : i32
      %add3A_105 = arith.constant 0 : i32
      %add3A_106 = arith.addi %mul3A_104, %add3A_105 : i32
      %mul3A_107 = arith.constant 80 : i32
      %mul3A_108 = arith.muli %add3A_106, %mul3A_107 : i32
      %dma_wait3A = arith.constant 0 : i32
      %dma_wait3A_109 = arith.constant 0 : i32
      %dma_wait3A_110 = arith.constant 0 : i32
      %dma_wait3A_111 = tpu.memref_slice %arg8[%dma_wait3A, %dma_wait3A_109, %dma_wait3A_110] : memref<5x80x128xbf16, #tpu.memory_space<vmem>> -> memref<1x80x128xbf16, #tpu.memory_space<vmem>>
      %dma_wait3A_112 = tpu.memref_squeeze %dma_wait3A_111 : memref<1x80x128xbf16, #tpu.memory_space<vmem>> -> memref<80x128xbf16, #tpu.memory_space<vmem>>
      %dma_wait3A_113 = tpu.memref_slice %arg6[%mul3A_108] : memref<10000xi32, #tpu.memory_space<vmem>> -> memref<80xi32, #tpu.memory_space<vmem>>
      %dma_wait3A_114 = arith.constant 0 : i32
      %dma_wait3A_115 = arith.constant 0 : i32
      %dma_wait3A_116 = tpu.memref_slice %arg2[%dma_wait3A_114, %dma_wait3A_115] : memref<10000x128xbf16, #tpu.memory_space<hbm>> -> memref<10000x128xbf16, #tpu.memory_space<hbm>>
      tpu.wait_indirect_dma semaphore(%arg9 : memref<!tpu.dma_semaphore, #tpu.memory_space<semaphore_mem>>) src(%dma_wait3A_116 : memref<10000x128xbf16, #tpu.memory_space<hbm>>) dst(%dma_wait3A_112 : memref<80x128xbf16, #tpu.memory_space<vmem>>)
      %add3A_117 = arith.constant 5 : i32
      %add3A_118 = arith.addi %add3A_106, %add3A_117 : i32
      %sub3A = arith.constant 1 : i32
      %sub3A_119 = arith.subi %add3A_118, %sub3A : i32
      %lt3A = arith.constant 125 : i32
      %lt3A_120 = arith.cmpi slt, %sub3A_119, %lt3A : i32
      %convert_element_type3A = arith.extui %lt3A_120 : i1 to i32
      %cond3A = arith.constant 0 : i32
      %cond3A_121 = arith.cmpi ne, %convert_element_type3A, %cond3A : i32
      scf.if %cond3A_121 {
        %add3A_225 = arith.constant 5 : i32
        %add3A_226 = arith.addi %add3A_106, %add3A_225 : i32
        %sub3A_227 = arith.constant 1 : i32
        %sub3A_228 = arith.subi %add3A_226, %sub3A_227 : i32
        %mul3A_229 = arith.constant 80 : i32
        %mul3A_230 = arith.muli %sub3A_228, %mul3A_229 : i32
        %dma_start3A_231 = arith.constant 4 : i32
        %dma_start3A_232 = arith.constant 0 : i32
        %dma_start3A_233 = arith.constant 0 : i32
        %dma_start3A_234 = tpu.memref_slice %arg8[%dma_start3A_231, %dma_start3A_232, %dma_start3A_233] : memref<5x80x128xbf16, #tpu.memory_space<vmem>> -> memref<1x80x128xbf16, #tpu.memory_space<vmem>>
        %dma_start3A_235 = tpu.memref_squeeze %dma_start3A_234 : memref<1x80x128xbf16, #tpu.memory_space<vmem>> -> memref<80x128xbf16, #tpu.memory_space<vmem>>
        %dma_start3A_236 = tpu.memref_slice %arg6[%mul3A_230] : memref<10000xi32, #tpu.memory_space<vmem>> -> memref<80xi32, #tpu.memory_space<vmem>>
        %dma_start3A_237 = arith.constant 0 : i32
        %dma_start3A_238 = arith.constant 0 : i32
        %dma_start3A_239 = tpu.memref_slice %arg2[%dma_start3A_237, %dma_start3A_238] : memref<10000x128xbf16, #tpu.memory_space<hbm>> -> memref<10000x128xbf16, #tpu.memory_space<hbm>>
        tpu.enqueue_indirect_dma source(%dma_start3A_239 : memref<10000x128xbf16, #tpu.memory_space<hbm>>) target(%dma_start3A_235 : memref<80x128xbf16, #tpu.memory_space<vmem>>) offsets(%dma_start3A_236 : memref<80xi32, #tpu.memory_space<vmem>>) semaphore(%arg13 : memref<!tpu.dma_semaphore, #tpu.memory_space<semaphore_mem>>)
      } else {
      }
      %mul3A_122 = arith.constant 80 : i32
      %mul3A_123 = arith.muli %add3A_106, %mul3A_122 : i32
      %run_scoped3A_124 = arith.constant 0 : i32
      "tpu.region"() ({
        %run_scoped3A_225 = tpu.sem_alloc : memref<!tpu.dma_semaphore, #tpu.memory_space<semaphore_mem>>
        %dma_start3A_226 = arith.constant 0 : i32
        %dma_start3A_227 = arith.constant 0 : i32
        %dma_start3A_228 = tpu.memref_slice %arg8[%run_scoped3A_124, %dma_start3A_226, %dma_start3A_227] : memref<5x80x128xbf16, #tpu.memory_space<vmem>> -> memref<1x80x128xbf16, #tpu.memory_space<vmem>>
        %dma_start3A_229 = tpu.memref_squeeze %dma_start3A_228 : memref<1x80x128xbf16, #tpu.memory_space<vmem>> -> memref<80x128xbf16, #tpu.memory_space<vmem>>
        %dma_start3A_230 = tpu.memref_slice %arg7[%mul3A_123] : memref<10000xi32, #tpu.memory_space<vmem>> -> memref<80xi32, #tpu.memory_space<vmem>>
        %dma_start3A_231 = arith.constant 0 : i32
        %dma_start3A_232 = arith.constant 0 : i32
        %dma_start3A_233 = tpu.memref_slice %arg5[%dma_start3A_231, %dma_start3A_232] : memref<10240x128xbf16, #tpu.memory_space<vmem_shared>> -> memref<10240x128xbf16, #tpu.memory_space<vmem_shared>>
        tpu.enqueue_indirect_dma source(%dma_start3A_229 : memref<80x128xbf16, #tpu.memory_space<vmem>>) target(%dma_start3A_233 : memref<10240x128xbf16, #tpu.memory_space<vmem_shared>>) offsets(%dma_start3A_230 : memref<80xi32, #tpu.memory_space<vmem>>) semaphore(%run_scoped3A_225 : memref<!tpu.dma_semaphore, #tpu.memory_space<semaphore_mem>>) {add = true}
        %dma_wait3A_234 = arith.constant 0 : i32
        %dma_wait3A_235 = arith.constant 0 : i32
        %dma_wait3A_236 = tpu.memref_slice %arg8[%run_scoped3A_124, %dma_wait3A_234, %dma_wait3A_235] : memref<5x80x128xbf16, #tpu.memory_space<vmem>> -> memref<1x80x128xbf16, #tpu.memory_space<vmem>>
        %dma_wait3A_237 = tpu.memref_squeeze %dma_wait3A_236 : memref<1x80x128xbf16, #tpu.memory_space<vmem>> -> memref<80x128xbf16, #tpu.memory_space<vmem>>
        %dma_wait3A_238 = tpu.memref_slice %arg7[%mul3A_123] : memref<10000xi32, #tpu.memory_space<vmem>> -> memref<80xi32, #tpu.memory_space<vmem>>
        %dma_wait3A_239 = arith.constant 0 : i32
        %dma_wait3A_240 = arith.constant 0 : i32
        %dma_wait3A_241 = tpu.memref_slice %arg5[%dma_wait3A_239, %dma_wait3A_240] : memref<10240x128xbf16, #tpu.memory_space<vmem_shared>> -> memref<10240x128xbf16, #tpu.memory_space<vmem_shared>>
        tpu.wait_indirect_dma semaphore(%run_scoped3A_225 : memref<!tpu.dma_semaphore, #tpu.memory_space<semaphore_mem>>) src(%dma_wait3A_237 : memref<80x128xbf16, #tpu.memory_space<vmem>>) dst(%dma_wait3A_241 : memref<10240x128xbf16, #tpu.memory_space<vmem_shared>>)
        tpu.yield
      }) : () -> ()
      %add3A_125 = arith.constant 1 : i32
      %add3A_126 = arith.addi %mul3A_104, %add3A_125 : i32
      %mul3A_127 = arith.constant 80 : i32
      %mul3A_128 = arith.muli %add3A_126, %mul3A_127 : i32
      %dma_wait3A_129 = arith.constant 1 : i32
      %dma_wait3A_130 = arith.constant 0 : i32
      %dma_wait3A_131 = arith.constant 0 : i32
      %dma_wait3A_132 = tpu.memref_slice %arg8[%dma_wait3A_129, %dma_wait3A_130, %dma_wait3A_131] : memref<5x80x128xbf16, #tpu.memory_space<vmem>> -> memref<1x80x128xbf16, #tpu.memory_space<vmem>>
      %dma_wait3A_133 = tpu.memref_squeeze %dma_wait3A_132 : memref<1x80x128xbf16, #tpu.memory_space<vmem>> -> memref<80x128xbf16, #tpu.memory_space<vmem>>
      %dma_wait3A_134 = tpu.memref_slice %arg6[%mul3A_128] : memref<10000xi32, #tpu.memory_space<vmem>> -> memref<80xi32, #tpu.memory_space<vmem>>
      %dma_wait3A_135 = arith.constant 0 : i32
      %dma_wait3A_136 = arith.constant 0 : i32
      %dma_wait3A_137 = tpu.memref_slice %arg2[%dma_wait3A_135, %dma_wait3A_136] : memref<10000x128xbf16, #tpu.memory_space<hbm>> -> memref<10000x128xbf16, #tpu.memory_space<hbm>>
      tpu.wait_indirect_dma semaphore(%arg10 : memref<!tpu.dma_semaphore, #tpu.memory_space<semaphore_mem>>) src(%dma_wait3A_137 : memref<10000x128xbf16, #tpu.memory_space<hbm>>) dst(%dma_wait3A_133 : memref<80x128xbf16, #tpu.memory_space<vmem>>)
      %add3A_138 = arith.constant 5 : i32
      %add3A_139 = arith.addi %add3A_126, %add3A_138 : i32
      %sub3A_140 = arith.constant 1 : i32
      %sub3A_141 = arith.subi %add3A_139, %sub3A_140 : i32
      %lt3A_142 = arith.constant 125 : i32
      %lt3A_143 = arith.cmpi slt, %sub3A_141, %lt3A_142 : i32
      %convert_element_type3A_144 = arith.extui %lt3A_143 : i1 to i32
      %cond3A_145 = arith.constant 0 : i32
      %cond3A_146 = arith.cmpi ne, %convert_element_type3A_144, %cond3A_145 : i32
      scf.if %cond3A_146 {
        %add3A_225 = arith.constant 5 : i32
        %add3A_226 = arith.addi %add3A_126, %add3A_225 : i32
        %sub3A_227 = arith.constant 1 : i32
        %sub3A_228 = arith.subi %add3A_226, %sub3A_227 : i32
        %mul3A_229 = arith.constant 80 : i32
        %mul3A_230 = arith.muli %sub3A_228, %mul3A_229 : i32
        %dma_start3A_231 = arith.constant 0 : i32
        %dma_start3A_232 = arith.constant 0 : i32
        %dma_start3A_233 = arith.constant 0 : i32
        %dma_start3A_234 = tpu.memref_slice %arg8[%dma_start3A_231, %dma_start3A_232, %dma_start3A_233] : memref<5x80x128xbf16, #tpu.memory_space<vmem>> -> memref<1x80x128xbf16, #tpu.memory_space<vmem>>
        %dma_start3A_235 = tpu.memref_squeeze %dma_start3A_234 : memref<1x80x128xbf16, #tpu.memory_space<vmem>> -> memref<80x128xbf16, #tpu.memory_space<vmem>>
        %dma_start3A_236 = tpu.memref_slice %arg6[%mul3A_230] : memref<10000xi32, #tpu.memory_space<vmem>> -> memref<80xi32, #tpu.memory_space<vmem>>
        %dma_start3A_237 = arith.constant 0 : i32
        %dma_start3A_238 = arith.constant 0 : i32
        %dma_start3A_239 = tpu.memref_slice %arg2[%dma_start3A_237, %dma_start3A_238] : memref<10000x128xbf16, #tpu.memory_space<hbm>> -> memref<10000x128xbf16, #tpu.memory_space<hbm>>
        tpu.enqueue_indirect_dma source(%dma_start3A_239 : memref<10000x128xbf16, #tpu.memory_space<hbm>>) target(%dma_start3A_235 : memref<80x128xbf16, #tpu.memory_space<vmem>>) offsets(%dma_start3A_236 : memref<80xi32, #tpu.memory_space<vmem>>) semaphore(%arg9 : memref<!tpu.dma_semaphore, #tpu.memory_space<semaphore_mem>>)
      } else {
      }
      %mul3A_147 = arith.constant 80 : i32
      %mul3A_148 = arith.muli %add3A_126, %mul3A_147 : i32
      %run_scoped3A_149 = arith.constant 1 : i32
      "tpu.region"() ({
        %run_scoped3A_225 = tpu.sem_alloc : memref<!tpu.dma_semaphore, #tpu.memory_space<semaphore_mem>>
        %dma_start3A_226 = arith.constant 0 : i32
        %dma_start3A_227 = arith.constant 0 : i32
        %dma_start3A_228 = tpu.memref_slice %arg8[%run_scoped3A_149, %dma_start3A_226, %dma_start3A_227] : memref<5x80x128xbf16, #tpu.memory_space<vmem>> -> memref<1x80x128xbf16, #tpu.memory_space<vmem>>
        %dma_start3A_229 = tpu.memref_squeeze %dma_start3A_228 : memref<1x80x128xbf16, #tpu.memory_space<vmem>> -> memref<80x128xbf16, #tpu.memory_space<vmem>>
        %dma_start3A_230 = tpu.memref_slice %arg7[%mul3A_148] : memref<10000xi32, #tpu.memory_space<vmem>> -> memref<80xi32, #tpu.memory_space<vmem>>
        %dma_start3A_231 = arith.constant 0 : i32
        %dma_start3A_232 = arith.constant 0 : i32
        %dma_start3A_233 = tpu.memref_slice %arg5[%dma_start3A_231, %dma_start3A_232] : memref<10240x128xbf16, #tpu.memory_space<vmem_shared>> -> memref<10240x128xbf16, #tpu.memory_space<vmem_shared>>
        tpu.enqueue_indirect_dma source(%dma_start3A_229 : memref<80x128xbf16, #tpu.memory_space<vmem>>) target(%dma_start3A_233 : memref<10240x128xbf16, #tpu.memory_space<vmem_shared>>) offsets(%dma_start3A_230 : memref<80xi32, #tpu.memory_space<vmem>>) semaphore(%run_scoped3A_225 : memref<!tpu.dma_semaphore, #tpu.memory_space<semaphore_mem>>) {add = true}
        %dma_wait3A_234 = arith.constant 0 : i32
        %dma_wait3A_235 = arith.constant 0 : i32
        %dma_wait3A_236 = tpu.memref_slice %arg8[%run_scoped3A_149, %dma_wait3A_234, %dma_wait3A_235] : memref<5x80x128xbf16, #tpu.memory_space<vmem>> -> memref<1x80x128xbf16, #tpu.memory_space<vmem>>
        %dma_wait3A_237 = tpu.memref_squeeze %dma_wait3A_236 : memref<1x80x128xbf16, #tpu.memory_space<vmem>> -> memref<80x128xbf16, #tpu.memory_space<vmem>>
        %dma_wait3A_238 = tpu.memref_slice %arg7[%mul3A_148] : memref<10000xi32, #tpu.memory_space<vmem>> -> memref<80xi32, #tpu.memory_space<vmem>>
        %dma_wait3A_239 = arith.constant 0 : i32
        %dma_wait3A_240 = arith.constant 0 : i32
        %dma_wait3A_241 = tpu.memref_slice %arg5[%dma_wait3A_239, %dma_wait3A_240] : memref<10240x128xbf16, #tpu.memory_space<vmem_shared>> -> memref<10240x128xbf16, #tpu.memory_space<vmem_shared>>
        tpu.wait_indirect_dma semaphore(%run_scoped3A_225 : memref<!tpu.dma_semaphore, #tpu.memory_space<semaphore_mem>>) src(%dma_wait3A_237 : memref<80x128xbf16, #tpu.memory_space<vmem>>) dst(%dma_wait3A_241 : memref<10240x128xbf16, #tpu.memory_space<vmem_shared>>)
        tpu.yield
      }) : () -> ()
      %add3A_150 = arith.constant 2 : i32
      %add3A_151 = arith.addi %mul3A_104, %add3A_150 : i32
      %mul3A_152 = arith.constant 80 : i32
      %mul3A_153 = arith.muli %add3A_151, %mul3A_152 : i32
      %dma_wait3A_154 = arith.constant 2 : i32
      %dma_wait3A_155 = arith.constant 0 : i32
      %dma_wait3A_156 = arith.constant 0 : i32
      %dma_wait3A_157 = tpu.memref_slice %arg8[%dma_wait3A_154, %dma_wait3A_155, %dma_wait3A_156] : memref<5x80x128xbf16, #tpu.memory_space<vmem>> -> memref<1x80x128xbf16, #tpu.memory_space<vmem>>
      %dma_wait3A_158 = tpu.memref_squeeze %dma_wait3A_157 : memref<1x80x128xbf16, #tpu.memory_space<vmem>> -> memref<80x128xbf16, #tpu.memory_space<vmem>>
      %dma_wait3A_159 = tpu.memref_slice %arg6[%mul3A_153] : memref<10000xi32, #tpu.memory_space<vmem>> -> memref<80xi32, #tpu.memory_space<vmem>>
      %dma_wait3A_160 = arith.constant 0 : i32
      %dma_wait3A_161 = arith.constant 0 : i32
      %dma_wait3A_162 = tpu.memref_slice %arg2[%dma_wait3A_160, %dma_wait3A_161] : memref<10000x128xbf16, #tpu.memory_space<hbm>> -> memref<10000x128xbf16, #tpu.memory_space<hbm>>
      tpu.wait_indirect_dma semaphore(%arg11 : memref<!tpu.dma_semaphore, #tpu.memory_space<semaphore_mem>>) src(%dma_wait3A_162 : memref<10000x128xbf16, #tpu.memory_space<hbm>>) dst(%dma_wait3A_158 : memref<80x128xbf16, #tpu.memory_space<vmem>>)
      %add3A_163 = arith.constant 5 : i32
      %add3A_164 = arith.addi %add3A_151, %add3A_163 : i32
      %sub3A_165 = arith.constant 1 : i32
      %sub3A_166 = arith.subi %add3A_164, %sub3A_165 : i32
      %lt3A_167 = arith.constant 125 : i32
      %lt3A_168 = arith.cmpi slt, %sub3A_166, %lt3A_167 : i32
      %convert_element_type3A_169 = arith.extui %lt3A_168 : i1 to i32
      %cond3A_170 = arith.constant 0 : i32
      %cond3A_171 = arith.cmpi ne, %convert_element_type3A_169, %cond3A_170 : i32
      scf.if %cond3A_171 {
        %add3A_225 = arith.constant 5 : i32
        %add3A_226 = arith.addi %add3A_151, %add3A_225 : i32
        %sub3A_227 = arith.constant 1 : i32
        %sub3A_228 = arith.subi %add3A_226, %sub3A_227 : i32
        %mul3A_229 = arith.constant 80 : i32
        %mul3A_230 = arith.muli %sub3A_228, %mul3A_229 : i32
        %dma_start3A_231 = arith.constant 1 : i32
        %dma_start3A_232 = arith.constant 0 : i32
        %dma_start3A_233 = arith.constant 0 : i32
        %dma_start3A_234 = tpu.memref_slice %arg8[%dma_start3A_231, %dma_start3A_232, %dma_start3A_233] : memref<5x80x128xbf16, #tpu.memory_space<vmem>> -> memref<1x80x128xbf16, #tpu.memory_space<vmem>>
        %dma_start3A_235 = tpu.memref_squeeze %dma_start3A_234 : memref<1x80x128xbf16, #tpu.memory_space<vmem>> -> memref<80x128xbf16, #tpu.memory_space<vmem>>
        %dma_start3A_236 = tpu.memref_slice %arg6[%mul3A_230] : memref<10000xi32, #tpu.memory_space<vmem>> -> memref<80xi32, #tpu.memory_space<vmem>>
        %dma_start3A_237 = arith.constant 0 : i32
        %dma_start3A_238 = arith.constant 0 : i32
        %dma_start3A_239 = tpu.memref_slice %arg2[%dma_start3A_237, %dma_start3A_238] : memref<10000x128xbf16, #tpu.memory_space<hbm>> -> memref<10000x128xbf16, #tpu.memory_space<hbm>>
        tpu.enqueue_indirect_dma source(%dma_start3A_239 : memref<10000x128xbf16, #tpu.memory_space<hbm>>) target(%dma_start3A_235 : memref<80x128xbf16, #tpu.memory_space<vmem>>) offsets(%dma_start3A_236 : memref<80xi32, #tpu.memory_space<vmem>>) semaphore(%arg10 : memref<!tpu.dma_semaphore, #tpu.memory_space<semaphore_mem>>)
      } else {
      }
      %mul3A_172 = arith.constant 80 : i32
      %mul3A_173 = arith.muli %add3A_151, %mul3A_172 : i32
      %run_scoped3A_174 = arith.constant 2 : i32
      "tpu.region"() ({
        %run_scoped3A_225 = tpu.sem_alloc : memref<!tpu.dma_semaphore, #tpu.memory_space<semaphore_mem>>
        %dma_start3A_226 = arith.constant 0 : i32
        %dma_start3A_227 = arith.constant 0 : i32
        %dma_start3A_228 = tpu.memref_slice %arg8[%run_scoped3A_174, %dma_start3A_226, %dma_start3A_227] : memref<5x80x128xbf16, #tpu.memory_space<vmem>> -> memref<1x80x128xbf16, #tpu.memory_space<vmem>>
        %dma_start3A_229 = tpu.memref_squeeze %dma_start3A_228 : memref<1x80x128xbf16, #tpu.memory_space<vmem>> -> memref<80x128xbf16, #tpu.memory_space<vmem>>
        %dma_start3A_230 = tpu.memref_slice %arg7[%mul3A_173] : memref<10000xi32, #tpu.memory_space<vmem>> -> memref<80xi32, #tpu.memory_space<vmem>>
        %dma_start3A_231 = arith.constant 0 : i32
        %dma_start3A_232 = arith.constant 0 : i32
        %dma_start3A_233 = tpu.memref_slice %arg5[%dma_start3A_231, %dma_start3A_232] : memref<10240x128xbf16, #tpu.memory_space<vmem_shared>> -> memref<10240x128xbf16, #tpu.memory_space<vmem_shared>>
        tpu.enqueue_indirect_dma source(%dma_start3A_229 : memref<80x128xbf16, #tpu.memory_space<vmem>>) target(%dma_start3A_233 : memref<10240x128xbf16, #tpu.memory_space<vmem_shared>>) offsets(%dma_start3A_230 : memref<80xi32, #tpu.memory_space<vmem>>) semaphore(%run_scoped3A_225 : memref<!tpu.dma_semaphore, #tpu.memory_space<semaphore_mem>>) {add = true}
        %dma_wait3A_234 = arith.constant 0 : i32
        %dma_wait3A_235 = arith.constant 0 : i32
        %dma_wait3A_236 = tpu.memref_slice %arg8[%run_scoped3A_174, %dma_wait3A_234, %dma_wait3A_235] : memref<5x80x128xbf16, #tpu.memory_space<vmem>> -> memref<1x80x128xbf16, #tpu.memory_space<vmem>>
        %dma_wait3A_237 = tpu.memref_squeeze %dma_wait3A_236 : memref<1x80x128xbf16, #tpu.memory_space<vmem>> -> memref<80x128xbf16, #tpu.memory_space<vmem>>
        %dma_wait3A_238 = tpu.memref_slice %arg7[%mul3A_173] : memref<10000xi32, #tpu.memory_space<vmem>> -> memref<80xi32, #tpu.memory_space<vmem>>
        %dma_wait3A_239 = arith.constant 0 : i32
        %dma_wait3A_240 = arith.constant 0 : i32
        %dma_wait3A_241 = tpu.memref_slice %arg5[%dma_wait3A_239, %dma_wait3A_240] : memref<10240x128xbf16, #tpu.memory_space<vmem_shared>> -> memref<10240x128xbf16, #tpu.memory_space<vmem_shared>>
        tpu.wait_indirect_dma semaphore(%run_scoped3A_225 : memref<!tpu.dma_semaphore, #tpu.memory_space<semaphore_mem>>) src(%dma_wait3A_237 : memref<80x128xbf16, #tpu.memory_space<vmem>>) dst(%dma_wait3A_241 : memref<10240x128xbf16, #tpu.memory_space<vmem_shared>>)
        tpu.yield
      }) : () -> ()
      %add3A_175 = arith.constant 3 : i32
      %add3A_176 = arith.addi %mul3A_104, %add3A_175 : i32
      %mul3A_177 = arith.constant 80 : i32
      %mul3A_178 = arith.muli %add3A_176, %mul3A_177 : i32
      %dma_wait3A_179 = arith.constant 3 : i32
      %dma_wait3A_180 = arith.constant 0 : i32
      %dma_wait3A_181 = arith.constant 0 : i32
      %dma_wait3A_182 = tpu.memref_slice %arg8[%dma_wait3A_179, %dma_wait3A_180, %dma_wait3A_181] : memref<5x80x128xbf16, #tpu.memory_space<vmem>> -> memref<1x80x128xbf16, #tpu.memory_space<vmem>>
      %dma_wait3A_183 = tpu.memref_squeeze %dma_wait3A_182 : memref<1x80x128xbf16, #tpu.memory_space<vmem>> -> memref<80x128xbf16, #tpu.memory_space<vmem>>
      %dma_wait3A_184 = tpu.memref_slice %arg6[%mul3A_178] : memref<10000xi32, #tpu.memory_space<vmem>> -> memref<80xi32, #tpu.memory_space<vmem>>
      %dma_wait3A_185 = arith.constant 0 : i32
      %dma_wait3A_186 = arith.constant 0 : i32
      %dma_wait3A_187 = tpu.memref_slice %arg2[%dma_wait3A_185, %dma_wait3A_186] : memref<10000x128xbf16, #tpu.memory_space<hbm>> -> memref<10000x128xbf16, #tpu.memory_space<hbm>>
      tpu.wait_indirect_dma semaphore(%arg12 : memref<!tpu.dma_semaphore, #tpu.memory_space<semaphore_mem>>) src(%dma_wait3A_187 : memref<10000x128xbf16, #tpu.memory_space<hbm>>) dst(%dma_wait3A_183 : memref<80x128xbf16, #tpu.memory_space<vmem>>)
      %add3A_188 = arith.constant 5 : i32
      %add3A_189 = arith.addi %add3A_176, %add3A_188 : i32
      %sub3A_190 = arith.constant 1 : i32
      %sub3A_191 = arith.subi %add3A_189, %sub3A_190 : i32
      %lt3A_192 = arith.constant 125 : i32
      %lt3A_193 = arith.cmpi slt, %sub3A_191, %lt3A_192 : i32
      %convert_element_type3A_194 = arith.extui %lt3A_193 : i1 to i32
      %cond3A_195 = arith.constant 0 : i32
      %cond3A_196 = arith.cmpi ne, %convert_element_type3A_194, %cond3A_195 : i32
      scf.if %cond3A_196 {
        %add3A_225 = arith.constant 5 : i32
        %add3A_226 = arith.addi %add3A_176, %add3A_225 : i32
        %sub3A_227 = arith.constant 1 : i32
        %sub3A_228 = arith.subi %add3A_226, %sub3A_227 : i32
        %mul3A_229 = arith.constant 80 : i32
        %mul3A_230 = arith.muli %sub3A_228, %mul3A_229 : i32
        %dma_start3A_231 = arith.constant 2 : i32
        %dma_start3A_232 = arith.constant 0 : i32
        %dma_start3A_233 = arith.constant 0 : i32
        %dma_start3A_234 = tpu.memref_slice %arg8[%dma_start3A_231, %dma_start3A_232, %dma_start3A_233] : memref<5x80x128xbf16, #tpu.memory_space<vmem>> -> memref<1x80x128xbf16, #tpu.memory_space<vmem>>
        %dma_start3A_235 = tpu.memref_squeeze %dma_start3A_234 : memref<1x80x128xbf16, #tpu.memory_space<vmem>> -> memref<80x128xbf16, #tpu.memory_space<vmem>>
        %dma_start3A_236 = tpu.memref_slice %arg6[%mul3A_230] : memref<10000xi32, #tpu.memory_space<vmem>> -> memref<80xi32, #tpu.memory_space<vmem>>
        %dma_start3A_237 = arith.constant 0 : i32
        %dma_start3A_238 = arith.constant 0 : i32
        %dma_start3A_239 = tpu.memref_slice %arg2[%dma_start3A_237, %dma_start3A_238] : memref<10000x128xbf16, #tpu.memory_space<hbm>> -> memref<10000x128xbf16, #tpu.memory_space<hbm>>
        tpu.enqueue_indirect_dma source(%dma_start3A_239 : memref<10000x128xbf16, #tpu.memory_space<hbm>>) target(%dma_start3A_235 : memref<80x128xbf16, #tpu.memory_space<vmem>>) offsets(%dma_start3A_236 : memref<80xi32, #tpu.memory_space<vmem>>) semaphore(%arg11 : memref<!tpu.dma_semaphore, #tpu.memory_space<semaphore_mem>>)
      } else {
      }
      %mul3A_197 = arith.constant 80 : i32
      %mul3A_198 = arith.muli %add3A_176, %mul3A_197 : i32
      %run_scoped3A_199 = arith.constant 3 : i32
      "tpu.region"() ({
        %run_scoped3A_225 = tpu.sem_alloc : memref<!tpu.dma_semaphore, #tpu.memory_space<semaphore_mem>>
        %dma_start3A_226 = arith.constant 0 : i32
        %dma_start3A_227 = arith.constant 0 : i32
        %dma_start3A_228 = tpu.memref_slice %arg8[%run_scoped3A_199, %dma_start3A_226, %dma_start3A_227] : memref<5x80x128xbf16, #tpu.memory_space<vmem>> -> memref<1x80x128xbf16, #tpu.memory_space<vmem>>
        %dma_start3A_229 = tpu.memref_squeeze %dma_start3A_228 : memref<1x80x128xbf16, #tpu.memory_space<vmem>> -> memref<80x128xbf16, #tpu.memory_space<vmem>>
        %dma_start3A_230 = tpu.memref_slice %arg7[%mul3A_198] : memref<10000xi32, #tpu.memory_space<vmem>> -> memref<80xi32, #tpu.memory_space<vmem>>
        %dma_start3A_231 = arith.constant 0 : i32
        %dma_start3A_232 = arith.constant 0 : i32
        %dma_start3A_233 = tpu.memref_slice %arg5[%dma_start3A_231, %dma_start3A_232] : memref<10240x128xbf16, #tpu.memory_space<vmem_shared>> -> memref<10240x128xbf16, #tpu.memory_space<vmem_shared>>
        tpu.enqueue_indirect_dma source(%dma_start3A_229 : memref<80x128xbf16, #tpu.memory_space<vmem>>) target(%dma_start3A_233 : memref<10240x128xbf16, #tpu.memory_space<vmem_shared>>) offsets(%dma_start3A_230 : memref<80xi32, #tpu.memory_space<vmem>>) semaphore(%run_scoped3A_225 : memref<!tpu.dma_semaphore, #tpu.memory_space<semaphore_mem>>) {add = true}
        %dma_wait3A_234 = arith.constant 0 : i32
        %dma_wait3A_235 = arith.constant 0 : i32
        %dma_wait3A_236 = tpu.memref_slice %arg8[%run_scoped3A_199, %dma_wait3A_234, %dma_wait3A_235] : memref<5x80x128xbf16, #tpu.memory_space<vmem>> -> memref<1x80x128xbf16, #tpu.memory_space<vmem>>
        %dma_wait3A_237 = tpu.memref_squeeze %dma_wait3A_236 : memref<1x80x128xbf16, #tpu.memory_space<vmem>> -> memref<80x128xbf16, #tpu.memory_space<vmem>>
        %dma_wait3A_238 = tpu.memref_slice %arg7[%mul3A_198] : memref<10000xi32, #tpu.memory_space<vmem>> -> memref<80xi32, #tpu.memory_space<vmem>>
        %dma_wait3A_239 = arith.constant 0 : i32
        %dma_wait3A_240 = arith.constant 0 : i32
        %dma_wait3A_241 = tpu.memref_slice %arg5[%dma_wait3A_239, %dma_wait3A_240] : memref<10240x128xbf16, #tpu.memory_space<vmem_shared>> -> memref<10240x128xbf16, #tpu.memory_space<vmem_shared>>
        tpu.wait_indirect_dma semaphore(%run_scoped3A_225 : memref<!tpu.dma_semaphore, #tpu.memory_space<semaphore_mem>>) src(%dma_wait3A_237 : memref<80x128xbf16, #tpu.memory_space<vmem>>) dst(%dma_wait3A_241 : memref<10240x128xbf16, #tpu.memory_space<vmem_shared>>)
        tpu.yield
      }) : () -> ()
      %add3A_200 = arith.constant 4 : i32
      %add3A_201 = arith.addi %mul3A_104, %add3A_200 : i32
      %mul3A_202 = arith.constant 80 : i32
      %mul3A_203 = arith.muli %add3A_201, %mul3A_202 : i32
      %dma_wait3A_204 = arith.constant 4 : i32
      %dma_wait3A_205 = arith.constant 0 : i32
      %dma_wait3A_206 = arith.constant 0 : i32
      %dma_wait3A_207 = tpu.memref_slice %arg8[%dma_wait3A_204, %dma_wait3A_205, %dma_wait3A_206] : memref<5x80x128xbf16, #tpu.memory_space<vmem>> -> memref<1x80x128xbf16, #tpu.memory_space<vmem>>
      %dma_wait3A_208 = tpu.memref_squeeze %dma_wait3A_207 : memref<1x80x128xbf16, #tpu.memory_space<vmem>> -> memref<80x128xbf16, #tpu.memory_space<vmem>>
      %dma_wait3A_209 = tpu.memref_slice %arg6[%mul3A_203] : memref<10000xi32, #tpu.memory_space<vmem>> -> memref<80xi32, #tpu.memory_space<vmem>>
      %dma_wait3A_210 = arith.constant 0 : i32
      %dma_wait3A_211 = arith.constant 0 : i32
      %dma_wait3A_212 = tpu.memref_slice %arg2[%dma_wait3A_210, %dma_wait3A_211] : memref<10000x128xbf16, #tpu.memory_space<hbm>> -> memref<10000x128xbf16, #tpu.memory_space<hbm>>
      tpu.wait_indirect_dma semaphore(%arg13 : memref<!tpu.dma_semaphore, #tpu.memory_space<semaphore_mem>>) src(%dma_wait3A_212 : memref<10000x128xbf16, #tpu.memory_space<hbm>>) dst(%dma_wait3A_208 : memref<80x128xbf16, #tpu.memory_space<vmem>>)
      %add3A_213 = arith.constant 5 : i32
      %add3A_214 = arith.addi %add3A_201, %add3A_213 : i32
      %sub3A_215 = arith.constant 1 : i32
      %sub3A_216 = arith.subi %add3A_214, %sub3A_215 : i32
      %lt3A_217 = arith.constant 125 : i32
      %lt3A_218 = arith.cmpi slt, %sub3A_216, %lt3A_217 : i32
      %convert_element_type3A_219 = arith.extui %lt3A_218 : i1 to i32
      %cond3A_220 = arith.constant 0 : i32
      %cond3A_221 = arith.cmpi ne, %convert_element_type3A_219, %cond3A_220 : i32
      scf.if %cond3A_221 {
        %add3A_225 = arith.constant 5 : i32
        %add3A_226 = arith.addi %add3A_201, %add3A_225 : i32
        %sub3A_227 = arith.constant 1 : i32
        %sub3A_228 = arith.subi %add3A_226, %sub3A_227 : i32
        %mul3A_229 = arith.constant 80 : i32
        %mul3A_230 = arith.muli %sub3A_228, %mul3A_229 : i32
        %dma_start3A_231 = arith.constant 3 : i32
        %dma_start3A_232 = arith.constant 0 : i32
        %dma_start3A_233 = arith.constant 0 : i32
        %dma_start3A_234 = tpu.memref_slice %arg8[%dma_start3A_231, %dma_start3A_232, %dma_start3A_233] : memref<5x80x128xbf16, #tpu.memory_space<vmem>> -> memref<1x80x128xbf16, #tpu.memory_space<vmem>>
        %dma_start3A_235 = tpu.memref_squeeze %dma_start3A_234 : memref<1x80x128xbf16, #tpu.memory_space<vmem>> -> memref<80x128xbf16, #tpu.memory_space<vmem>>
        %dma_start3A_236 = tpu.memref_slice %arg6[%mul3A_230] : memref<10000xi32, #tpu.memory_space<vmem>> -> memref<80xi32, #tpu.memory_space<vmem>>
        %dma_start3A_237 = arith.constant 0 : i32
        %dma_start3A_238 = arith.constant 0 : i32
        %dma_start3A_239 = tpu.memref_slice %arg2[%dma_start3A_237, %dma_start3A_238] : memref<10000x128xbf16, #tpu.memory_space<hbm>> -> memref<10000x128xbf16, #tpu.memory_space<hbm>>
        tpu.enqueue_indirect_dma source(%dma_start3A_239 : memref<10000x128xbf16, #tpu.memory_space<hbm>>) target(%dma_start3A_235 : memref<80x128xbf16, #tpu.memory_space<vmem>>) offsets(%dma_start3A_236 : memref<80xi32, #tpu.memory_space<vmem>>) semaphore(%arg12 : memref<!tpu.dma_semaphore, #tpu.memory_space<semaphore_mem>>)
      } else {
      }
      %mul3A_222 = arith.constant 80 : i32
      %mul3A_223 = arith.muli %add3A_201, %mul3A_222 : i32
      %run_scoped3A_224 = arith.constant 4 : i32
      "tpu.region"() ({
        %run_scoped3A_225 = tpu.sem_alloc : memref<!tpu.dma_semaphore, #tpu.memory_space<semaphore_mem>>
        %dma_start3A_226 = arith.constant 0 : i32
        %dma_start3A_227 = arith.constant 0 : i32
        %dma_start3A_228 = tpu.memref_slice %arg8[%run_scoped3A_224, %dma_start3A_226, %dma_start3A_227] : memref<5x80x128xbf16, #tpu.memory_space<vmem>> -> memref<1x80x128xbf16, #tpu.memory_space<vmem>>
        %dma_start3A_229 = tpu.memref_squeeze %dma_start3A_228 : memref<1x80x128xbf16, #tpu.memory_space<vmem>> -> memref<80x128xbf16, #tpu.memory_space<vmem>>
        %dma_start3A_230 = tpu.memref_slice %arg7[%mul3A_223] : memref<10000xi32, #tpu.memory_space<vmem>> -> memref<80xi32, #tpu.memory_space<vmem>>
        %dma_start3A_231 = arith.constant 0 : i32
        %dma_start3A_232 = arith.constant 0 : i32
        %dma_start3A_233 = tpu.memref_slice %arg5[%dma_start3A_231, %dma_start3A_232] : memref<10240x128xbf16, #tpu.memory_space<vmem_shared>> -> memref<10240x128xbf16, #tpu.memory_space<vmem_shared>>
        tpu.enqueue_indirect_dma source(%dma_start3A_229 : memref<80x128xbf16, #tpu.memory_space<vmem>>) target(%dma_start3A_233 : memref<10240x128xbf16, #tpu.memory_space<vmem_shared>>) offsets(%dma_start3A_230 : memref<80xi32, #tpu.memory_space<vmem>>) semaphore(%run_scoped3A_225 : memref<!tpu.dma_semaphore, #tpu.memory_space<semaphore_mem>>) {add = true}
        %dma_wait3A_234 = arith.constant 0 : i32
        %dma_wait3A_235 = arith.constant 0 : i32
        %dma_wait3A_236 = tpu.memref_slice %arg8[%run_scoped3A_224, %dma_wait3A_234, %dma_wait3A_235] : memref<5x80x128xbf16, #tpu.memory_space<vmem>> -> memref<1x80x128xbf16, #tpu.memory_space<vmem>>
        %dma_wait3A_237 = tpu.memref_squeeze %dma_wait3A_236 : memref<1x80x128xbf16, #tpu.memory_space<vmem>> -> memref<80x128xbf16, #tpu.memory_space<vmem>>
        %dma_wait3A_238 = tpu.memref_slice %arg7[%mul3A_223] : memref<10000xi32, #tpu.memory_space<vmem>> -> memref<80xi32, #tpu.memory_space<vmem>>
        %dma_wait3A_239 = arith.constant 0 : i32
        %dma_wait3A_240 = arith.constant 0 : i32
        %dma_wait3A_241 = tpu.memref_slice %arg5[%dma_wait3A_239, %dma_wait3A_240] : memref<10240x128xbf16, #tpu.memory_space<vmem_shared>> -> memref<10240x128xbf16, #tpu.memory_space<vmem_shared>>
        tpu.wait_indirect_dma semaphore(%run_scoped3A_225 : memref<!tpu.dma_semaphore, #tpu.memory_space<semaphore_mem>>) src(%dma_wait3A_237 : memref<80x128xbf16, #tpu.memory_space<vmem>>) dst(%dma_wait3A_241 : memref<10240x128xbf16, #tpu.memory_space<vmem_shared>>)
        tpu.yield
      }) : () -> ()
    }
    %scan3A_96 = arith.constant 25 : i32
    %barrier3A_97 = arith.constant 0 : index
    tpu.barrier barrier_id(%barrier3A_97)
    %mul3A_98 = arith.constant 640 : i32
    %mul3A_99 = arith.muli %arg1, %mul3A_98 : i32
    %mul3A_100 = arith.constant 640 : i32
    %mul3A_101 = arith.muli %arg1, %mul3A_100 : i32
    "tpu.region"() ({
      %run_scoped3A_102 = tpu.sem_alloc : memref<!tpu.dma_semaphore, #tpu.memory_space<semaphore_mem>>
      %dma_start3A_103 = arith.constant 0 : i32
      %dma_start3A_104 = arith.constant 0 : i32
      %dma_start3A_105 = tpu.memref_slice %arg4[%arg0, %dma_start3A_103, %dma_start3A_104] : memref<2x10240x128xbf16, #tpu.memory_space<hbm>> -> memref<1x10240x128xbf16, #tpu.memory_space<hbm>>
      %dma_start3A_106 = tpu.memref_squeeze %dma_start3A_105 : memref<1x10240x128xbf16, #tpu.memory_space<hbm>> -> memref<10240x128xbf16, #tpu.memory_space<hbm>>
      %dma_start3A_107 = arith.constant 0 : i32
      %dma_start3A_108 = tpu.memref_slice %dma_start3A_106[%mul3A_101, %dma_start3A_107] : memref<10240x128xbf16, #tpu.memory_space<hbm>> -> memref<640x128xbf16, #tpu.memory_space<hbm>>
      %dma_start3A_109 = arith.constant 0 : i32
      %dma_start3A_110 = tpu.memref_slice %arg5[%mul3A_99, %dma_start3A_109] : memref<10240x128xbf16, #tpu.memory_space<vmem_shared>> -> memref<640x128xbf16, #tpu.memory_space<vmem_shared>>
      tpu.enqueue_dma source(%dma_start3A_110 : memref<640x128xbf16, #tpu.memory_space<vmem_shared>>) target(%dma_start3A_108 : memref<640x128xbf16, #tpu.memory_space<hbm>>) target_semaphore(%run_scoped3A_102 : memref<!tpu.dma_semaphore, #tpu.memory_space<semaphore_mem>>)
      %dma_wait3A = arith.constant 0 : i32
      %dma_wait3A_111 = arith.constant 0 : i32
      %dma_wait3A_112 = tpu.memref_slice %arg4[%arg0, %dma_wait3A, %dma_wait3A_111] : memref<2x10240x128xbf16, #tpu.memory_space<hbm>> -> memref<1x10240x128xbf16, #tpu.memory_space<hbm>>
      %dma_wait3A_113 = tpu.memref_squeeze %dma_wait3A_112 : memref<1x10240x128xbf16, #tpu.memory_space<hbm>> -> memref<10240x128xbf16, #tpu.memory_space<hbm>>
      %dma_wait3A_114 = arith.constant 0 : i32
      %dma_wait3A_115 = tpu.memref_slice %dma_wait3A_113[%mul3A_101, %dma_wait3A_114] : memref<10240x128xbf16, #tpu.memory_space<hbm>> -> memref<640x128xbf16, #tpu.memory_space<hbm>>
      %dma_wait3A_116 = arith.constant 0 : i32
      %dma_wait3A_117 = tpu.memref_slice %arg5[%mul3A_99, %dma_wait3A_116] : memref<10240x128xbf16, #tpu.memory_space<vmem_shared>> -> memref<640x128xbf16, #tpu.memory_space<vmem_shared>>
      tpu.wait_dma2 semaphore(%run_scoped3A_102 : memref<!tpu.dma_semaphore, #tpu.memory_space<semaphore_mem>>) src(%dma_wait3A_117 : memref<640x128xbf16, #tpu.memory_space<vmem_shared>>) dst(%dma_wait3A_115 : memref<640x128xbf16, #tpu.memory_space<hbm>>)
      tpu.yield
    }) : () -> ()
    return
  }
}

#map = affine_map<(d0, d1) -> (0, 0)>
#map1 = affine_map<(d0, d1) -> (0, 0, 0)>
module attributes {stable_mosaic.version = 14 : i64} {
  func.func @_edge_body(%arg0: i32, %arg1: i32, %arg2: memref<10000x128xbf16, #tpu.memory_space<hbm>>, %arg3: memref<2x320000xi32, #tpu.memory_space<hbm>>, %arg4: memref<2x10240x128xbf16, #tpu.memory_space<hbm>>, %arg5: memref<10240x128xbf16, #tpu.memory_space<vmem_shared>>, %arg6: memref<10000xi32, #tpu.memory_space<vmem>>, %arg7: memref<10000xi32, #tpu.memory_space<vmem>>, %arg8: memref<5x80x128xbf16, #tpu.memory_space<vmem>>, %arg9: memref<!tpu.dma_semaphore, #tpu.memory_space<semaphore_mem>>, %arg10: memref<!tpu.dma_semaphore, #tpu.memory_space<semaphore_mem>>, %arg11: memref<!tpu.dma_semaphore, #tpu.memory_space<semaphore_mem>>, %arg12: memref<!tpu.dma_semaphore, #tpu.memory_space<semaphore_mem>>, %arg13: memref<!tpu.dma_semaphore, #tpu.memory_space<semaphore_mem>>) attributes {dimension_semantics = [#tpu.dimension_semantics<core_parallel>, #tpu.dimension_semantics<subcore_parallel>], iteration_bounds = array<i64: 2, 16>, scalar_prefetch = 0 : i64, scratch_operands = 9 : i64, tpu.core_type = #tpu.core_type<sc_vector_subcore>, window_params = [{transform_indices = #map}, {transform_indices = #map}, {transform_indices = #map1}]} {
    %mul3A = arith.constant 2 : i32
    %mul3A_0 = arith.muli %arg1, %mul3A : i32
    %add3A = arith.addi %mul3A_0, %arg0 : i32
    %broadcast_in_dim3A = arith.constant 0.000000e+00 : bf16
    %broadcast_in_dim3A_1 = vector.broadcast %broadcast_in_dim3A : bf16 to vector<32xbf16>
    %scan3A = arith.constant 0 : i32
    %scan3A_2 = arith.constant 0 : i32
    %scan3A_3 = arith.constant 320 : i32
    %scan3A_4 = arith.addi %scan3A_2, %scan3A_3 : i32
    %scan3A_5 = arith.constant 1 : i32
    scf.for %scan3A_102 = %scan3A_2 to %scan3A_4 step %scan3A_5  : i32 {
      %jit3A = arith.constant 4 : i32
      %div3A = arith.divsi %scan3A_102, %jit3A : i32
      %sign3A = arith.constant 0 : i32
      %sign3A_103 = arith.cmpi sgt, %scan3A_102, %sign3A : i32
      %sign3A_104 = arith.extui %sign3A_103 : i1 to i32
      %sign3A_105 = arith.constant 0 : i32
      %sign3A_106 = arith.cmpi slt, %scan3A_102, %sign3A_105 : i32
      %sign3A_107 = arith.extui %sign3A_106 : i1 to i32
      %sign3A_108 = arith.subi %sign3A_104, %sign3A_107 : i32
      %sign3A_109 = arith.constant 0 : i32
      %sign3A_110 = arith.cmpi sgt, %jit3A, %sign3A_109 : i32
      %sign3A_111 = arith.extui %sign3A_110 : i1 to i32
      %sign3A_112 = arith.constant 0 : i32
      %sign3A_113 = arith.cmpi slt, %jit3A, %sign3A_112 : i32
      %sign3A_114 = arith.extui %sign3A_113 : i1 to i32
      %sign3A_115 = arith.subi %sign3A_111, %sign3A_114 : i32
      %ne3A = arith.cmpi ne, %sign3A_108, %sign3A_115 : i32
      %rem3A = arith.remsi %scan3A_102, %jit3A : i32
      %ne3A_116 = arith.constant 0 : i32
      %ne3A_117 = arith.cmpi ne, %rem3A, %ne3A_116 : i32
      %and3A = arith.andi %ne3A, %ne3A_117 : i1
      %sub3A = arith.constant 1 : i32
      %sub3A_118 = arith.subi %div3A, %sub3A : i32
      %select_n3A = arith.select %and3A, %sub3A_118, %div3A : i32
      %jit3A_119 = arith.constant 4 : i32
      %eq3A = arith.constant 0 : i32
      %eq3A_120 = arith.cmpi eq, %jit3A_119, %eq3A : i32
      %jit3A_121 = arith.constant 1 : i32
      %select_n3A_122 = arith.select %eq3A_120, %jit3A_121, %jit3A_119 : i32
      %rem3A_123 = arith.remsi %scan3A_102, %select_n3A_122 : i32
      %ne3A_124 = arith.constant 0 : i32
      %ne3A_125 = arith.cmpi ne, %rem3A_123, %ne3A_124 : i32
      %lt3A = arith.constant 0 : i32
      %lt3A_126 = arith.cmpi slt, %rem3A_123, %lt3A : i32
      %lt3A_127 = arith.constant 0 : i32
      %lt3A_128 = arith.cmpi slt, %select_n3A_122, %lt3A_127 : i32
      %ne3A_129 = arith.xori %lt3A_126, %lt3A_128 : i1
      %and3A_130 = arith.andi %ne3A_129, %ne3A_125 : i1
      %add3A_131 = arith.addi %rem3A_123, %select_n3A_122 : i32
      %select_n3A_132 = arith.select %and3A_130, %add3A_131, %rem3A_123 : i32
      %mul3A_133 = arith.constant 32 : i32
      %mul3A_134 = arith.muli %select_n3A_132, %mul3A_133 : i32
      %swap3A = arith.constant 0 : i32
      %swap3A_135 = arith.index_cast %swap3A : i32 to index
      %swap3A_136 = arith.index_cast %select_n3A : i32 to index
      %swap3A_137 = arith.index_cast %mul3A_134 : i32 to index
      %swap3A_138 = tpu.vector_load %arg8[%swap3A_135, %swap3A_136, %swap3A_137] {strides = array<i32>} : memref<5x80x128xbf16, #tpu.memory_space<vmem>>, vector<1x1x32xbf16>,
      %swap3A_139 = vector.shape_cast %swap3A_138 : vector<1x1x32xbf16> to vector<32xbf16>
      %swap3A_140 = vector.shape_cast %broadcast_in_dim3A_1 : vector<32xbf16> to vector<1x1x32xbf16>
      tpu.vector_store %arg8[%swap3A_135, %swap3A_136, %swap3A_137], %swap3A_140 {strides = array<i32>} : memref<5x80x128xbf16, #tpu.memory_space<vmem>>, vector<1x1x32xbf16>,
    }
    %scan3A_6 = arith.constant 320 : i32
    %mul3A_7 = arith.constant 640 : i32
    %mul3A_8 = arith.muli %arg1, %mul3A_7 : i32
    %add3A_9 = arith.constant 0 : i32
    %add3A_10 = arith.addi %mul3A_8, %add3A_9 : i32
    %run_scoped3A = arith.constant 0 : i32
    "tpu.region"() ({
      %run_scoped3A_102 = tpu.sem_alloc : memref<!tpu.dma_semaphore, #tpu.memory_space<semaphore_mem>>
      %dma_start3A_103 = arith.constant 0 : i32
      %dma_start3A_104 = arith.constant 0 : i32
      %dma_start3A_105 = tpu.memref_slice %arg8[%run_scoped3A, %dma_start3A_103, %dma_start3A_104] : memref<5x80x128xbf16, #tpu.memory_space<vmem>> -> memref<1x80x128xbf16, #tpu.memory_space<vmem>>
      %dma_start3A_106 = tpu.memref_squeeze %dma_start3A_105 : memref<1x80x128xbf16, #tpu.memory_space<vmem>> -> memref<80x128xbf16, #tpu.memory_space<vmem>>
      %dma_start3A_107 = arith.constant 0 : i32
      %dma_start3A_108 = arith.constant 0 : i32
      %dma_start3A_109 = tpu.memref_slice %dma_start3A_106[%dma_start3A_107, %dma_start3A_108] : memref<80x128xbf16, #tpu.memory_space<vmem>> -> memref<80x128xbf16, #tpu.memory_space<vmem>>
      %dma_start3A_110 = arith.constant 0 : i32
      %dma_start3A_111 = tpu.memref_slice %arg5[%add3A_10, %dma_start3A_110] : memref<10240x128xbf16, #tpu.memory_space<vmem_shared>> -> memref<80x128xbf16, #tpu.memory_space<vmem_shared>>
      %dma_start3A_112 = arith.constant 0 : i32
      %dma_start3A_113 = tpu.memref_slice %arg5[%add3A_10, %dma_start3A_112] : memref<10240x128xbf16, #tpu.memory_space<vmem_shared>> -> memref<80x128xbf16, #tpu.memory_space<vmem_shared>>
      %dma_start3A_114 = arith.constant 0 : i32
      %dma_start3A_115 = arith.constant 0 : i32
      %dma_start3A_116 = tpu.memref_slice %arg8[%run_scoped3A, %dma_start3A_114, %dma_start3A_115] : memref<5x80x128xbf16, #tpu.memory_space<vmem>> -> memref<1x80x128xbf16, #tpu.memory_space<vmem>>
      %dma_start3A_117 = tpu.memref_squeeze %dma_start3A_116 : memref<1x80x128xbf16, #tpu.memory_space<vmem>> -> memref<80x128xbf16, #tpu.memory_space<vmem>>
      %dma_start3A_118 = arith.constant 0 : i32
      %dma_start3A_119 = arith.constant 0 : i32
      %dma_start3A_120 = tpu.memref_slice %dma_start3A_117[%dma_start3A_118, %dma_start3A_119] : memref<80x128xbf16, #tpu.memory_space<vmem>> -> memref<80x128xbf16, #tpu.memory_space<vmem>>
      tpu.enqueue_dma source(%dma_start3A_120 : memref<80x128xbf16, #tpu.memory_space<vmem>>) target(%dma_start3A_113 : memref<80x128xbf16, #tpu.memory_space<vmem_shared>>) target_semaphore(%run_scoped3A_102 : memref<!tpu.dma_semaphore, #tpu.memory_space<semaphore_mem>>)
      %dma_wait3A = arith.constant 0 : i32
      %dma_wait3A_121 = arith.constant 0 : i32
      %dma_wait3A_122 = tpu.memref_slice %arg8[%run_scoped3A, %dma_wait3A, %dma_wait3A_121] : memref<5x80x128xbf16, #tpu.memory_space<vmem>> -> memref<1x80x128xbf16, #tpu.memory_space<vmem>>
      %dma_wait3A_123 = tpu.memref_squeeze %dma_wait3A_122 : memref<1x80x128xbf16, #tpu.memory_space<vmem>> -> memref<80x128xbf16, #tpu.memory_space<vmem>>
      %dma_wait3A_124 = arith.constant 0 : i32
      %dma_wait3A_125 = arith.constant 0 : i32
      %dma_wait3A_126 = tpu.memref_slice %dma_wait3A_123[%dma_wait3A_124, %dma_wait3A_125] : memref<80x128xbf16, #tpu.memory_space<vmem>> -> memref<80x128xbf16, #tpu.memory_space<vmem>>
      %dma_wait3A_127 = arith.constant 0 : i32
      %dma_wait3A_128 = tpu.memref_slice %arg5[%add3A_10, %dma_wait3A_127] : memref<10240x128xbf16, #tpu.memory_space<vmem_shared>> -> memref<80x128xbf16, #tpu.memory_space<vmem_shared>>
      %dma_wait3A_129 = arith.constant 0 : i32
      %dma_wait3A_130 = tpu.memref_slice %arg5[%add3A_10, %dma_wait3A_129] : memref<10240x128xbf16, #tpu.memory_space<vmem_shared>> -> memref<80x128xbf16, #tpu.memory_space<vmem_shared>>
      %dma_wait3A_131 = arith.constant 0 : i32
      %dma_wait3A_132 = arith.constant 0 : i32
      %dma_wait3A_133 = tpu.memref_slice %arg8[%run_scoped3A, %dma_wait3A_131, %dma_wait3A_132] : memref<5x80x128xbf16, #tpu.memory_space<vmem>> -> memref<1x80x128xbf16, #tpu.memory_space<vmem>>
      %dma_wait3A_134 = tpu.memref_squeeze %dma_wait3A_133 : memref<1x80x128xbf16, #tpu.memory_space<vmem>> -> memref<80x128xbf16, #tpu.memory_space<vmem>>
      %dma_wait3A_135 = arith.constant 0 : i32
      %dma_wait3A_136 = arith.constant 0 : i32
      %dma_wait3A_137 = tpu.memref_slice %dma_wait3A_134[%dma_wait3A_135, %dma_wait3A_136] : memref<80x128xbf16, #tpu.memory_space<vmem>> -> memref<80x128xbf16, #tpu.memory_space<vmem>>
      tpu.wait_dma2 semaphore(%run_scoped3A_102 : memref<!tpu.dma_semaphore, #tpu.memory_space<semaphore_mem>>) src(%dma_wait3A_137 : memref<80x128xbf16, #tpu.memory_space<vmem>>) dst(%dma_wait3A_130 : memref<80x128xbf16, #tpu.memory_space<vmem_shared>>)
      tpu.yield
    }) : () -> ()
    %mul3A_11 = arith.constant 640 : i32
    %mul3A_12 = arith.muli %arg1, %mul3A_11 : i32
    %add3A_13 = arith.constant 80 : i32
    %add3A_14 = arith.addi %mul3A_12, %add3A_13 : i32
    %run_scoped3A_15 = arith.constant 0 : i32
    "tpu.region"() ({
      %run_scoped3A_102 = tpu.sem_alloc : memref<!tpu.dma_semaphore, #tpu.memory_space<semaphore_mem>>
      %dma_start3A_103 = arith.constant 0 : i32
      %dma_start3A_104 = arith.constant 0 : i32
      %dma_start3A_105 = tpu.memref_slice %arg8[%run_scoped3A_15, %dma_start3A_103, %dma_start3A_104] : memref<5x80x128xbf16, #tpu.memory_space<vmem>> -> memref<1x80x128xbf16, #tpu.memory_space<vmem>>
      %dma_start3A_106 = tpu.memref_squeeze %dma_start3A_105 : memref<1x80x128xbf16, #tpu.memory_space<vmem>> -> memref<80x128xbf16, #tpu.memory_space<vmem>>
      %dma_start3A_107 = arith.constant 0 : i32
      %dma_start3A_108 = arith.constant 0 : i32
      %dma_start3A_109 = tpu.memref_slice %dma_start3A_106[%dma_start3A_107, %dma_start3A_108] : memref<80x128xbf16, #tpu.memory_space<vmem>> -> memref<80x128xbf16, #tpu.memory_space<vmem>>
      %dma_start3A_110 = arith.constant 0 : i32
      %dma_start3A_111 = tpu.memref_slice %arg5[%add3A_14, %dma_start3A_110] : memref<10240x128xbf16, #tpu.memory_space<vmem_shared>> -> memref<80x128xbf16, #tpu.memory_space<vmem_shared>>
      %dma_start3A_112 = arith.constant 0 : i32
      %dma_start3A_113 = tpu.memref_slice %arg5[%add3A_14, %dma_start3A_112] : memref<10240x128xbf16, #tpu.memory_space<vmem_shared>> -> memref<80x128xbf16, #tpu.memory_space<vmem_shared>>
      %dma_start3A_114 = arith.constant 0 : i32
      %dma_start3A_115 = arith.constant 0 : i32
      %dma_start3A_116 = tpu.memref_slice %arg8[%run_scoped3A_15, %dma_start3A_114, %dma_start3A_115] : memref<5x80x128xbf16, #tpu.memory_space<vmem>> -> memref<1x80x128xbf16, #tpu.memory_space<vmem>>
      %dma_start3A_117 = tpu.memref_squeeze %dma_start3A_116 : memref<1x80x128xbf16, #tpu.memory_space<vmem>> -> memref<80x128xbf16, #tpu.memory_space<vmem>>
      %dma_start3A_118 = arith.constant 0 : i32
      %dma_start3A_119 = arith.constant 0 : i32
      %dma_start3A_120 = tpu.memref_slice %dma_start3A_117[%dma_start3A_118, %dma_start3A_119] : memref<80x128xbf16, #tpu.memory_space<vmem>> -> memref<80x128xbf16, #tpu.memory_space<vmem>>
      tpu.enqueue_dma source(%dma_start3A_120 : memref<80x128xbf16, #tpu.memory_space<vmem>>) target(%dma_start3A_113 : memref<80x128xbf16, #tpu.memory_space<vmem_shared>>) target_semaphore(%run_scoped3A_102 : memref<!tpu.dma_semaphore, #tpu.memory_space<semaphore_mem>>)
      %dma_wait3A = arith.constant 0 : i32
      %dma_wait3A_121 = arith.constant 0 : i32
      %dma_wait3A_122 = tpu.memref_slice %arg8[%run_scoped3A_15, %dma_wait3A, %dma_wait3A_121] : memref<5x80x128xbf16, #tpu.memory_space<vmem>> -> memref<1x80x128xbf16, #tpu.memory_space<vmem>>
      %dma_wait3A_123 = tpu.memref_squeeze %dma_wait3A_122 : memref<1x80x128xbf16, #tpu.memory_space<vmem>> -> memref<80x128xbf16, #tpu.memory_space<vmem>>
      %dma_wait3A_124 = arith.constant 0 : i32
      %dma_wait3A_125 = arith.constant 0 : i32
      %dma_wait3A_126 = tpu.memref_slice %dma_wait3A_123[%dma_wait3A_124, %dma_wait3A_125] : memref<80x128xbf16, #tpu.memory_space<vmem>> -> memref<80x128xbf16, #tpu.memory_space<vmem>>
      %dma_wait3A_127 = arith.constant 0 : i32
      %dma_wait3A_128 = tpu.memref_slice %arg5[%add3A_14, %dma_wait3A_127] : memref<10240x128xbf16, #tpu.memory_space<vmem_shared>> -> memref<80x128xbf16, #tpu.memory_space<vmem_shared>>
      %dma_wait3A_129 = arith.constant 0 : i32
      %dma_wait3A_130 = tpu.memref_slice %arg5[%add3A_14, %dma_wait3A_129] : memref<10240x128xbf16, #tpu.memory_space<vmem_shared>> -> memref<80x128xbf16, #tpu.memory_space<vmem_shared>>
      %dma_wait3A_131 = arith.constant 0 : i32
      %dma_wait3A_132 = arith.constant 0 : i32
      %dma_wait3A_133 = tpu.memref_slice %arg8[%run_scoped3A_15, %dma_wait3A_131, %dma_wait3A_132] : memref<5x80x128xbf16, #tpu.memory_space<vmem>> -> memref<1x80x128xbf16, #tpu.memory_space<vmem>>
      %dma_wait3A_134 = tpu.memref_squeeze %dma_wait3A_133 : memref<1x80x128xbf16, #tpu.memory_space<vmem>> -> memref<80x128xbf16, #tpu.memory_space<vmem>>
      %dma_wait3A_135 = arith.constant 0 : i32
      %dma_wait3A_136 = arith.constant 0 : i32
      %dma_wait3A_137 = tpu.memref_slice %dma_wait3A_134[%dma_wait3A_135, %dma_wait3A_136] : memref<80x128xbf16, #tpu.memory_space<vmem>> -> memref<80x128xbf16, #tpu.memory_space<vmem>>
      tpu.wait_dma2 semaphore(%run_scoped3A_102 : memref<!tpu.dma_semaphore, #tpu.memory_space<semaphore_mem>>) src(%dma_wait3A_137 : memref<80x128xbf16, #tpu.memory_space<vmem>>) dst(%dma_wait3A_130 : memref<80x128xbf16, #tpu.memory_space<vmem_shared>>)
      tpu.yield
    }) : () -> ()
    %mul3A_16 = arith.constant 640 : i32
    %mul3A_17 = arith.muli %arg1, %mul3A_16 : i32
    %add3A_18 = arith.constant 160 : i32
    %add3A_19 = arith.addi %mul3A_17, %add3A_18 : i32
    %run_scoped3A_20 = arith.constant 0 : i32
    "tpu.region"() ({
      %run_scoped3A_102 = tpu.sem_alloc : memref<!tpu.dma_semaphore, #tpu.memory_space<semaphore_mem>>
      %dma_start3A_103 = arith.constant 0 : i32
      %dma_start3A_104 = arith.constant 0 : i32
      %dma_start3A_105 = tpu.memref_slice %arg8[%run_scoped3A_20, %dma_start3A_103, %dma_start3A_104] : memref<5x80x128xbf16, #tpu.memory_space<vmem>> -> memref<1x80x128xbf16, #tpu.memory_space<vmem>>
      %dma_start3A_106 = tpu.memref_squeeze %dma_start3A_105 : memref<1x80x128xbf16, #tpu.memory_space<vmem>> -> memref<80x128xbf16, #tpu.memory_space<vmem>>
      %dma_start3A_107 = arith.constant 0 : i32
      %dma_start3A_108 = arith.constant 0 : i32
      %dma_start3A_109 = tpu.memref_slice %dma_start3A_106[%dma_start3A_107, %dma_start3A_108] : memref<80x128xbf16, #tpu.memory_space<vmem>> -> memref<80x128xbf16, #tpu.memory_space<vmem>>
      %dma_start3A_110 = arith.constant 0 : i32
      %dma_start3A_111 = tpu.memref_slice %arg5[%add3A_19, %dma_start3A_110] : memref<10240x128xbf16, #tpu.memory_space<vmem_shared>> -> memref<80x128xbf16, #tpu.memory_space<vmem_shared>>
      %dma_start3A_112 = arith.constant 0 : i32
      %dma_start3A_113 = tpu.memref_slice %arg5[%add3A_19, %dma_start3A_112] : memref<10240x128xbf16, #tpu.memory_space<vmem_shared>> -> memref<80x128xbf16, #tpu.memory_space<vmem_shared>>
      %dma_start3A_114 = arith.constant 0 : i32
      %dma_start3A_115 = arith.constant 0 : i32
      %dma_start3A_116 = tpu.memref_slice %arg8[%run_scoped3A_20, %dma_start3A_114, %dma_start3A_115] : memref<5x80x128xbf16, #tpu.memory_space<vmem>> -> memref<1x80x128xbf16, #tpu.memory_space<vmem>>
      %dma_start3A_117 = tpu.memref_squeeze %dma_start3A_116 : memref<1x80x128xbf16, #tpu.memory_space<vmem>> -> memref<80x128xbf16, #tpu.memory_space<vmem>>
      %dma_start3A_118 = arith.constant 0 : i32
      %dma_start3A_119 = arith.constant 0 : i32
      %dma_start3A_120 = tpu.memref_slice %dma_start3A_117[%dma_start3A_118, %dma_start3A_119] : memref<80x128xbf16, #tpu.memory_space<vmem>> -> memref<80x128xbf16, #tpu.memory_space<vmem>>
      tpu.enqueue_dma source(%dma_start3A_120 : memref<80x128xbf16, #tpu.memory_space<vmem>>) target(%dma_start3A_113 : memref<80x128xbf16, #tpu.memory_space<vmem_shared>>) target_semaphore(%run_scoped3A_102 : memref<!tpu.dma_semaphore, #tpu.memory_space<semaphore_mem>>)
      %dma_wait3A = arith.constant 0 : i32
      %dma_wait3A_121 = arith.constant 0 : i32
      %dma_wait3A_122 = tpu.memref_slice %arg8[%run_scoped3A_20, %dma_wait3A, %dma_wait3A_121] : memref<5x80x128xbf16, #tpu.memory_space<vmem>> -> memref<1x80x128xbf16, #tpu.memory_space<vmem>>
      %dma_wait3A_123 = tpu.memref_squeeze %dma_wait3A_122 : memref<1x80x128xbf16, #tpu.memory_space<vmem>> -> memref<80x128xbf16, #tpu.memory_space<vmem>>
      %dma_wait3A_124 = arith.constant 0 : i32
      %dma_wait3A_125 = arith.constant 0 : i32
      %dma_wait3A_126 = tpu.memref_slice %dma_wait3A_123[%dma_wait3A_124, %dma_wait3A_125] : memref<80x128xbf16, #tpu.memory_space<vmem>> -> memref<80x128xbf16, #tpu.memory_space<vmem>>
      %dma_wait3A_127 = arith.constant 0 : i32
      %dma_wait3A_128 = tpu.memref_slice %arg5[%add3A_19, %dma_wait3A_127] : memref<10240x128xbf16, #tpu.memory_space<vmem_shared>> -> memref<80x128xbf16, #tpu.memory_space<vmem_shared>>
      %dma_wait3A_129 = arith.constant 0 : i32
      %dma_wait3A_130 = tpu.memref_slice %arg5[%add3A_19, %dma_wait3A_129] : memref<10240x128xbf16, #tpu.memory_space<vmem_shared>> -> memref<80x128xbf16, #tpu.memory_space<vmem_shared>>
      %dma_wait3A_131 = arith.constant 0 : i32
      %dma_wait3A_132 = arith.constant 0 : i32
      %dma_wait3A_133 = tpu.memref_slice %arg8[%run_scoped3A_20, %dma_wait3A_131, %dma_wait3A_132] : memref<5x80x128xbf16, #tpu.memory_space<vmem>> -> memref<1x80x128xbf16, #tpu.memory_space<vmem>>
      %dma_wait3A_134 = tpu.memref_squeeze %dma_wait3A_133 : memref<1x80x128xbf16, #tpu.memory_space<vmem>> -> memref<80x128xbf16, #tpu.memory_space<vmem>>
      %dma_wait3A_135 = arith.constant 0 : i32
      %dma_wait3A_136 = arith.constant 0 : i32
      %dma_wait3A_137 = tpu.memref_slice %dma_wait3A_134[%dma_wait3A_135, %dma_wait3A_136] : memref<80x128xbf16, #tpu.memory_space<vmem>> -> memref<80x128xbf16, #tpu.memory_space<vmem>>
      tpu.wait_dma2 semaphore(%run_scoped3A_102 : memref<!tpu.dma_semaphore, #tpu.memory_space<semaphore_mem>>) src(%dma_wait3A_137 : memref<80x128xbf16, #tpu.memory_space<vmem>>) dst(%dma_wait3A_130 : memref<80x128xbf16, #tpu.memory_space<vmem_shared>>)
      tpu.yield
    }) : () -> ()
    %mul3A_21 = arith.constant 640 : i32
    %mul3A_22 = arith.muli %arg1, %mul3A_21 : i32
    %add3A_23 = arith.constant 240 : i32
    %add3A_24 = arith.addi %mul3A_22, %add3A_23 : i32
    %run_scoped3A_25 = arith.constant 0 : i32
    "tpu.region"() ({
      %run_scoped3A_102 = tpu.sem_alloc : memref<!tpu.dma_semaphore, #tpu.memory_space<semaphore_mem>>
      %dma_start3A_103 = arith.constant 0 : i32
      %dma_start3A_104 = arith.constant 0 : i32
      %dma_start3A_105 = tpu.memref_slice %arg8[%run_scoped3A_25, %dma_start3A_103, %dma_start3A_104] : memref<5x80x128xbf16, #tpu.memory_space<vmem>> -> memref<1x80x128xbf16, #tpu.memory_space<vmem>>
      %dma_start3A_106 = tpu.memref_squeeze %dma_start3A_105 : memref<1x80x128xbf16, #tpu.memory_space<vmem>> -> memref<80x128xbf16, #tpu.memory_space<vmem>>
      %dma_start3A_107 = arith.constant 0 : i32
      %dma_start3A_108 = arith.constant 0 : i32
      %dma_start3A_109 = tpu.memref_slice %dma_start3A_106[%dma_start3A_107, %dma_start3A_108] : memref<80x128xbf16, #tpu.memory_space<vmem>> -> memref<80x128xbf16, #tpu.memory_space<vmem>>
      %dma_start3A_110 = arith.constant 0 : i32
      %dma_start3A_111 = tpu.memref_slice %arg5[%add3A_24, %dma_start3A_110] : memref<10240x128xbf16, #tpu.memory_space<vmem_shared>> -> memref<80x128xbf16, #tpu.memory_space<vmem_shared>>
      %dma_start3A_112 = arith.constant 0 : i32
      %dma_start3A_113 = tpu.memref_slice %arg5[%add3A_24, %dma_start3A_112] : memref<10240x128xbf16, #tpu.memory_space<vmem_shared>> -> memref<80x128xbf16, #tpu.memory_space<vmem_shared>>
      %dma_start3A_114 = arith.constant 0 : i32
      %dma_start3A_115 = arith.constant 0 : i32
      %dma_start3A_116 = tpu.memref_slice %arg8[%run_scoped3A_25, %dma_start3A_114, %dma_start3A_115] : memref<5x80x128xbf16, #tpu.memory_space<vmem>> -> memref<1x80x128xbf16, #tpu.memory_space<vmem>>
      %dma_start3A_117 = tpu.memref_squeeze %dma_start3A_116 : memref<1x80x128xbf16, #tpu.memory_space<vmem>> -> memref<80x128xbf16, #tpu.memory_space<vmem>>
      %dma_start3A_118 = arith.constant 0 : i32
      %dma_start3A_119 = arith.constant 0 : i32
      %dma_start3A_120 = tpu.memref_slice %dma_start3A_117[%dma_start3A_118, %dma_start3A_119] : memref<80x128xbf16, #tpu.memory_space<vmem>> -> memref<80x128xbf16, #tpu.memory_space<vmem>>
      tpu.enqueue_dma source(%dma_start3A_120 : memref<80x128xbf16, #tpu.memory_space<vmem>>) target(%dma_start3A_113 : memref<80x128xbf16, #tpu.memory_space<vmem_shared>>) target_semaphore(%run_scoped3A_102 : memref<!tpu.dma_semaphore, #tpu.memory_space<semaphore_mem>>)
      %dma_wait3A = arith.constant 0 : i32
      %dma_wait3A_121 = arith.constant 0 : i32
      %dma_wait3A_122 = tpu.memref_slice %arg8[%run_scoped3A_25, %dma_wait3A, %dma_wait3A_121] : memref<5x80x128xbf16, #tpu.memory_space<vmem>> -> memref<1x80x128xbf16, #tpu.memory_space<vmem>>
      %dma_wait3A_123 = tpu.memref_squeeze %dma_wait3A_122 : memref<1x80x128xbf16, #tpu.memory_space<vmem>> -> memref<80x128xbf16, #tpu.memory_space<vmem>>
      %dma_wait3A_124 = arith.constant 0 : i32
      %dma_wait3A_125 = arith.constant 0 : i32
      %dma_wait3A_126 = tpu.memref_slice %dma_wait3A_123[%dma_wait3A_124, %dma_wait3A_125] : memref<80x128xbf16, #tpu.memory_space<vmem>> -> memref<80x128xbf16, #tpu.memory_space<vmem>>
      %dma_wait3A_127 = arith.constant 0 : i32
      %dma_wait3A_128 = tpu.memref_slice %arg5[%add3A_24, %dma_wait3A_127] : memref<10240x128xbf16, #tpu.memory_space<vmem_shared>> -> memref<80x128xbf16, #tpu.memory_space<vmem_shared>>
      %dma_wait3A_129 = arith.constant 0 : i32
      %dma_wait3A_130 = tpu.memref_slice %arg5[%add3A_24, %dma_wait3A_129] : memref<10240x128xbf16, #tpu.memory_space<vmem_shared>> -> memref<80x128xbf16, #tpu.memory_space<vmem_shared>>
      %dma_wait3A_131 = arith.constant 0 : i32
      %dma_wait3A_132 = arith.constant 0 : i32
      %dma_wait3A_133 = tpu.memref_slice %arg8[%run_scoped3A_25, %dma_wait3A_131, %dma_wait3A_132] : memref<5x80x128xbf16, #tpu.memory_space<vmem>> -> memref<1x80x128xbf16, #tpu.memory_space<vmem>>
      %dma_wait3A_134 = tpu.memref_squeeze %dma_wait3A_133 : memref<1x80x128xbf16, #tpu.memory_space<vmem>> -> memref<80x128xbf16, #tpu.memory_space<vmem>>
      %dma_wait3A_135 = arith.constant 0 : i32
      %dma_wait3A_136 = arith.constant 0 : i32
      %dma_wait3A_137 = tpu.memref_slice %dma_wait3A_134[%dma_wait3A_135, %dma_wait3A_136] : memref<80x128xbf16, #tpu.memory_space<vmem>> -> memref<80x128xbf16, #tpu.memory_space<vmem>>
      tpu.wait_dma2 semaphore(%run_scoped3A_102 : memref<!tpu.dma_semaphore, #tpu.memory_space<semaphore_mem>>) src(%dma_wait3A_137 : memref<80x128xbf16, #tpu.memory_space<vmem>>) dst(%dma_wait3A_130 : memref<80x128xbf16, #tpu.memory_space<vmem_shared>>)
      tpu.yield
    }) : () -> ()
    %mul3A_26 = arith.constant 640 : i32
    %mul3A_27 = arith.muli %arg1, %mul3A_26 : i32
    %add3A_28 = arith.constant 320 : i32
    %add3A_29 = arith.addi %mul3A_27, %add3A_28 : i32
    %run_scoped3A_30 = arith.constant 0 : i32
    "tpu.region"() ({
      %run_scoped3A_102 = tpu.sem_alloc : memref<!tpu.dma_semaphore, #tpu.memory_space<semaphore_mem>>
      %dma_start3A_103 = arith.constant 0 : i32
      %dma_start3A_104 = arith.constant 0 : i32
      %dma_start3A_105 = tpu.memref_slice %arg8[%run_scoped3A_30, %dma_start3A_103, %dma_start3A_104] : memref<5x80x128xbf16, #tpu.memory_space<vmem>> -> memref<1x80x128xbf16, #tpu.memory_space<vmem>>
      %dma_start3A_106 = tpu.memref_squeeze %dma_start3A_105 : memref<1x80x128xbf16, #tpu.memory_space<vmem>> -> memref<80x128xbf16, #tpu.memory_space<vmem>>
      %dma_start3A_107 = arith.constant 0 : i32
      %dma_start3A_108 = arith.constant 0 : i32
      %dma_start3A_109 = tpu.memref_slice %dma_start3A_106[%dma_start3A_107, %dma_start3A_108] : memref<80x128xbf16, #tpu.memory_space<vmem>> -> memref<80x128xbf16, #tpu.memory_space<vmem>>
      %dma_start3A_110 = arith.constant 0 : i32
      %dma_start3A_111 = tpu.memref_slice %arg5[%add3A_29, %dma_start3A_110] : memref<10240x128xbf16, #tpu.memory_space<vmem_shared>> -> memref<80x128xbf16, #tpu.memory_space<vmem_shared>>
      %dma_start3A_112 = arith.constant 0 : i32
      %dma_start3A_113 = tpu.memref_slice %arg5[%add3A_29, %dma_start3A_112] : memref<10240x128xbf16, #tpu.memory_space<vmem_shared>> -> memref<80x128xbf16, #tpu.memory_space<vmem_shared>>
      %dma_start3A_114 = arith.constant 0 : i32
      %dma_start3A_115 = arith.constant 0 : i32
      %dma_start3A_116 = tpu.memref_slice %arg8[%run_scoped3A_30, %dma_start3A_114, %dma_start3A_115] : memref<5x80x128xbf16, #tpu.memory_space<vmem>> -> memref<1x80x128xbf16, #tpu.memory_space<vmem>>
      %dma_start3A_117 = tpu.memref_squeeze %dma_start3A_116 : memref<1x80x128xbf16, #tpu.memory_space<vmem>> -> memref<80x128xbf16, #tpu.memory_space<vmem>>
      %dma_start3A_118 = arith.constant 0 : i32
      %dma_start3A_119 = arith.constant 0 : i32
      %dma_start3A_120 = tpu.memref_slice %dma_start3A_117[%dma_start3A_118, %dma_start3A_119] : memref<80x128xbf16, #tpu.memory_space<vmem>> -> memref<80x128xbf16, #tpu.memory_space<vmem>>
      tpu.enqueue_dma source(%dma_start3A_120 : memref<80x128xbf16, #tpu.memory_space<vmem>>) target(%dma_start3A_113 : memref<80x128xbf16, #tpu.memory_space<vmem_shared>>) target_semaphore(%run_scoped3A_102 : memref<!tpu.dma_semaphore, #tpu.memory_space<semaphore_mem>>)
      %dma_wait3A = arith.constant 0 : i32
      %dma_wait3A_121 = arith.constant 0 : i32
      %dma_wait3A_122 = tpu.memref_slice %arg8[%run_scoped3A_30, %dma_wait3A, %dma_wait3A_121] : memref<5x80x128xbf16, #tpu.memory_space<vmem>> -> memref<1x80x128xbf16, #tpu.memory_space<vmem>>
      %dma_wait3A_123 = tpu.memref_squeeze %dma_wait3A_122 : memref<1x80x128xbf16, #tpu.memory_space<vmem>> -> memref<80x128xbf16, #tpu.memory_space<vmem>>
      %dma_wait3A_124 = arith.constant 0 : i32
      %dma_wait3A_125 = arith.constant 0 : i32
      %dma_wait3A_126 = tpu.memref_slice %dma_wait3A_123[%dma_wait3A_124, %dma_wait3A_125] : memref<80x128xbf16, #tpu.memory_space<vmem>> -> memref<80x128xbf16, #tpu.memory_space<vmem>>
      %dma_wait3A_127 = arith.constant 0 : i32
      %dma_wait3A_128 = tpu.memref_slice %arg5[%add3A_29, %dma_wait3A_127] : memref<10240x128xbf16, #tpu.memory_space<vmem_shared>> -> memref<80x128xbf16, #tpu.memory_space<vmem_shared>>
      %dma_wait3A_129 = arith.constant 0 : i32
      %dma_wait3A_130 = tpu.memref_slice %arg5[%add3A_29, %dma_wait3A_129] : memref<10240x128xbf16, #tpu.memory_space<vmem_shared>> -> memref<80x128xbf16, #tpu.memory_space<vmem_shared>>
      %dma_wait3A_131 = arith.constant 0 : i32
      %dma_wait3A_132 = arith.constant 0 : i32
      %dma_wait3A_133 = tpu.memref_slice %arg8[%run_scoped3A_30, %dma_wait3A_131, %dma_wait3A_132] : memref<5x80x128xbf16, #tpu.memory_space<vmem>> -> memref<1x80x128xbf16, #tpu.memory_space<vmem>>
      %dma_wait3A_134 = tpu.memref_squeeze %dma_wait3A_133 : memref<1x80x128xbf16, #tpu.memory_space<vmem>> -> memref<80x128xbf16, #tpu.memory_space<vmem>>
      %dma_wait3A_135 = arith.constant 0 : i32
      %dma_wait3A_136 = arith.constant 0 : i32
      %dma_wait3A_137 = tpu.memref_slice %dma_wait3A_134[%dma_wait3A_135, %dma_wait3A_136] : memref<80x128xbf16, #tpu.memory_space<vmem>> -> memref<80x128xbf16, #tpu.memory_space<vmem>>
      tpu.wait_dma2 semaphore(%run_scoped3A_102 : memref<!tpu.dma_semaphore, #tpu.memory_space<semaphore_mem>>) src(%dma_wait3A_137 : memref<80x128xbf16, #tpu.memory_space<vmem>>) dst(%dma_wait3A_130 : memref<80x128xbf16, #tpu.memory_space<vmem_shared>>)
      tpu.yield
    }) : () -> ()
    %mul3A_31 = arith.constant 640 : i32
    %mul3A_32 = arith.muli %arg1, %mul3A_31 : i32
    %add3A_33 = arith.constant 400 : i32
    %add3A_34 = arith.addi %mul3A_32, %add3A_33 : i32
    %run_scoped3A_35 = arith.constant 0 : i32
    "tpu.region"() ({
      %run_scoped3A_102 = tpu.sem_alloc : memref<!tpu.dma_semaphore, #tpu.memory_space<semaphore_mem>>
      %dma_start3A_103 = arith.constant 0 : i32
      %dma_start3A_104 = arith.constant 0 : i32
      %dma_start3A_105 = tpu.memref_slice %arg8[%run_scoped3A_35, %dma_start3A_103, %dma_start3A_104] : memref<5x80x128xbf16, #tpu.memory_space<vmem>> -> memref<1x80x128xbf16, #tpu.memory_space<vmem>>
      %dma_start3A_106 = tpu.memref_squeeze %dma_start3A_105 : memref<1x80x128xbf16, #tpu.memory_space<vmem>> -> memref<80x128xbf16, #tpu.memory_space<vmem>>
      %dma_start3A_107 = arith.constant 0 : i32
      %dma_start3A_108 = arith.constant 0 : i32
      %dma_start3A_109 = tpu.memref_slice %dma_start3A_106[%dma_start3A_107, %dma_start3A_108] : memref<80x128xbf16, #tpu.memory_space<vmem>> -> memref<80x128xbf16, #tpu.memory_space<vmem>>
      %dma_start3A_110 = arith.constant 0 : i32
      %dma_start3A_111 = tpu.memref_slice %arg5[%add3A_34, %dma_start3A_110] : memref<10240x128xbf16, #tpu.memory_space<vmem_shared>> -> memref<80x128xbf16, #tpu.memory_space<vmem_shared>>
      %dma_start3A_112 = arith.constant 0 : i32
      %dma_start3A_113 = tpu.memref_slice %arg5[%add3A_34, %dma_start3A_112] : memref<10240x128xbf16, #tpu.memory_space<vmem_shared>> -> memref<80x128xbf16, #tpu.memory_space<vmem_shared>>
      %dma_start3A_114 = arith.constant 0 : i32
      %dma_start3A_115 = arith.constant 0 : i32
      %dma_start3A_116 = tpu.memref_slice %arg8[%run_scoped3A_35, %dma_start3A_114, %dma_start3A_115] : memref<5x80x128xbf16, #tpu.memory_space<vmem>> -> memref<1x80x128xbf16, #tpu.memory_space<vmem>>
      %dma_start3A_117 = tpu.memref_squeeze %dma_start3A_116 : memref<1x80x128xbf16, #tpu.memory_space<vmem>> -> memref<80x128xbf16, #tpu.memory_space<vmem>>
      %dma_start3A_118 = arith.constant 0 : i32
      %dma_start3A_119 = arith.constant 0 : i32
      %dma_start3A_120 = tpu.memref_slice %dma_start3A_117[%dma_start3A_118, %dma_start3A_119] : memref<80x128xbf16, #tpu.memory_space<vmem>> -> memref<80x128xbf16, #tpu.memory_space<vmem>>
      tpu.enqueue_dma source(%dma_start3A_120 : memref<80x128xbf16, #tpu.memory_space<vmem>>) target(%dma_start3A_113 : memref<80x128xbf16, #tpu.memory_space<vmem_shared>>) target_semaphore(%run_scoped3A_102 : memref<!tpu.dma_semaphore, #tpu.memory_space<semaphore_mem>>)
      %dma_wait3A = arith.constant 0 : i32
      %dma_wait3A_121 = arith.constant 0 : i32
      %dma_wait3A_122 = tpu.memref_slice %arg8[%run_scoped3A_35, %dma_wait3A, %dma_wait3A_121] : memref<5x80x128xbf16, #tpu.memory_space<vmem>> -> memref<1x80x128xbf16, #tpu.memory_space<vmem>>
      %dma_wait3A_123 = tpu.memref_squeeze %dma_wait3A_122 : memref<1x80x128xbf16, #tpu.memory_space<vmem>> -> memref<80x128xbf16, #tpu.memory_space<vmem>>
      %dma_wait3A_124 = arith.constant 0 : i32
      %dma_wait3A_125 = arith.constant 0 : i32
      %dma_wait3A_126 = tpu.memref_slice %dma_wait3A_123[%dma_wait3A_124, %dma_wait3A_125] : memref<80x128xbf16, #tpu.memory_space<vmem>> -> memref<80x128xbf16, #tpu.memory_space<vmem>>
      %dma_wait3A_127 = arith.constant 0 : i32
      %dma_wait3A_128 = tpu.memref_slice %arg5[%add3A_34, %dma_wait3A_127] : memref<10240x128xbf16, #tpu.memory_space<vmem_shared>> -> memref<80x128xbf16, #tpu.memory_space<vmem_shared>>
      %dma_wait3A_129 = arith.constant 0 : i32
      %dma_wait3A_130 = tpu.memref_slice %arg5[%add3A_34, %dma_wait3A_129] : memref<10240x128xbf16, #tpu.memory_space<vmem_shared>> -> memref<80x128xbf16, #tpu.memory_space<vmem_shared>>
      %dma_wait3A_131 = arith.constant 0 : i32
      %dma_wait3A_132 = arith.constant 0 : i32
      %dma_wait3A_133 = tpu.memref_slice %arg8[%run_scoped3A_35, %dma_wait3A_131, %dma_wait3A_132] : memref<5x80x128xbf16, #tpu.memory_space<vmem>> -> memref<1x80x128xbf16, #tpu.memory_space<vmem>>
      %dma_wait3A_134 = tpu.memref_squeeze %dma_wait3A_133 : memref<1x80x128xbf16, #tpu.memory_space<vmem>> -> memref<80x128xbf16, #tpu.memory_space<vmem>>
      %dma_wait3A_135 = arith.constant 0 : i32
      %dma_wait3A_136 = arith.constant 0 : i32
      %dma_wait3A_137 = tpu.memref_slice %dma_wait3A_134[%dma_wait3A_135, %dma_wait3A_136] : memref<80x128xbf16, #tpu.memory_space<vmem>> -> memref<80x128xbf16, #tpu.memory_space<vmem>>
      tpu.wait_dma2 semaphore(%run_scoped3A_102 : memref<!tpu.dma_semaphore, #tpu.memory_space<semaphore_mem>>) src(%dma_wait3A_137 : memref<80x128xbf16, #tpu.memory_space<vmem>>) dst(%dma_wait3A_130 : memref<80x128xbf16, #tpu.memory_space<vmem_shared>>)
      tpu.yield
    }) : () -> ()
    %mul3A_36 = arith.constant 640 : i32
    %mul3A_37 = arith.muli %arg1, %mul3A_36 : i32
    %add3A_38 = arith.constant 480 : i32
    %add3A_39 = arith.addi %mul3A_37, %add3A_38 : i32
    %run_scoped3A_40 = arith.constant 0 : i32
    "tpu.region"() ({
      %run_scoped3A_102 = tpu.sem_alloc : memref<!tpu.dma_semaphore, #tpu.memory_space<semaphore_mem>>
      %dma_start3A_103 = arith.constant 0 : i32
      %dma_start3A_104 = arith.constant 0 : i32
      %dma_start3A_105 = tpu.memref_slice %arg8[%run_scoped3A_40, %dma_start3A_103, %dma_start3A_104] : memref<5x80x128xbf16, #tpu.memory_space<vmem>> -> memref<1x80x128xbf16, #tpu.memory_space<vmem>>
      %dma_start3A_106 = tpu.memref_squeeze %dma_start3A_105 : memref<1x80x128xbf16, #tpu.memory_space<vmem>> -> memref<80x128xbf16, #tpu.memory_space<vmem>>
      %dma_start3A_107 = arith.constant 0 : i32
      %dma_start3A_108 = arith.constant 0 : i32
      %dma_start3A_109 = tpu.memref_slice %dma_start3A_106[%dma_start3A_107, %dma_start3A_108] : memref<80x128xbf16, #tpu.memory_space<vmem>> -> memref<80x128xbf16, #tpu.memory_space<vmem>>
      %dma_start3A_110 = arith.constant 0 : i32
      %dma_start3A_111 = tpu.memref_slice %arg5[%add3A_39, %dma_start3A_110] : memref<10240x128xbf16, #tpu.memory_space<vmem_shared>> -> memref<80x128xbf16, #tpu.memory_space<vmem_shared>>
      %dma_start3A_112 = arith.constant 0 : i32
      %dma_start3A_113 = tpu.memref_slice %arg5[%add3A_39, %dma_start3A_112] : memref<10240x128xbf16, #tpu.memory_space<vmem_shared>> -> memref<80x128xbf16, #tpu.memory_space<vmem_shared>>
      %dma_start3A_114 = arith.constant 0 : i32
      %dma_start3A_115 = arith.constant 0 : i32
      %dma_start3A_116 = tpu.memref_slice %arg8[%run_scoped3A_40, %dma_start3A_114, %dma_start3A_115] : memref<5x80x128xbf16, #tpu.memory_space<vmem>> -> memref<1x80x128xbf16, #tpu.memory_space<vmem>>
      %dma_start3A_117 = tpu.memref_squeeze %dma_start3A_116 : memref<1x80x128xbf16, #tpu.memory_space<vmem>> -> memref<80x128xbf16, #tpu.memory_space<vmem>>
      %dma_start3A_118 = arith.constant 0 : i32
      %dma_start3A_119 = arith.constant 0 : i32
      %dma_start3A_120 = tpu.memref_slice %dma_start3A_117[%dma_start3A_118, %dma_start3A_119] : memref<80x128xbf16, #tpu.memory_space<vmem>> -> memref<80x128xbf16, #tpu.memory_space<vmem>>
      tpu.enqueue_dma source(%dma_start3A_120 : memref<80x128xbf16, #tpu.memory_space<vmem>>) target(%dma_start3A_113 : memref<80x128xbf16, #tpu.memory_space<vmem_shared>>) target_semaphore(%run_scoped3A_102 : memref<!tpu.dma_semaphore, #tpu.memory_space<semaphore_mem>>)
      %dma_wait3A = arith.constant 0 : i32
      %dma_wait3A_121 = arith.constant 0 : i32
      %dma_wait3A_122 = tpu.memref_slice %arg8[%run_scoped3A_40, %dma_wait3A, %dma_wait3A_121] : memref<5x80x128xbf16, #tpu.memory_space<vmem>> -> memref<1x80x128xbf16, #tpu.memory_space<vmem>>
      %dma_wait3A_123 = tpu.memref_squeeze %dma_wait3A_122 : memref<1x80x128xbf16, #tpu.memory_space<vmem>> -> memref<80x128xbf16, #tpu.memory_space<vmem>>
      %dma_wait3A_124 = arith.constant 0 : i32
      %dma_wait3A_125 = arith.constant 0 : i32
      %dma_wait3A_126 = tpu.memref_slice %dma_wait3A_123[%dma_wait3A_124, %dma_wait3A_125] : memref<80x128xbf16, #tpu.memory_space<vmem>> -> memref<80x128xbf16, #tpu.memory_space<vmem>>
      %dma_wait3A_127 = arith.constant 0 : i32
      %dma_wait3A_128 = tpu.memref_slice %arg5[%add3A_39, %dma_wait3A_127] : memref<10240x128xbf16, #tpu.memory_space<vmem_shared>> -> memref<80x128xbf16, #tpu.memory_space<vmem_shared>>
      %dma_wait3A_129 = arith.constant 0 : i32
      %dma_wait3A_130 = tpu.memref_slice %arg5[%add3A_39, %dma_wait3A_129] : memref<10240x128xbf16, #tpu.memory_space<vmem_shared>> -> memref<80x128xbf16, #tpu.memory_space<vmem_shared>>
      %dma_wait3A_131 = arith.constant 0 : i32
      %dma_wait3A_132 = arith.constant 0 : i32
      %dma_wait3A_133 = tpu.memref_slice %arg8[%run_scoped3A_40, %dma_wait3A_131, %dma_wait3A_132] : memref<5x80x128xbf16, #tpu.memory_space<vmem>> -> memref<1x80x128xbf16, #tpu.memory_space<vmem>>
      %dma_wait3A_134 = tpu.memref_squeeze %dma_wait3A_133 : memref<1x80x128xbf16, #tpu.memory_space<vmem>> -> memref<80x128xbf16, #tpu.memory_space<vmem>>
      %dma_wait3A_135 = arith.constant 0 : i32
      %dma_wait3A_136 = arith.constant 0 : i32
      %dma_wait3A_137 = tpu.memref_slice %dma_wait3A_134[%dma_wait3A_135, %dma_wait3A_136] : memref<80x128xbf16, #tpu.memory_space<vmem>> -> memref<80x128xbf16, #tpu.memory_space<vmem>>
      tpu.wait_dma2 semaphore(%run_scoped3A_102 : memref<!tpu.dma_semaphore, #tpu.memory_space<semaphore_mem>>) src(%dma_wait3A_137 : memref<80x128xbf16, #tpu.memory_space<vmem>>) dst(%dma_wait3A_130 : memref<80x128xbf16, #tpu.memory_space<vmem_shared>>)
      tpu.yield
    }) : () -> ()
    %mul3A_41 = arith.constant 640 : i32
    %mul3A_42 = arith.muli %arg1, %mul3A_41 : i32
    %add3A_43 = arith.constant 560 : i32
    %add3A_44 = arith.addi %mul3A_42, %add3A_43 : i32
    %run_scoped3A_45 = arith.constant 0 : i32
    "tpu.region"() ({
      %run_scoped3A_102 = tpu.sem_alloc : memref<!tpu.dma_semaphore, #tpu.memory_space<semaphore_mem>>
      %dma_start3A_103 = arith.constant 0 : i32
      %dma_start3A_104 = arith.constant 0 : i32
      %dma_start3A_105 = tpu.memref_slice %arg8[%run_scoped3A_45, %dma_start3A_103, %dma_start3A_104] : memref<5x80x128xbf16, #tpu.memory_space<vmem>> -> memref<1x80x128xbf16, #tpu.memory_space<vmem>>
      %dma_start3A_106 = tpu.memref_squeeze %dma_start3A_105 : memref<1x80x128xbf16, #tpu.memory_space<vmem>> -> memref<80x128xbf16, #tpu.memory_space<vmem>>
      %dma_start3A_107 = arith.constant 0 : i32
      %dma_start3A_108 = arith.constant 0 : i32
      %dma_start3A_109 = tpu.memref_slice %dma_start3A_106[%dma_start3A_107, %dma_start3A_108] : memref<80x128xbf16, #tpu.memory_space<vmem>> -> memref<80x128xbf16, #tpu.memory_space<vmem>>
      %dma_start3A_110 = arith.constant 0 : i32
      %dma_start3A_111 = tpu.memref_slice %arg5[%add3A_44, %dma_start3A_110] : memref<10240x128xbf16, #tpu.memory_space<vmem_shared>> -> memref<80x128xbf16, #tpu.memory_space<vmem_shared>>
      %dma_start3A_112 = arith.constant 0 : i32
      %dma_start3A_113 = tpu.memref_slice %arg5[%add3A_44, %dma_start3A_112] : memref<10240x128xbf16, #tpu.memory_space<vmem_shared>> -> memref<80x128xbf16, #tpu.memory_space<vmem_shared>>
      %dma_start3A_114 = arith.constant 0 : i32
      %dma_start3A_115 = arith.constant 0 : i32
      %dma_start3A_116 = tpu.memref_slice %arg8[%run_scoped3A_45, %dma_start3A_114, %dma_start3A_115] : memref<5x80x128xbf16, #tpu.memory_space<vmem>> -> memref<1x80x128xbf16, #tpu.memory_space<vmem>>
      %dma_start3A_117 = tpu.memref_squeeze %dma_start3A_116 : memref<1x80x128xbf16, #tpu.memory_space<vmem>> -> memref<80x128xbf16, #tpu.memory_space<vmem>>
      %dma_start3A_118 = arith.constant 0 : i32
      %dma_start3A_119 = arith.constant 0 : i32
      %dma_start3A_120 = tpu.memref_slice %dma_start3A_117[%dma_start3A_118, %dma_start3A_119] : memref<80x128xbf16, #tpu.memory_space<vmem>> -> memref<80x128xbf16, #tpu.memory_space<vmem>>
      tpu.enqueue_dma source(%dma_start3A_120 : memref<80x128xbf16, #tpu.memory_space<vmem>>) target(%dma_start3A_113 : memref<80x128xbf16, #tpu.memory_space<vmem_shared>>) target_semaphore(%run_scoped3A_102 : memref<!tpu.dma_semaphore, #tpu.memory_space<semaphore_mem>>)
      %dma_wait3A = arith.constant 0 : i32
      %dma_wait3A_121 = arith.constant 0 : i32
      %dma_wait3A_122 = tpu.memref_slice %arg8[%run_scoped3A_45, %dma_wait3A, %dma_wait3A_121] : memref<5x80x128xbf16, #tpu.memory_space<vmem>> -> memref<1x80x128xbf16, #tpu.memory_space<vmem>>
      %dma_wait3A_123 = tpu.memref_squeeze %dma_wait3A_122 : memref<1x80x128xbf16, #tpu.memory_space<vmem>> -> memref<80x128xbf16, #tpu.memory_space<vmem>>
      %dma_wait3A_124 = arith.constant 0 : i32
      %dma_wait3A_125 = arith.constant 0 : i32
      %dma_wait3A_126 = tpu.memref_slice %dma_wait3A_123[%dma_wait3A_124, %dma_wait3A_125] : memref<80x128xbf16, #tpu.memory_space<vmem>> -> memref<80x128xbf16, #tpu.memory_space<vmem>>
      %dma_wait3A_127 = arith.constant 0 : i32
      %dma_wait3A_128 = tpu.memref_slice %arg5[%add3A_44, %dma_wait3A_127] : memref<10240x128xbf16, #tpu.memory_space<vmem_shared>> -> memref<80x128xbf16, #tpu.memory_space<vmem_shared>>
      %dma_wait3A_129 = arith.constant 0 : i32
      %dma_wait3A_130 = tpu.memref_slice %arg5[%add3A_44, %dma_wait3A_129] : memref<10240x128xbf16, #tpu.memory_space<vmem_shared>> -> memref<80x128xbf16, #tpu.memory_space<vmem_shared>>
      %dma_wait3A_131 = arith.constant 0 : i32
      %dma_wait3A_132 = arith.constant 0 : i32
      %dma_wait3A_133 = tpu.memref_slice %arg8[%run_scoped3A_45, %dma_wait3A_131, %dma_wait3A_132] : memref<5x80x128xbf16, #tpu.memory_space<vmem>> -> memref<1x80x128xbf16, #tpu.memory_space<vmem>>
      %dma_wait3A_134 = tpu.memref_squeeze %dma_wait3A_133 : memref<1x80x128xbf16, #tpu.memory_space<vmem>> -> memref<80x128xbf16, #tpu.memory_space<vmem>>
      %dma_wait3A_135 = arith.constant 0 : i32
      %dma_wait3A_136 = arith.constant 0 : i32
      %dma_wait3A_137 = tpu.memref_slice %dma_wait3A_134[%dma_wait3A_135, %dma_wait3A_136] : memref<80x128xbf16, #tpu.memory_space<vmem>> -> memref<80x128xbf16, #tpu.memory_space<vmem>>
      tpu.wait_dma2 semaphore(%run_scoped3A_102 : memref<!tpu.dma_semaphore, #tpu.memory_space<semaphore_mem>>) src(%dma_wait3A_137 : memref<80x128xbf16, #tpu.memory_space<vmem>>) dst(%dma_wait3A_130 : memref<80x128xbf16, #tpu.memory_space<vmem_shared>>)
      tpu.yield
    }) : () -> ()
    %barrier3A = arith.constant 0 : index
    tpu.barrier barrier_id(%barrier3A)
    %mul3A_46 = arith.constant 10000 : i32
    %mul3A_47 = arith.muli %add3A, %mul3A_46 : i32
    %run_scoped3A_48 = arith.constant 0 : i32
    "tpu.region"() ({
      %run_scoped3A_102 = tpu.sem_alloc : memref<!tpu.dma_semaphore, #tpu.memory_space<semaphore_mem>>
      %dma_start3A_103 = arith.constant 0 : i32
      %dma_start3A_104 = tpu.memref_slice %arg3[%run_scoped3A_48, %dma_start3A_103] : memref<2x320000xi32, #tpu.memory_space<hbm>> -> memref<1x320000xi32, #tpu.memory_space<hbm>>
      %dma_start3A_105 = tpu.memref_squeeze %dma_start3A_104 : memref<1x320000xi32, #tpu.memory_space<hbm>> -> memref<320000xi32, #tpu.memory_space<hbm>>
      %dma_start3A_106 = tpu.memref_slice %dma_start3A_105[%mul3A_47] : memref<320000xi32, #tpu.memory_space<hbm>> -> memref<10000xi32, #tpu.memory_space<hbm>>
      %dma_start3A_107 = arith.constant 0 : i32
      %dma_start3A_108 = tpu.memref_slice %arg3[%run_scoped3A_48, %dma_start3A_107] : memref<2x320000xi32, #tpu.memory_space<hbm>> -> memref<1x320000xi32, #tpu.memory_space<hbm>>
      %dma_start3A_109 = tpu.memref_squeeze %dma_start3A_108 : memref<1x320000xi32, #tpu.memory_space<hbm>> -> memref<320000xi32, #tpu.memory_space<hbm>>
      %dma_start3A_110 = tpu.memref_slice %dma_start3A_109[%mul3A_47] : memref<320000xi32, #tpu.memory_space<hbm>> -> memref<10000xi32, #tpu.memory_space<hbm>>
      tpu.enqueue_dma source(%dma_start3A_110 : memref<10000xi32, #tpu.memory_space<hbm>>) target(%arg6 : memref<10000xi32, #tpu.memory_space<vmem>>) target_semaphore(%run_scoped3A_102 : memref<!tpu.dma_semaphore, #tpu.memory_space<semaphore_mem>>)
      %dma_wait3A = arith.constant 0 : i32
      %dma_wait3A_111 = tpu.memref_slice %arg3[%run_scoped3A_48, %dma_wait3A] : memref<2x320000xi32, #tpu.memory_space<hbm>> -> memref<1x320000xi32, #tpu.memory_space<hbm>>
      %dma_wait3A_112 = tpu.memref_squeeze %dma_wait3A_111 : memref<1x320000xi32, #tpu.memory_space<hbm>> -> memref<320000xi32, #tpu.memory_space<hbm>>
      %dma_wait3A_113 = tpu.memref_slice %dma_wait3A_112[%mul3A_47] : memref<320000xi32, #tpu.memory_space<hbm>> -> memref<10000xi32, #tpu.memory_space<hbm>>
      %dma_wait3A_114 = arith.constant 0 : i32
      %dma_wait3A_115 = tpu.memref_slice %arg3[%run_scoped3A_48, %dma_wait3A_114] : memref<2x320000xi32, #tpu.memory_space<hbm>> -> memref<1x320000xi32, #tpu.memory_space<hbm>>
      %dma_wait3A_116 = tpu.memref_squeeze %dma_wait3A_115 : memref<1x320000xi32, #tpu.memory_space<hbm>> -> memref<320000xi32, #tpu.memory_space<hbm>>
      %dma_wait3A_117 = tpu.memref_slice %dma_wait3A_116[%mul3A_47] : memref<320000xi32, #tpu.memory_space<hbm>> -> memref<10000xi32, #tpu.memory_space<hbm>>
      tpu.wait_dma2 semaphore(%run_scoped3A_102 : memref<!tpu.dma_semaphore, #tpu.memory_space<semaphore_mem>>) src(%dma_wait3A_117 : memref<10000xi32, #tpu.memory_space<hbm>>) dst(%arg6 : memref<10000xi32, #tpu.memory_space<vmem>>)
      tpu.yield
    }) : () -> ()
    %mul3A_49 = arith.constant 10000 : i32
    %mul3A_50 = arith.muli %add3A, %mul3A_49 : i32
    %run_scoped3A_51 = arith.constant 1 : i32
    "tpu.region"() ({
      %run_scoped3A_102 = tpu.sem_alloc : memref<!tpu.dma_semaphore, #tpu.memory_space<semaphore_mem>>
      %dma_start3A_103 = arith.constant 0 : i32
      %dma_start3A_104 = tpu.memref_slice %arg3[%run_scoped3A_51, %dma_start3A_103] : memref<2x320000xi32, #tpu.memory_space<hbm>> -> memref<1x320000xi32, #tpu.memory_space<hbm>>
      %dma_start3A_105 = tpu.memref_squeeze %dma_start3A_104 : memref<1x320000xi32, #tpu.memory_space<hbm>> -> memref<320000xi32, #tpu.memory_space<hbm>>
      %dma_start3A_106 = tpu.memref_slice %dma_start3A_105[%mul3A_50] : memref<320000xi32, #tpu.memory_space<hbm>> -> memref<10000xi32, #tpu.memory_space<hbm>>
      %dma_start3A_107 = arith.constant 0 : i32
      %dma_start3A_108 = tpu.memref_slice %arg3[%run_scoped3A_51, %dma_start3A_107] : memref<2x320000xi32, #tpu.memory_space<hbm>> -> memref<1x320000xi32, #tpu.memory_space<hbm>>
      %dma_start3A_109 = tpu.memref_squeeze %dma_start3A_108 : memref<1x320000xi32, #tpu.memory_space<hbm>> -> memref<320000xi32, #tpu.memory_space<hbm>>
      %dma_start3A_110 = tpu.memref_slice %dma_start3A_109[%mul3A_50] : memref<320000xi32, #tpu.memory_space<hbm>> -> memref<10000xi32, #tpu.memory_space<hbm>>
      tpu.enqueue_dma source(%dma_start3A_110 : memref<10000xi32, #tpu.memory_space<hbm>>) target(%arg7 : memref<10000xi32, #tpu.memory_space<vmem>>) target_semaphore(%run_scoped3A_102 : memref<!tpu.dma_semaphore, #tpu.memory_space<semaphore_mem>>)
      %dma_wait3A = arith.constant 0 : i32
      %dma_wait3A_111 = tpu.memref_slice %arg3[%run_scoped3A_51, %dma_wait3A] : memref<2x320000xi32, #tpu.memory_space<hbm>> -> memref<1x320000xi32, #tpu.memory_space<hbm>>
      %dma_wait3A_112 = tpu.memref_squeeze %dma_wait3A_111 : memref<1x320000xi32, #tpu.memory_space<hbm>> -> memref<320000xi32, #tpu.memory_space<hbm>>
      %dma_wait3A_113 = tpu.memref_slice %dma_wait3A_112[%mul3A_50] : memref<320000xi32, #tpu.memory_space<hbm>> -> memref<10000xi32, #tpu.memory_space<hbm>>
      %dma_wait3A_114 = arith.constant 0 : i32
      %dma_wait3A_115 = tpu.memref_slice %arg3[%run_scoped3A_51, %dma_wait3A_114] : memref<2x320000xi32, #tpu.memory_space<hbm>> -> memref<1x320000xi32, #tpu.memory_space<hbm>>
      %dma_wait3A_116 = tpu.memref_squeeze %dma_wait3A_115 : memref<1x320000xi32, #tpu.memory_space<hbm>> -> memref<320000xi32, #tpu.memory_space<hbm>>
      %dma_wait3A_117 = tpu.memref_slice %dma_wait3A_116[%mul3A_50] : memref<320000xi32, #tpu.memory_space<hbm>> -> memref<10000xi32, #tpu.memory_space<hbm>>
      tpu.wait_dma2 semaphore(%run_scoped3A_102 : memref<!tpu.dma_semaphore, #tpu.memory_space<semaphore_mem>>) src(%dma_wait3A_117 : memref<10000xi32, #tpu.memory_space<hbm>>) dst(%arg7 : memref<10000xi32, #tpu.memory_space<vmem>>)
      tpu.yield
    }) : () -> ()
    %dma_start3A = arith.constant 0 : i32
    %dma_start3A_52 = arith.constant 0 : i32
    %dma_start3A_53 = arith.constant 0 : i32
    %dma_start3A_54 = tpu.memref_slice %arg8[%dma_start3A, %dma_start3A_52, %dma_start3A_53] : memref<5x80x128xbf16, #tpu.memory_space<vmem>> -> memref<1x80x128xbf16, #tpu.memory_space<vmem>>
    %dma_start3A_55 = tpu.memref_squeeze %dma_start3A_54 : memref<1x80x128xbf16, #tpu.memory_space<vmem>> -> memref<80x128xbf16, #tpu.memory_space<vmem>>
    %dma_start3A_56 = arith.constant 0 : i32
    %dma_start3A_57 = tpu.memref_slice %arg6[%dma_start3A_56] : memref<10000xi32, #tpu.memory_space<vmem>> -> memref<80xi32, #tpu.memory_space<vmem>>
    %dma_start3A_58 = arith.constant 0 : i32
    %dma_start3A_59 = arith.constant 0 : i32
    %dma_start3A_60 = tpu.memref_slice %arg2[%dma_start3A_58, %dma_start3A_59] : memref<10000x128xbf16, #tpu.memory_space<hbm>> -> memref<10000x128xbf16, #tpu.memory_space<hbm>>
    tpu.enqueue_indirect_dma source(%dma_start3A_60 : memref<10000x128xbf16, #tpu.memory_space<hbm>>) target(%dma_start3A_55 : memref<80x128xbf16, #tpu.memory_space<vmem>>) offsets(%dma_start3A_57 : memref<80xi32, #tpu.memory_space<vmem>>) semaphore(%arg9 : memref<!tpu.dma_semaphore, #tpu.memory_space<semaphore_mem>>)
    %dma_start3A_61 = arith.constant 1 : i32
    %dma_start3A_62 = arith.constant 0 : i32
    %dma_start3A_63 = arith.constant 0 : i32
    %dma_start3A_64 = tpu.memref_slice %arg8[%dma_start3A_61, %dma_start3A_62, %dma_start3A_63] : memref<5x80x128xbf16, #tpu.memory_space<vmem>> -> memref<1x80x128xbf16, #tpu.memory_space<vmem>>
    %dma_start3A_65 = tpu.memref_squeeze %dma_start3A_64 : memref<1x80x128xbf16, #tpu.memory_space<vmem>> -> memref<80x128xbf16, #tpu.memory_space<vmem>>
    %dma_start3A_66 = arith.constant 80 : i32
    %dma_start3A_67 = tpu.memref_slice %arg6[%dma_start3A_66] : memref<10000xi32, #tpu.memory_space<vmem>> -> memref<80xi32, #tpu.memory_space<vmem>>
    %dma_start3A_68 = arith.constant 0 : i32
    %dma_start3A_69 = arith.constant 0 : i32
    %dma_start3A_70 = tpu.memref_slice %arg2[%dma_start3A_68, %dma_start3A_69] : memref<10000x128xbf16, #tpu.memory_space<hbm>> -> memref<10000x128xbf16, #tpu.memory_space<hbm>>
    tpu.enqueue_indirect_dma source(%dma_start3A_70 : memref<10000x128xbf16, #tpu.memory_space<hbm>>) target(%dma_start3A_65 : memref<80x128xbf16, #tpu.memory_space<vmem>>) offsets(%dma_start3A_67 : memref<80xi32, #tpu.memory_space<vmem>>) semaphore(%arg10 : memref<!tpu.dma_semaphore, #tpu.memory_space<semaphore_mem>>)
    %dma_start3A_71 = arith.constant 2 : i32
    %dma_start3A_72 = arith.constant 0 : i32
    %dma_start3A_73 = arith.constant 0 : i32
    %dma_start3A_74 = tpu.memref_slice %arg8[%dma_start3A_71, %dma_start3A_72, %dma_start3A_73] : memref<5x80x128xbf16, #tpu.memory_space<vmem>> -> memref<1x80x128xbf16, #tpu.memory_space<vmem>>
    %dma_start3A_75 = tpu.memref_squeeze %dma_start3A_74 : memref<1x80x128xbf16, #tpu.memory_space<vmem>> -> memref<80x128xbf16, #tpu.memory_space<vmem>>
    %dma_start3A_76 = arith.constant 160 : i32
    %dma_start3A_77 = tpu.memref_slice %arg6[%dma_start3A_76] : memref<10000xi32, #tpu.memory_space<vmem>> -> memref<80xi32, #tpu.memory_space<vmem>>
    %dma_start3A_78 = arith.constant 0 : i32
    %dma_start3A_79 = arith.constant 0 : i32
    %dma_start3A_80 = tpu.memref_slice %arg2[%dma_start3A_78, %dma_start3A_79] : memref<10000x128xbf16, #tpu.memory_space<hbm>> -> memref<10000x128xbf16, #tpu.memory_space<hbm>>
    tpu.enqueue_indirect_dma source(%dma_start3A_80 : memref<10000x128xbf16, #tpu.memory_space<hbm>>) target(%dma_start3A_75 : memref<80x128xbf16, #tpu.memory_space<vmem>>) offsets(%dma_start3A_77 : memref<80xi32, #tpu.memory_space<vmem>>) semaphore(%arg11 : memref<!tpu.dma_semaphore, #tpu.memory_space<semaphore_mem>>)
    %dma_start3A_81 = arith.constant 3 : i32
    %dma_start3A_82 = arith.constant 0 : i32
    %dma_start3A_83 = arith.constant 0 : i32
    %dma_start3A_84 = tpu.memref_slice %arg8[%dma_start3A_81, %dma_start3A_82, %dma_start3A_83] : memref<5x80x128xbf16, #tpu.memory_space<vmem>> -> memref<1x80x128xbf16, #tpu.memory_space<vmem>>
    %dma_start3A_85 = tpu.memref_squeeze %dma_start3A_84 : memref<1x80x128xbf16, #tpu.memory_space<vmem>> -> memref<80x128xbf16, #tpu.memory_space<vmem>>
    %dma_start3A_86 = arith.constant 240 : i32
    %dma_start3A_87 = tpu.memref_slice %arg6[%dma_start3A_86] : memref<10000xi32, #tpu.memory_space<vmem>> -> memref<80xi32, #tpu.memory_space<vmem>>
    %dma_start3A_88 = arith.constant 0 : i32
    %dma_start3A_89 = arith.constant 0 : i32
    %dma_start3A_90 = tpu.memref_slice %arg2[%dma_start3A_88, %dma_start3A_89] : memref<10000x128xbf16, #tpu.memory_space<hbm>> -> memref<10000x128xbf16, #tpu.memory_space<hbm>>
    tpu.enqueue_indirect_dma source(%dma_start3A_90 : memref<10000x128xbf16, #tpu.memory_space<hbm>>) target(%dma_start3A_85 : memref<80x128xbf16, #tpu.memory_space<vmem>>) offsets(%dma_start3A_87 : memref<80xi32, #tpu.memory_space<vmem>>) semaphore(%arg12 : memref<!tpu.dma_semaphore, #tpu.memory_space<semaphore_mem>>)
    %scan3A_91 = arith.constant 0 : i32
    %scan3A_92 = arith.constant 0 : i32
    %scan3A_93 = arith.constant 25 : i32
    %scan3A_94 = arith.addi %scan3A_92, %scan3A_93 : i32
    %scan3A_95 = arith.constant 1 : i32
    scf.for %scan3A_102 = %scan3A_92 to %scan3A_94 step %scan3A_95  : i32 {
      %mul3A_103 = arith.constant 5 : i32
      %mul3A_104 = arith.muli %scan3A_102, %mul3A_103 : i32
      %add3A_105 = arith.constant 0 : i32
      %add3A_106 = arith.addi %mul3A_104, %add3A_105 : i32
      %mul3A_107 = arith.constant 80 : i32
      %mul3A_108 = arith.muli %add3A_106, %mul3A_107 : i32
      %dma_wait3A = arith.constant 0 : i32
      %dma_wait3A_109 = arith.constant 0 : i32
      %dma_wait3A_110 = arith.constant 0 : i32
      %dma_wait3A_111 = tpu.memref_slice %arg8[%dma_wait3A, %dma_wait3A_109, %dma_wait3A_110] : memref<5x80x128xbf16, #tpu.memory_space<vmem>> -> memref<1x80x128xbf16, #tpu.memory_space<vmem>>
      %dma_wait3A_112 = tpu.memref_squeeze %dma_wait3A_111 : memref<1x80x128xbf16, #tpu.memory_space<vmem>> -> memref<80x128xbf16, #tpu.memory_space<vmem>>
      %dma_wait3A_113 = tpu.memref_slice %arg6[%mul3A_108] : memref<10000xi32, #tpu.memory_space<vmem>> -> memref<80xi32, #tpu.memory_space<vmem>>
      %dma_wait3A_114 = arith.constant 0 : i32
      %dma_wait3A_115 = arith.constant 0 : i32
      %dma_wait3A_116 = tpu.memref_slice %arg2[%dma_wait3A_114, %dma_wait3A_115] : memref<10000x128xbf16, #tpu.memory_space<hbm>> -> memref<10000x128xbf16, #tpu.memory_space<hbm>>
      tpu.wait_indirect_dma semaphore(%arg9 : memref<!tpu.dma_semaphore, #tpu.memory_space<semaphore_mem>>) src(%dma_wait3A_116 : memref<10000x128xbf16, #tpu.memory_space<hbm>>) dst(%dma_wait3A_112 : memref<80x128xbf16, #tpu.memory_space<vmem>>)
      %add3A_117 = arith.constant 5 : i32
      %add3A_118 = arith.addi %add3A_106, %add3A_117 : i32
      %sub3A = arith.constant 1 : i32
      %sub3A_119 = arith.subi %add3A_118, %sub3A : i32
      %lt3A = arith.constant 125 : i32
      %lt3A_120 = arith.cmpi slt, %sub3A_119, %lt3A : i32
      %convert_element_type3A = arith.extui %lt3A_120 : i1 to i32
      %cond3A = arith.constant 0 : i32
      %cond3A_121 = arith.cmpi ne, %convert_element_type3A, %cond3A : i32
      scf.if %cond3A_121 {
        %add3A_225 = arith.constant 5 : i32
        %add3A_226 = arith.addi %add3A_106, %add3A_225 : i32
        %sub3A_227 = arith.constant 1 : i32
        %sub3A_228 = arith.subi %add3A_226, %sub3A_227 : i32
        %mul3A_229 = arith.constant 80 : i32
        %mul3A_230 = arith.muli %sub3A_228, %mul3A_229 : i32
        %dma_start3A_231 = arith.constant 4 : i32
        %dma_start3A_232 = arith.constant 0 : i32
        %dma_start3A_233 = arith.constant 0 : i32
        %dma_start3A_234 = tpu.memref_slice %arg8[%dma_start3A_231, %dma_start3A_232, %dma_start3A_233] : memref<5x80x128xbf16, #tpu.memory_space<vmem>> -> memref<1x80x128xbf16, #tpu.memory_space<vmem>>
        %dma_start3A_235 = tpu.memref_squeeze %dma_start3A_234 : memref<1x80x128xbf16, #tpu.memory_space<vmem>> -> memref<80x128xbf16, #tpu.memory_space<vmem>>
        %dma_start3A_236 = tpu.memref_slice %arg6[%mul3A_230] : memref<10000xi32, #tpu.memory_space<vmem>> -> memref<80xi32, #tpu.memory_space<vmem>>
        %dma_start3A_237 = arith.constant 0 : i32
        %dma_start3A_238 = arith.constant 0 : i32
        %dma_start3A_239 = tpu.memref_slice %arg2[%dma_start3A_237, %dma_start3A_238] : memref<10000x128xbf16, #tpu.memory_space<hbm>> -> memref<10000x128xbf16, #tpu.memory_space<hbm>>
        tpu.enqueue_indirect_dma source(%dma_start3A_239 : memref<10000x128xbf16, #tpu.memory_space<hbm>>) target(%dma_start3A_235 : memref<80x128xbf16, #tpu.memory_space<vmem>>) offsets(%dma_start3A_236 : memref<80xi32, #tpu.memory_space<vmem>>) semaphore(%arg13 : memref<!tpu.dma_semaphore, #tpu.memory_space<semaphore_mem>>)
      } else {
      }
      %mul3A_122 = arith.constant 80 : i32
      %mul3A_123 = arith.muli %add3A_106, %mul3A_122 : i32
      %run_scoped3A_124 = arith.constant 0 : i32
      "tpu.region"() ({
        %run_scoped3A_225 = tpu.sem_alloc : memref<!tpu.dma_semaphore, #tpu.memory_space<semaphore_mem>>
        %dma_start3A_226 = arith.constant 0 : i32
        %dma_start3A_227 = arith.constant 0 : i32
        %dma_start3A_228 = tpu.memref_slice %arg8[%run_scoped3A_124, %dma_start3A_226, %dma_start3A_227] : memref<5x80x128xbf16, #tpu.memory_space<vmem>> -> memref<1x80x128xbf16, #tpu.memory_space<vmem>>
        %dma_start3A_229 = tpu.memref_squeeze %dma_start3A_228 : memref<1x80x128xbf16, #tpu.memory_space<vmem>> -> memref<80x128xbf16, #tpu.memory_space<vmem>>
        %dma_start3A_230 = tpu.memref_slice %arg7[%mul3A_123] : memref<10000xi32, #tpu.memory_space<vmem>> -> memref<80xi32, #tpu.memory_space<vmem>>
        %dma_start3A_231 = arith.constant 0 : i32
        %dma_start3A_232 = arith.constant 0 : i32
        %dma_start3A_233 = tpu.memref_slice %arg5[%dma_start3A_231, %dma_start3A_232] : memref<10240x128xbf16, #tpu.memory_space<vmem_shared>> -> memref<10240x128xbf16, #tpu.memory_space<vmem_shared>>
        tpu.enqueue_indirect_dma source(%dma_start3A_229 : memref<80x128xbf16, #tpu.memory_space<vmem>>) target(%dma_start3A_233 : memref<10240x128xbf16, #tpu.memory_space<vmem_shared>>) offsets(%dma_start3A_230 : memref<80xi32, #tpu.memory_space<vmem>>) semaphore(%run_scoped3A_225 : memref<!tpu.dma_semaphore, #tpu.memory_space<semaphore_mem>>) {add = true}
        %dma_wait3A_234 = arith.constant 0 : i32
        %dma_wait3A_235 = arith.constant 0 : i32
        %dma_wait3A_236 = tpu.memref_slice %arg8[%run_scoped3A_124, %dma_wait3A_234, %dma_wait3A_235] : memref<5x80x128xbf16, #tpu.memory_space<vmem>> -> memref<1x80x128xbf16, #tpu.memory_space<vmem>>
        %dma_wait3A_237 = tpu.memref_squeeze %dma_wait3A_236 : memref<1x80x128xbf16, #tpu.memory_space<vmem>> -> memref<80x128xbf16, #tpu.memory_space<vmem>>
        %dma_wait3A_238 = tpu.memref_slice %arg7[%mul3A_123] : memref<10000xi32, #tpu.memory_space<vmem>> -> memref<80xi32, #tpu.memory_space<vmem>>
        %dma_wait3A_239 = arith.constant 0 : i32
        %dma_wait3A_240 = arith.constant 0 : i32
        %dma_wait3A_241 = tpu.memref_slice %arg5[%dma_wait3A_239, %dma_wait3A_240] : memref<10240x128xbf16, #tpu.memory_space<vmem_shared>> -> memref<10240x128xbf16, #tpu.memory_space<vmem_shared>>
        tpu.wait_indirect_dma semaphore(%run_scoped3A_225 : memref<!tpu.dma_semaphore, #tpu.memory_space<semaphore_mem>>) src(%dma_wait3A_237 : memref<80x128xbf16, #tpu.memory_space<vmem>>) dst(%dma_wait3A_241 : memref<10240x128xbf16, #tpu.memory_space<vmem_shared>>)
        tpu.yield
      }) : () -> ()
      %add3A_125 = arith.constant 1 : i32
      %add3A_126 = arith.addi %mul3A_104, %add3A_125 : i32
      %mul3A_127 = arith.constant 80 : i32
      %mul3A_128 = arith.muli %add3A_126, %mul3A_127 : i32
      %dma_wait3A_129 = arith.constant 1 : i32
      %dma_wait3A_130 = arith.constant 0 : i32
      %dma_wait3A_131 = arith.constant 0 : i32
      %dma_wait3A_132 = tpu.memref_slice %arg8[%dma_wait3A_129, %dma_wait3A_130, %dma_wait3A_131] : memref<5x80x128xbf16, #tpu.memory_space<vmem>> -> memref<1x80x128xbf16, #tpu.memory_space<vmem>>
      %dma_wait3A_133 = tpu.memref_squeeze %dma_wait3A_132 : memref<1x80x128xbf16, #tpu.memory_space<vmem>> -> memref<80x128xbf16, #tpu.memory_space<vmem>>
      %dma_wait3A_134 = tpu.memref_slice %arg6[%mul3A_128] : memref<10000xi32, #tpu.memory_space<vmem>> -> memref<80xi32, #tpu.memory_space<vmem>>
      %dma_wait3A_135 = arith.constant 0 : i32
      %dma_wait3A_136 = arith.constant 0 : i32
      %dma_wait3A_137 = tpu.memref_slice %arg2[%dma_wait3A_135, %dma_wait3A_136] : memref<10000x128xbf16, #tpu.memory_space<hbm>> -> memref<10000x128xbf16, #tpu.memory_space<hbm>>
      tpu.wait_indirect_dma semaphore(%arg10 : memref<!tpu.dma_semaphore, #tpu.memory_space<semaphore_mem>>) src(%dma_wait3A_137 : memref<10000x128xbf16, #tpu.memory_space<hbm>>) dst(%dma_wait3A_133 : memref<80x128xbf16, #tpu.memory_space<vmem>>)
      %add3A_138 = arith.constant 5 : i32
      %add3A_139 = arith.addi %add3A_126, %add3A_138 : i32
      %sub3A_140 = arith.constant 1 : i32
      %sub3A_141 = arith.subi %add3A_139, %sub3A_140 : i32
      %lt3A_142 = arith.constant 125 : i32
      %lt3A_143 = arith.cmpi slt, %sub3A_141, %lt3A_142 : i32
      %convert_element_type3A_144 = arith.extui %lt3A_143 : i1 to i32
      %cond3A_145 = arith.constant 0 : i32
      %cond3A_146 = arith.cmpi ne, %convert_element_type3A_144, %cond3A_145 : i32
      scf.if %cond3A_146 {
        %add3A_225 = arith.constant 5 : i32
        %add3A_226 = arith.addi %add3A_126, %add3A_225 : i32
        %sub3A_227 = arith.constant 1 : i32
        %sub3A_228 = arith.subi %add3A_226, %sub3A_227 : i32
        %mul3A_229 = arith.constant 80 : i32
        %mul3A_230 = arith.muli %sub3A_228, %mul3A_229 : i32
        %dma_start3A_231 = arith.constant 0 : i32
        %dma_start3A_232 = arith.constant 0 : i32
        %dma_start3A_233 = arith.constant 0 : i32
        %dma_start3A_234 = tpu.memref_slice %arg8[%dma_start3A_231, %dma_start3A_232, %dma_start3A_233] : memref<5x80x128xbf16, #tpu.memory_space<vmem>> -> memref<1x80x128xbf16, #tpu.memory_space<vmem>>
        %dma_start3A_235 = tpu.memref_squeeze %dma_start3A_234 : memref<1x80x128xbf16, #tpu.memory_space<vmem>> -> memref<80x128xbf16, #tpu.memory_space<vmem>>
        %dma_start3A_236 = tpu.memref_slice %arg6[%mul3A_230] : memref<10000xi32, #tpu.memory_space<vmem>> -> memref<80xi32, #tpu.memory_space<vmem>>
        %dma_start3A_237 = arith.constant 0 : i32
        %dma_start3A_238 = arith.constant 0 : i32
        %dma_start3A_239 = tpu.memref_slice %arg2[%dma_start3A_237, %dma_start3A_238] : memref<10000x128xbf16, #tpu.memory_space<hbm>> -> memref<10000x128xbf16, #tpu.memory_space<hbm>>
        tpu.enqueue_indirect_dma source(%dma_start3A_239 : memref<10000x128xbf16, #tpu.memory_space<hbm>>) target(%dma_start3A_235 : memref<80x128xbf16, #tpu.memory_space<vmem>>) offsets(%dma_start3A_236 : memref<80xi32, #tpu.memory_space<vmem>>) semaphore(%arg9 : memref<!tpu.dma_semaphore, #tpu.memory_space<semaphore_mem>>)
      } else {
      }
      %mul3A_147 = arith.constant 80 : i32
      %mul3A_148 = arith.muli %add3A_126, %mul3A_147 : i32
      %run_scoped3A_149 = arith.constant 1 : i32
      "tpu.region"() ({
        %run_scoped3A_225 = tpu.sem_alloc : memref<!tpu.dma_semaphore, #tpu.memory_space<semaphore_mem>>
        %dma_start3A_226 = arith.constant 0 : i32
        %dma_start3A_227 = arith.constant 0 : i32
        %dma_start3A_228 = tpu.memref_slice %arg8[%run_scoped3A_149, %dma_start3A_226, %dma_start3A_227] : memref<5x80x128xbf16, #tpu.memory_space<vmem>> -> memref<1x80x128xbf16, #tpu.memory_space<vmem>>
        %dma_start3A_229 = tpu.memref_squeeze %dma_start3A_228 : memref<1x80x128xbf16, #tpu.memory_space<vmem>> -> memref<80x128xbf16, #tpu.memory_space<vmem>>
        %dma_start3A_230 = tpu.memref_slice %arg7[%mul3A_148] : memref<10000xi32, #tpu.memory_space<vmem>> -> memref<80xi32, #tpu.memory_space<vmem>>
        %dma_start3A_231 = arith.constant 0 : i32
        %dma_start3A_232 = arith.constant 0 : i32
        %dma_start3A_233 = tpu.memref_slice %arg5[%dma_start3A_231, %dma_start3A_232] : memref<10240x128xbf16, #tpu.memory_space<vmem_shared>> -> memref<10240x128xbf16, #tpu.memory_space<vmem_shared>>
        tpu.enqueue_indirect_dma source(%dma_start3A_229 : memref<80x128xbf16, #tpu.memory_space<vmem>>) target(%dma_start3A_233 : memref<10240x128xbf16, #tpu.memory_space<vmem_shared>>) offsets(%dma_start3A_230 : memref<80xi32, #tpu.memory_space<vmem>>) semaphore(%run_scoped3A_225 : memref<!tpu.dma_semaphore, #tpu.memory_space<semaphore_mem>>) {add = true}
        %dma_wait3A_234 = arith.constant 0 : i32
        %dma_wait3A_235 = arith.constant 0 : i32
        %dma_wait3A_236 = tpu.memref_slice %arg8[%run_scoped3A_149, %dma_wait3A_234, %dma_wait3A_235] : memref<5x80x128xbf16, #tpu.memory_space<vmem>> -> memref<1x80x128xbf16, #tpu.memory_space<vmem>>
        %dma_wait3A_237 = tpu.memref_squeeze %dma_wait3A_236 : memref<1x80x128xbf16, #tpu.memory_space<vmem>> -> memref<80x128xbf16, #tpu.memory_space<vmem>>
        %dma_wait3A_238 = tpu.memref_slice %arg7[%mul3A_148] : memref<10000xi32, #tpu.memory_space<vmem>> -> memref<80xi32, #tpu.memory_space<vmem>>
        %dma_wait3A_239 = arith.constant 0 : i32
        %dma_wait3A_240 = arith.constant 0 : i32
        %dma_wait3A_241 = tpu.memref_slice %arg5[%dma_wait3A_239, %dma_wait3A_240] : memref<10240x128xbf16, #tpu.memory_space<vmem_shared>> -> memref<10240x128xbf16, #tpu.memory_space<vmem_shared>>
        tpu.wait_indirect_dma semaphore(%run_scoped3A_225 : memref<!tpu.dma_semaphore, #tpu.memory_space<semaphore_mem>>) src(%dma_wait3A_237 : memref<80x128xbf16, #tpu.memory_space<vmem>>) dst(%dma_wait3A_241 : memref<10240x128xbf16, #tpu.memory_space<vmem_shared>>)
        tpu.yield
      }) : () -> ()
      %add3A_150 = arith.constant 2 : i32
      %add3A_151 = arith.addi %mul3A_104, %add3A_150 : i32
      %mul3A_152 = arith.constant 80 : i32
      %mul3A_153 = arith.muli %add3A_151, %mul3A_152 : i32
      %dma_wait3A_154 = arith.constant 2 : i32
      %dma_wait3A_155 = arith.constant 0 : i32
      %dma_wait3A_156 = arith.constant 0 : i32
      %dma_wait3A_157 = tpu.memref_slice %arg8[%dma_wait3A_154, %dma_wait3A_155, %dma_wait3A_156] : memref<5x80x128xbf16, #tpu.memory_space<vmem>> -> memref<1x80x128xbf16, #tpu.memory_space<vmem>>
      %dma_wait3A_158 = tpu.memref_squeeze %dma_wait3A_157 : memref<1x80x128xbf16, #tpu.memory_space<vmem>> -> memref<80x128xbf16, #tpu.memory_space<vmem>>
      %dma_wait3A_159 = tpu.memref_slice %arg6[%mul3A_153] : memref<10000xi32, #tpu.memory_space<vmem>> -> memref<80xi32, #tpu.memory_space<vmem>>
      %dma_wait3A_160 = arith.constant 0 : i32
      %dma_wait3A_161 = arith.constant 0 : i32
      %dma_wait3A_162 = tpu.memref_slice %arg2[%dma_wait3A_160, %dma_wait3A_161] : memref<10000x128xbf16, #tpu.memory_space<hbm>> -> memref<10000x128xbf16, #tpu.memory_space<hbm>>
      tpu.wait_indirect_dma semaphore(%arg11 : memref<!tpu.dma_semaphore, #tpu.memory_space<semaphore_mem>>) src(%dma_wait3A_162 : memref<10000x128xbf16, #tpu.memory_space<hbm>>) dst(%dma_wait3A_158 : memref<80x128xbf16, #tpu.memory_space<vmem>>)
      %add3A_163 = arith.constant 5 : i32
      %add3A_164 = arith.addi %add3A_151, %add3A_163 : i32
      %sub3A_165 = arith.constant 1 : i32
      %sub3A_166 = arith.subi %add3A_164, %sub3A_165 : i32
      %lt3A_167 = arith.constant 125 : i32
      %lt3A_168 = arith.cmpi slt, %sub3A_166, %lt3A_167 : i32
      %convert_element_type3A_169 = arith.extui %lt3A_168 : i1 to i32
      %cond3A_170 = arith.constant 0 : i32
      %cond3A_171 = arith.cmpi ne, %convert_element_type3A_169, %cond3A_170 : i32
      scf.if %cond3A_171 {
        %add3A_225 = arith.constant 5 : i32
        %add3A_226 = arith.addi %add3A_151, %add3A_225 : i32
        %sub3A_227 = arith.constant 1 : i32
        %sub3A_228 = arith.subi %add3A_226, %sub3A_227 : i32
        %mul3A_229 = arith.constant 80 : i32
        %mul3A_230 = arith.muli %sub3A_228, %mul3A_229 : i32
        %dma_start3A_231 = arith.constant 1 : i32
        %dma_start3A_232 = arith.constant 0 : i32
        %dma_start3A_233 = arith.constant 0 : i32
        %dma_start3A_234 = tpu.memref_slice %arg8[%dma_start3A_231, %dma_start3A_232, %dma_start3A_233] : memref<5x80x128xbf16, #tpu.memory_space<vmem>> -> memref<1x80x128xbf16, #tpu.memory_space<vmem>>
        %dma_start3A_235 = tpu.memref_squeeze %dma_start3A_234 : memref<1x80x128xbf16, #tpu.memory_space<vmem>> -> memref<80x128xbf16, #tpu.memory_space<vmem>>
        %dma_start3A_236 = tpu.memref_slice %arg6[%mul3A_230] : memref<10000xi32, #tpu.memory_space<vmem>> -> memref<80xi32, #tpu.memory_space<vmem>>
        %dma_start3A_237 = arith.constant 0 : i32
        %dma_start3A_238 = arith.constant 0 : i32
        %dma_start3A_239 = tpu.memref_slice %arg2[%dma_start3A_237, %dma_start3A_238] : memref<10000x128xbf16, #tpu.memory_space<hbm>> -> memref<10000x128xbf16, #tpu.memory_space<hbm>>
        tpu.enqueue_indirect_dma source(%dma_start3A_239 : memref<10000x128xbf16, #tpu.memory_space<hbm>>) target(%dma_start3A_235 : memref<80x128xbf16, #tpu.memory_space<vmem>>) offsets(%dma_start3A_236 : memref<80xi32, #tpu.memory_space<vmem>>) semaphore(%arg10 : memref<!tpu.dma_semaphore, #tpu.memory_space<semaphore_mem>>)
      } else {
      }
      %mul3A_172 = arith.constant 80 : i32
      %mul3A_173 = arith.muli %add3A_151, %mul3A_172 : i32
      %run_scoped3A_174 = arith.constant 2 : i32
      "tpu.region"() ({
        %run_scoped3A_225 = tpu.sem_alloc : memref<!tpu.dma_semaphore, #tpu.memory_space<semaphore_mem>>
        %dma_start3A_226 = arith.constant 0 : i32
        %dma_start3A_227 = arith.constant 0 : i32
        %dma_start3A_228 = tpu.memref_slice %arg8[%run_scoped3A_174, %dma_start3A_226, %dma_start3A_227] : memref<5x80x128xbf16, #tpu.memory_space<vmem>> -> memref<1x80x128xbf16, #tpu.memory_space<vmem>>
        %dma_start3A_229 = tpu.memref_squeeze %dma_start3A_228 : memref<1x80x128xbf16, #tpu.memory_space<vmem>> -> memref<80x128xbf16, #tpu.memory_space<vmem>>
        %dma_start3A_230 = tpu.memref_slice %arg7[%mul3A_173] : memref<10000xi32, #tpu.memory_space<vmem>> -> memref<80xi32, #tpu.memory_space<vmem>>
        %dma_start3A_231 = arith.constant 0 : i32
        %dma_start3A_232 = arith.constant 0 : i32
        %dma_start3A_233 = tpu.memref_slice %arg5[%dma_start3A_231, %dma_start3A_232] : memref<10240x128xbf16, #tpu.memory_space<vmem_shared>> -> memref<10240x128xbf16, #tpu.memory_space<vmem_shared>>
        tpu.enqueue_indirect_dma source(%dma_start3A_229 : memref<80x128xbf16, #tpu.memory_space<vmem>>) target(%dma_start3A_233 : memref<10240x128xbf16, #tpu.memory_space<vmem_shared>>) offsets(%dma_start3A_230 : memref<80xi32, #tpu.memory_space<vmem>>) semaphore(%run_scoped3A_225 : memref<!tpu.dma_semaphore, #tpu.memory_space<semaphore_mem>>) {add = true}
        %dma_wait3A_234 = arith.constant 0 : i32
        %dma_wait3A_235 = arith.constant 0 : i32
        %dma_wait3A_236 = tpu.memref_slice %arg8[%run_scoped3A_174, %dma_wait3A_234, %dma_wait3A_235] : memref<5x80x128xbf16, #tpu.memory_space<vmem>> -> memref<1x80x128xbf16, #tpu.memory_space<vmem>>
        %dma_wait3A_237 = tpu.memref_squeeze %dma_wait3A_236 : memref<1x80x128xbf16, #tpu.memory_space<vmem>> -> memref<80x128xbf16, #tpu.memory_space<vmem>>
        %dma_wait3A_238 = tpu.memref_slice %arg7[%mul3A_173] : memref<10000xi32, #tpu.memory_space<vmem>> -> memref<80xi32, #tpu.memory_space<vmem>>
        %dma_wait3A_239 = arith.constant 0 : i32
        %dma_wait3A_240 = arith.constant 0 : i32
        %dma_wait3A_241 = tpu.memref_slice %arg5[%dma_wait3A_239, %dma_wait3A_240] : memref<10240x128xbf16, #tpu.memory_space<vmem_shared>> -> memref<10240x128xbf16, #tpu.memory_space<vmem_shared>>
        tpu.wait_indirect_dma semaphore(%run_scoped3A_225 : memref<!tpu.dma_semaphore, #tpu.memory_space<semaphore_mem>>) src(%dma_wait3A_237 : memref<80x128xbf16, #tpu.memory_space<vmem>>) dst(%dma_wait3A_241 : memref<10240x128xbf16, #tpu.memory_space<vmem_shared>>)
        tpu.yield
      }) : () -> ()
      %add3A_175 = arith.constant 3 : i32
      %add3A_176 = arith.addi %mul3A_104, %add3A_175 : i32
      %mul3A_177 = arith.constant 80 : i32
      %mul3A_178 = arith.muli %add3A_176, %mul3A_177 : i32
      %dma_wait3A_179 = arith.constant 3 : i32
      %dma_wait3A_180 = arith.constant 0 : i32
      %dma_wait3A_181 = arith.constant 0 : i32
      %dma_wait3A_182 = tpu.memref_slice %arg8[%dma_wait3A_179, %dma_wait3A_180, %dma_wait3A_181] : memref<5x80x128xbf16, #tpu.memory_space<vmem>> -> memref<1x80x128xbf16, #tpu.memory_space<vmem>>
      %dma_wait3A_183 = tpu.memref_squeeze %dma_wait3A_182 : memref<1x80x128xbf16, #tpu.memory_space<vmem>> -> memref<80x128xbf16, #tpu.memory_space<vmem>>
      %dma_wait3A_184 = tpu.memref_slice %arg6[%mul3A_178] : memref<10000xi32, #tpu.memory_space<vmem>> -> memref<80xi32, #tpu.memory_space<vmem>>
      %dma_wait3A_185 = arith.constant 0 : i32
      %dma_wait3A_186 = arith.constant 0 : i32
      %dma_wait3A_187 = tpu.memref_slice %arg2[%dma_wait3A_185, %dma_wait3A_186] : memref<10000x128xbf16, #tpu.memory_space<hbm>> -> memref<10000x128xbf16, #tpu.memory_space<hbm>>
      tpu.wait_indirect_dma semaphore(%arg12 : memref<!tpu.dma_semaphore, #tpu.memory_space<semaphore_mem>>) src(%dma_wait3A_187 : memref<10000x128xbf16, #tpu.memory_space<hbm>>) dst(%dma_wait3A_183 : memref<80x128xbf16, #tpu.memory_space<vmem>>)
      %add3A_188 = arith.constant 5 : i32
      %add3A_189 = arith.addi %add3A_176, %add3A_188 : i32
      %sub3A_190 = arith.constant 1 : i32
      %sub3A_191 = arith.subi %add3A_189, %sub3A_190 : i32
      %lt3A_192 = arith.constant 125 : i32
      %lt3A_193 = arith.cmpi slt, %sub3A_191, %lt3A_192 : i32
      %convert_element_type3A_194 = arith.extui %lt3A_193 : i1 to i32
      %cond3A_195 = arith.constant 0 : i32
      %cond3A_196 = arith.cmpi ne, %convert_element_type3A_194, %cond3A_195 : i32
      scf.if %cond3A_196 {
        %add3A_225 = arith.constant 5 : i32
        %add3A_226 = arith.addi %add3A_176, %add3A_225 : i32
        %sub3A_227 = arith.constant 1 : i32
        %sub3A_228 = arith.subi %add3A_226, %sub3A_227 : i32
        %mul3A_229 = arith.constant 80 : i32
        %mul3A_230 = arith.muli %sub3A_228, %mul3A_229 : i32
        %dma_start3A_231 = arith.constant 2 : i32
        %dma_start3A_232 = arith.constant 0 : i32
        %dma_start3A_233 = arith.constant 0 : i32
        %dma_start3A_234 = tpu.memref_slice %arg8[%dma_start3A_231, %dma_start3A_232, %dma_start3A_233] : memref<5x80x128xbf16, #tpu.memory_space<vmem>> -> memref<1x80x128xbf16, #tpu.memory_space<vmem>>
        %dma_start3A_235 = tpu.memref_squeeze %dma_start3A_234 : memref<1x80x128xbf16, #tpu.memory_space<vmem>> -> memref<80x128xbf16, #tpu.memory_space<vmem>>
        %dma_start3A_236 = tpu.memref_slice %arg6[%mul3A_230] : memref<10000xi32, #tpu.memory_space<vmem>> -> memref<80xi32, #tpu.memory_space<vmem>>
        %dma_start3A_237 = arith.constant 0 : i32
        %dma_start3A_238 = arith.constant 0 : i32
        %dma_start3A_239 = tpu.memref_slice %arg2[%dma_start3A_237, %dma_start3A_238] : memref<10000x128xbf16, #tpu.memory_space<hbm>> -> memref<10000x128xbf16, #tpu.memory_space<hbm>>
        tpu.enqueue_indirect_dma source(%dma_start3A_239 : memref<10000x128xbf16, #tpu.memory_space<hbm>>) target(%dma_start3A_235 : memref<80x128xbf16, #tpu.memory_space<vmem>>) offsets(%dma_start3A_236 : memref<80xi32, #tpu.memory_space<vmem>>) semaphore(%arg11 : memref<!tpu.dma_semaphore, #tpu.memory_space<semaphore_mem>>)
      } else {
      }
      %mul3A_197 = arith.constant 80 : i32
      %mul3A_198 = arith.muli %add3A_176, %mul3A_197 : i32
      %run_scoped3A_199 = arith.constant 3 : i32
      "tpu.region"() ({
        %run_scoped3A_225 = tpu.sem_alloc : memref<!tpu.dma_semaphore, #tpu.memory_space<semaphore_mem>>
        %dma_start3A_226 = arith.constant 0 : i32
        %dma_start3A_227 = arith.constant 0 : i32
        %dma_start3A_228 = tpu.memref_slice %arg8[%run_scoped3A_199, %dma_start3A_226, %dma_start3A_227] : memref<5x80x128xbf16, #tpu.memory_space<vmem>> -> memref<1x80x128xbf16, #tpu.memory_space<vmem>>
        %dma_start3A_229 = tpu.memref_squeeze %dma_start3A_228 : memref<1x80x128xbf16, #tpu.memory_space<vmem>> -> memref<80x128xbf16, #tpu.memory_space<vmem>>
        %dma_start3A_230 = tpu.memref_slice %arg7[%mul3A_198] : memref<10000xi32, #tpu.memory_space<vmem>> -> memref<80xi32, #tpu.memory_space<vmem>>
        %dma_start3A_231 = arith.constant 0 : i32
        %dma_start3A_232 = arith.constant 0 : i32
        %dma_start3A_233 = tpu.memref_slice %arg5[%dma_start3A_231, %dma_start3A_232] : memref<10240x128xbf16, #tpu.memory_space<vmem_shared>> -> memref<10240x128xbf16, #tpu.memory_space<vmem_shared>>
        tpu.enqueue_indirect_dma source(%dma_start3A_229 : memref<80x128xbf16, #tpu.memory_space<vmem>>) target(%dma_start3A_233 : memref<10240x128xbf16, #tpu.memory_space<vmem_shared>>) offsets(%dma_start3A_230 : memref<80xi32, #tpu.memory_space<vmem>>) semaphore(%run_scoped3A_225 : memref<!tpu.dma_semaphore, #tpu.memory_space<semaphore_mem>>) {add = true}
        %dma_wait3A_234 = arith.constant 0 : i32
        %dma_wait3A_235 = arith.constant 0 : i32
        %dma_wait3A_236 = tpu.memref_slice %arg8[%run_scoped3A_199, %dma_wait3A_234, %dma_wait3A_235] : memref<5x80x128xbf16, #tpu.memory_space<vmem>> -> memref<1x80x128xbf16, #tpu.memory_space<vmem>>
        %dma_wait3A_237 = tpu.memref_squeeze %dma_wait3A_236 : memref<1x80x128xbf16, #tpu.memory_space<vmem>> -> memref<80x128xbf16, #tpu.memory_space<vmem>>
        %dma_wait3A_238 = tpu.memref_slice %arg7[%mul3A_198] : memref<10000xi32, #tpu.memory_space<vmem>> -> memref<80xi32, #tpu.memory_space<vmem>>
        %dma_wait3A_239 = arith.constant 0 : i32
        %dma_wait3A_240 = arith.constant 0 : i32
        %dma_wait3A_241 = tpu.memref_slice %arg5[%dma_wait3A_239, %dma_wait3A_240] : memref<10240x128xbf16, #tpu.memory_space<vmem_shared>> -> memref<10240x128xbf16, #tpu.memory_space<vmem_shared>>
        tpu.wait_indirect_dma semaphore(%run_scoped3A_225 : memref<!tpu.dma_semaphore, #tpu.memory_space<semaphore_mem>>) src(%dma_wait3A_237 : memref<80x128xbf16, #tpu.memory_space<vmem>>) dst(%dma_wait3A_241 : memref<10240x128xbf16, #tpu.memory_space<vmem_shared>>)
        tpu.yield
      }) : () -> ()
      %add3A_200 = arith.constant 4 : i32
      %add3A_201 = arith.addi %mul3A_104, %add3A_200 : i32
      %mul3A_202 = arith.constant 80 : i32
      %mul3A_203 = arith.muli %add3A_201, %mul3A_202 : i32
      %dma_wait3A_204 = arith.constant 4 : i32
      %dma_wait3A_205 = arith.constant 0 : i32
      %dma_wait3A_206 = arith.constant 0 : i32
      %dma_wait3A_207 = tpu.memref_slice %arg8[%dma_wait3A_204, %dma_wait3A_205, %dma_wait3A_206] : memref<5x80x128xbf16, #tpu.memory_space<vmem>> -> memref<1x80x128xbf16, #tpu.memory_space<vmem>>
      %dma_wait3A_208 = tpu.memref_squeeze %dma_wait3A_207 : memref<1x80x128xbf16, #tpu.memory_space<vmem>> -> memref<80x128xbf16, #tpu.memory_space<vmem>>
      %dma_wait3A_209 = tpu.memref_slice %arg6[%mul3A_203] : memref<10000xi32, #tpu.memory_space<vmem>> -> memref<80xi32, #tpu.memory_space<vmem>>
      %dma_wait3A_210 = arith.constant 0 : i32
      %dma_wait3A_211 = arith.constant 0 : i32
      %dma_wait3A_212 = tpu.memref_slice %arg2[%dma_wait3A_210, %dma_wait3A_211] : memref<10000x128xbf16, #tpu.memory_space<hbm>> -> memref<10000x128xbf16, #tpu.memory_space<hbm>>
      tpu.wait_indirect_dma semaphore(%arg13 : memref<!tpu.dma_semaphore, #tpu.memory_space<semaphore_mem>>) src(%dma_wait3A_212 : memref<10000x128xbf16, #tpu.memory_space<hbm>>) dst(%dma_wait3A_208 : memref<80x128xbf16, #tpu.memory_space<vmem>>)
      %add3A_213 = arith.constant 5 : i32
      %add3A_214 = arith.addi %add3A_201, %add3A_213 : i32
      %sub3A_215 = arith.constant 1 : i32
      %sub3A_216 = arith.subi %add3A_214, %sub3A_215 : i32
      %lt3A_217 = arith.constant 125 : i32
      %lt3A_218 = arith.cmpi slt, %sub3A_216, %lt3A_217 : i32
      %convert_element_type3A_219 = arith.extui %lt3A_218 : i1 to i32
      %cond3A_220 = arith.constant 0 : i32
      %cond3A_221 = arith.cmpi ne, %convert_element_type3A_219, %cond3A_220 : i32
      scf.if %cond3A_221 {
        %add3A_225 = arith.constant 5 : i32
        %add3A_226 = arith.addi %add3A_201, %add3A_225 : i32
        %sub3A_227 = arith.constant 1 : i32
        %sub3A_228 = arith.subi %add3A_226, %sub3A_227 : i32
        %mul3A_229 = arith.constant 80 : i32
        %mul3A_230 = arith.muli %sub3A_228, %mul3A_229 : i32
        %dma_start3A_231 = arith.constant 3 : i32
        %dma_start3A_232 = arith.constant 0 : i32
        %dma_start3A_233 = arith.constant 0 : i32
        %dma_start3A_234 = tpu.memref_slice %arg8[%dma_start3A_231, %dma_start3A_232, %dma_start3A_233] : memref<5x80x128xbf16, #tpu.memory_space<vmem>> -> memref<1x80x128xbf16, #tpu.memory_space<vmem>>
        %dma_start3A_235 = tpu.memref_squeeze %dma_start3A_234 : memref<1x80x128xbf16, #tpu.memory_space<vmem>> -> memref<80x128xbf16, #tpu.memory_space<vmem>>
        %dma_start3A_236 = tpu.memref_slice %arg6[%mul3A_230] : memref<10000xi32, #tpu.memory_space<vmem>> -> memref<80xi32, #tpu.memory_space<vmem>>
        %dma_start3A_237 = arith.constant 0 : i32
        %dma_start3A_238 = arith.constant 0 : i32
        %dma_start3A_239 = tpu.memref_slice %arg2[%dma_start3A_237, %dma_start3A_238] : memref<10000x128xbf16, #tpu.memory_space<hbm>> -> memref<10000x128xbf16, #tpu.memory_space<hbm>>
        tpu.enqueue_indirect_dma source(%dma_start3A_239 : memref<10000x128xbf16, #tpu.memory_space<hbm>>) target(%dma_start3A_235 : memref<80x128xbf16, #tpu.memory_space<vmem>>) offsets(%dma_start3A_236 : memref<80xi32, #tpu.memory_space<vmem>>) semaphore(%arg12 : memref<!tpu.dma_semaphore, #tpu.memory_space<semaphore_mem>>)
      } else {
      }
      %mul3A_222 = arith.constant 80 : i32
      %mul3A_223 = arith.muli %add3A_201, %mul3A_222 : i32
      %run_scoped3A_224 = arith.constant 4 : i32
      "tpu.region"() ({
        %run_scoped3A_225 = tpu.sem_alloc : memref<!tpu.dma_semaphore, #tpu.memory_space<semaphore_mem>>
        %dma_start3A_226 = arith.constant 0 : i32
        %dma_start3A_227 = arith.constant 0 : i32
        %dma_start3A_228 = tpu.memref_slice %arg8[%run_scoped3A_224, %dma_start3A_226, %dma_start3A_227] : memref<5x80x128xbf16, #tpu.memory_space<vmem>> -> memref<1x80x128xbf16, #tpu.memory_space<vmem>>
        %dma_start3A_229 = tpu.memref_squeeze %dma_start3A_228 : memref<1x80x128xbf16, #tpu.memory_space<vmem>> -> memref<80x128xbf16, #tpu.memory_space<vmem>>
        %dma_start3A_230 = tpu.memref_slice %arg7[%mul3A_223] : memref<10000xi32, #tpu.memory_space<vmem>> -> memref<80xi32, #tpu.memory_space<vmem>>
        %dma_start3A_231 = arith.constant 0 : i32
        %dma_start3A_232 = arith.constant 0 : i32
        %dma_start3A_233 = tpu.memref_slice %arg5[%dma_start3A_231, %dma_start3A_232] : memref<10240x128xbf16, #tpu.memory_space<vmem_shared>> -> memref<10240x128xbf16, #tpu.memory_space<vmem_shared>>
        tpu.enqueue_indirect_dma source(%dma_start3A_229 : memref<80x128xbf16, #tpu.memory_space<vmem>>) target(%dma_start3A_233 : memref<10240x128xbf16, #tpu.memory_space<vmem_shared>>) offsets(%dma_start3A_230 : memref<80xi32, #tpu.memory_space<vmem>>) semaphore(%run_scoped3A_225 : memref<!tpu.dma_semaphore, #tpu.memory_space<semaphore_mem>>) {add = true}
        %dma_wait3A_234 = arith.constant 0 : i32
        %dma_wait3A_235 = arith.constant 0 : i32
        %dma_wait3A_236 = tpu.memref_slice %arg8[%run_scoped3A_224, %dma_wait3A_234, %dma_wait3A_235] : memref<5x80x128xbf16, #tpu.memory_space<vmem>> -> memref<1x80x128xbf16, #tpu.memory_space<vmem>>
        %dma_wait3A_237 = tpu.memref_squeeze %dma_wait3A_236 : memref<1x80x128xbf16, #tpu.memory_space<vmem>> -> memref<80x128xbf16, #tpu.memory_space<vmem>>
        %dma_wait3A_238 = tpu.memref_slice %arg7[%mul3A_223] : memref<10000xi32, #tpu.memory_space<vmem>> -> memref<80xi32, #tpu.memory_space<vmem>>
        %dma_wait3A_239 = arith.constant 0 : i32
        %dma_wait3A_240 = arith.constant 0 : i32
        %dma_wait3A_241 = tpu.memref_slice %arg5[%dma_wait3A_239, %dma_wait3A_240] : memref<10240x128xbf16, #tpu.memory_space<vmem_shared>> -> memref<10240x128xbf16, #tpu.memory_space<vmem_shared>>
        tpu.wait_indirect_dma semaphore(%run_scoped3A_225 : memref<!tpu.dma_semaphore, #tpu.memory_space<semaphore_mem>>) src(%dma_wait3A_237 : memref<80x128xbf16, #tpu.memory_space<vmem>>) dst(%dma_wait3A_241 : memref<10240x128xbf16, #tpu.memory_space<vmem_shared>>)
        tpu.yield
      }) : () -> ()
    }
    %scan3A_96 = arith.constant 25 : i32
    %barrier3A_97 = arith.constant 0 : index
    tpu.barrier barrier_id(%barrier3A_97)
    %mul3A_98 = arith.constant 640 : i32
    %mul3A_99 = arith.muli %arg1, %mul3A_98 : i32
    %mul3A_100 = arith.constant 640 : i32
    %mul3A_101 = arith.muli %arg1, %mul3A_100 : i32
    "tpu.region"() ({
      %run_scoped3A_102 = tpu.sem_alloc : memref<!tpu.dma_semaphore, #tpu.memory_space<semaphore_mem>>
      %dma_start3A_103 = arith.constant 0 : i32
      %dma_start3A_104 = arith.constant 0 : i32
      %dma_start3A_105 = tpu.memref_slice %arg4[%arg0, %dma_start3A_103, %dma_start3A_104] : memref<2x10240x128xbf16, #tpu.memory_space<hbm>> -> memref<1x10240x128xbf16, #tpu.memory_space<hbm>>
      %dma_start3A_106 = tpu.memref_squeeze %dma_start3A_105 : memref<1x10240x128xbf16, #tpu.memory_space<hbm>> -> memref<10240x128xbf16, #tpu.memory_space<hbm>>
      %dma_start3A_107 = arith.constant 0 : i32
      %dma_start3A_108 = tpu.memref_slice %dma_start3A_106[%mul3A_101, %dma_start3A_107] : memref<10240x128xbf16, #tpu.memory_space<hbm>> -> memref<640x128xbf16, #tpu.memory_space<hbm>>
      %dma_start3A_109 = arith.constant 0 : i32
      %dma_start3A_110 = tpu.memref_slice %arg5[%mul3A_99, %dma_start3A_109] : memref<10240x128xbf16, #tpu.memory_space<vmem_shared>> -> memref<640x128xbf16, #tpu.memory_space<vmem_shared>>
      tpu.enqueue_dma source(%dma_start3A_110 : memref<640x128xbf16, #tpu.memory_space<vmem_shared>>) target(%dma_start3A_108 : memref<640x128xbf16, #tpu.memory_space<hbm>>) target_semaphore(%run_scoped3A_102 : memref<!tpu.dma_semaphore, #tpu.memory_space<semaphore_mem>>)
      %dma_wait3A = arith.constant 0 : i32
      %dma_wait3A_111 = arith.constant 0 : i32
      %dma_wait3A_112 = tpu.memref_slice %arg4[%arg0, %dma_wait3A, %dma_wait3A_111] : memref<2x10240x128xbf16, #tpu.memory_space<hbm>> -> memref<1x10240x128xbf16, #tpu.memory_space<hbm>>
      %dma_wait3A_113 = tpu.memref_squeeze %dma_wait3A_112 : memref<1x10240x128xbf16, #tpu.memory_space<hbm>> -> memref<10240x128xbf16, #tpu.memory_space<hbm>>
      %dma_wait3A_114 = arith.constant 0 : i32
      %dma_wait3A_115 = tpu.memref_slice %dma_wait3A_113[%mul3A_101, %dma_wait3A_114] : memref<10240x128xbf16, #tpu.memory_space<hbm>> -> memref<640x128xbf16, #tpu.memory_space<hbm>>
      %dma_wait3A_116 = arith.constant 0 : i32
      %dma_wait3A_117 = tpu.memref_slice %arg5[%mul3A_99, %dma_wait3A_116] : memref<10240x128xbf16, #tpu.memory_space<vmem_shared>> -> memref<640x128xbf16, #tpu.memory_space<vmem_shared>>
      tpu.wait_dma2 semaphore(%run_scoped3A_102 : memref<!tpu.dma_semaphore, #tpu.memory_space<semaphore_mem>>) src(%dma_wait3A_117 : memref<640x128xbf16, #tpu.memory_space<vmem_shared>>) dst(%dma_wait3A_115 : memref<640x128xbf16, #tpu.memory_space<hbm>>)
      tpu.yield
    }) : () -> ()
    return
  }
}

module attributes {stable_mosaic.version = 14 : i64} {
  func.func @_tc1_body(%arg0: memref<2x10240xf32, #tpu.memory_space<vmem>>, %arg1: memref<10000x128xf32, #tpu.memory_space<vmem>>, %arg2: memref<128x128xf32, #tpu.memory_space<vmem>>, %arg3: memref<10000x1xf32, #tpu.memory_space<vmem>>, %arg4: memref<10000x128xbf16, #tpu.memory_space<vmem>>) attributes {dimension_semantics = [], scalar_prefetch = 0 : i64, scratch_operands = 0 : i64, tpu.core_type = #tpu.core_type<tc>} {
    %get3A = arith.constant 0 : index
    %get3A_0 = arith.constant 0 : index
    %get3A_1 = vector.load %arg0[%get3A, %get3A_0] : memref<2x10240xf32, #tpu.memory_space<vmem>>, vector<1x10000xf32>
    %get3A_2 = arith.constant 1 : index
    %get3A_3 = arith.constant 0 : index
    %get3A_4 = vector.load %arg0[%get3A_2, %get3A_3] : memref<2x10240xf32, #tpu.memory_space<vmem>>, vector<1x10000xf32>
    %add3A = arith.addf %get3A_1, %get3A_4 : vector<1x10000xf32>
    %add3A_5 = arith.constant 1.000000e+00 : f32
    %add3A_6 = vector.broadcast %add3A_5 : f32 to vector<1x10000xf32>
    %add3A_7 = arith.addf %add3A, %add3A_6 : vector<1x10000xf32>
    %rsqrt3A = math.rsqrt %add3A_7 : vector<1x10000xf32>
    %transpose3A = tpu.transpose %rsqrt3A, [1, 0] : vector<1x10000xf32> -> vector<10000x1xf32>
    %swap3A = arith.constant 0 : index
    %swap3A_8 = arith.constant 0 : index
    %swap3A_9 = vector.load %arg3[%swap3A, %swap3A_8] : memref<10000x1xf32, #tpu.memory_space<vmem>>, vector<10000x1xf32>
    tpu.vector_store %arg3[%swap3A, %swap3A_8], %transpose3A {strides = array<i32>} : memref<10000x1xf32, #tpu.memory_space<vmem>>, vector<10000x1xf32>,
    %get3A_10 = arith.constant 0 : index
    %get3A_11 = arith.constant 0 : index
    %get3A_12 = vector.load %arg1[%get3A_10, %get3A_11] : memref<10000x128xf32, #tpu.memory_space<vmem>>, vector<10000x128xf32>
    %get3A_13 = arith.constant 0 : index
    %get3A_14 = arith.constant 0 : index
    %get3A_15 = vector.load %arg2[%get3A_13, %get3A_14] : memref<128x128xf32, #tpu.memory_space<vmem>>, vector<128x128xf32>
    %dot_general3A = arith.constant dense<0.000000e+00> : vector<10000x128xf32>
    %dot_general3A_16 = tpu.matmul %get3A_12, %get3A_15, %dot_general3A {dimension_numbers = #tpu.dot_dimension_numbers<[1], [0], [0], [1], [0, 0, 1, 1], [], []>, transpose_lhs_hint = false} : vector<10000x128xf32>, vector<128x128xf32>, vector<10000x128xf32> -> vector<10000x128xf32>
    %mul3A = vector.broadcast %transpose3A : vector<10000x1xf32> to vector<10000x128xf32>
    %mul3A_17 = arith.mulf %dot_general3A_16, %mul3A : vector<10000x128xf32>
    %convert_element_type3A = arith.truncf %mul3A_17 : vector<10000x128xf32> to vector<10000x128xbf16>
    %swap3A_18 = arith.constant 0 : index
    %swap3A_19 = arith.constant 0 : index
    %swap3A_20 = vector.load %arg4[%swap3A_18, %swap3A_19] : memref<10000x128xbf16, #tpu.memory_space<vmem>>, vector<10000x128xbf16>
    tpu.vector_store %arg4[%swap3A_18, %swap3A_19], %convert_element_type3A {strides = array<i32>} : memref<10000x128xbf16, #tpu.memory_space<vmem>>, vector<10000x128xbf16>,
    return
  }
}

module attributes {stable_mosaic.version = 14 : i64} {
  func.func @_tc2_body(%arg0: memref<2x10240x128xbf16, #tpu.memory_space<vmem>>, %arg1: memref<10000x128xbf16, #tpu.memory_space<vmem>>, %arg2: memref<10000x1xf32, #tpu.memory_space<vmem>>, %arg3: memref<128xf32, #tpu.memory_space<vmem>>, %arg4: memref<128x128xf32, #tpu.memory_space<vmem>>, %arg5: memref<10000x128xbf16, #tpu.memory_space<vmem>>, %arg6: memref<10000x128xbf16, #tpu.memory_space<vmem>>) attributes {dimension_semantics = [], scalar_prefetch = 0 : i64, scratch_operands = 0 : i64, tpu.core_type = #tpu.core_type<tc>} {
    %get3A = arith.constant 0 : index
    %get3A_0 = arith.constant 0 : index
    %get3A_1 = vector.load %arg2[%get3A, %get3A_0] : memref<10000x1xf32, #tpu.memory_space<vmem>>, vector<10000x1xf32>
    %get3A_2 = arith.constant 0 : index
    %get3A_3 = arith.constant 0 : index
    %get3A_4 = arith.constant 0 : index
    %get3A_5 = vector.load %arg0[%get3A_2, %get3A_3, %get3A_4] : memref<2x10240x128xbf16, #tpu.memory_space<vmem>>, vector<1x10000x128xbf16>
    %get3A_6 = vector.shape_cast %get3A_5 : vector<1x10000x128xbf16> to vector<10000x128xbf16>
    %convert_element_type3A = arith.extf %get3A_6 : vector<10000x128xbf16> to vector<10000x128xf32>
    %get3A_7 = arith.constant 1 : index
    %get3A_8 = arith.constant 0 : index
    %get3A_9 = arith.constant 0 : index
    %get3A_10 = vector.load %arg0[%get3A_7, %get3A_8, %get3A_9] : memref<2x10240x128xbf16, #tpu.memory_space<vmem>>, vector<1x10000x128xbf16>
    %get3A_11 = vector.shape_cast %get3A_10 : vector<1x10000x128xbf16> to vector<10000x128xbf16>
    %convert_element_type3A_12 = arith.extf %get3A_11 : vector<10000x128xbf16> to vector<10000x128xf32>
    %add3A = arith.addf %convert_element_type3A, %convert_element_type3A_12 : vector<10000x128xf32>
    %get3A_13 = arith.constant 0 : index
    %get3A_14 = arith.constant 0 : index
    %get3A_15 = vector.load %arg1[%get3A_13, %get3A_14] : memref<10000x128xbf16, #tpu.memory_space<vmem>>, vector<10000x128xbf16>
    %convert_element_type3A_16 = arith.extf %get3A_15 : vector<10000x128xbf16> to vector<10000x128xf32>
    %add3A_17 = arith.addf %add3A, %convert_element_type3A_16 : vector<10000x128xf32>
    %mul3A = vector.broadcast %get3A_1 : vector<10000x1xf32> to vector<10000x128xf32>
    %mul3A_18 = arith.mulf %add3A_17, %mul3A : vector<10000x128xf32>
    %get3A_19 = arith.constant 0 : index
    %get3A_20 = vector.load %arg3[%get3A_19] : memref<128xf32, #tpu.memory_space<vmem>>, vector<128xf32>
    %broadcast_in_dim3A = vector.shape_cast %get3A_20 : vector<128xf32> to vector<1x128xf32>
    %add3A_21 = vector.broadcast %broadcast_in_dim3A : vector<1x128xf32> to vector<10000x128xf32>
    %add3A_22 = arith.addf %mul3A_18, %add3A_21 : vector<10000x128xf32>
    %tanh3A = math.tanh %add3A_22 : vector<10000x128xf32>
    %convert_element_type3A_23 = arith.truncf %tanh3A : vector<10000x128xf32> to vector<10000x128xbf16>
    %swap3A = arith.constant 0 : index
    %swap3A_24 = arith.constant 0 : index
    %swap3A_25 = vector.load %arg5[%swap3A, %swap3A_24] : memref<10000x128xbf16, #tpu.memory_space<vmem>>, vector<10000x128xbf16>
    tpu.vector_store %arg5[%swap3A, %swap3A_24], %convert_element_type3A_23 {strides = array<i32>} : memref<10000x128xbf16, #tpu.memory_space<vmem>>, vector<10000x128xbf16>,
    %get3A_26 = arith.constant 0 : index
    %get3A_27 = arith.constant 0 : index
    %get3A_28 = vector.load %arg4[%get3A_26, %get3A_27] : memref<128x128xf32, #tpu.memory_space<vmem>>, vector<128x128xf32>
    %dot_general3A = arith.constant dense<0.000000e+00> : vector<10000x128xf32>
    %dot_general3A_29 = tpu.matmul %tanh3A, %get3A_28, %dot_general3A {dimension_numbers = #tpu.dot_dimension_numbers<[1], [0], [0], [1], [0, 0, 1, 1], [], []>, transpose_lhs_hint = false} : vector<10000x128xf32>, vector<128x128xf32>, vector<10000x128xf32> -> vector<10000x128xf32>
    %mul3A_30 = vector.broadcast %get3A_1 : vector<10000x1xf32> to vector<10000x128xf32>
    %mul3A_31 = arith.mulf %dot_general3A_29, %mul3A_30 : vector<10000x128xf32>
    %convert_element_type3A_32 = arith.truncf %mul3A_31 : vector<10000x128xf32> to vector<10000x128xbf16>
    %swap3A_33 = arith.constant 0 : index
    %swap3A_34 = arith.constant 0 : index
    %swap3A_35 = vector.load %arg6[%swap3A_33, %swap3A_34] : memref<10000x128xbf16, #tpu.memory_space<vmem>>, vector<10000x128xbf16>
    tpu.vector_store %arg6[%swap3A_33, %swap3A_34], %convert_element_type3A_32 {strides = array<i32>} : memref<10000x128xbf16, #tpu.memory_space<vmem>>, vector<10000x128xbf16>,
    return
  }
}

module attributes {stable_mosaic.version = 14 : i64} {
  func.func @_tc34_body(%arg0: memref<2x10240x128xbf16, #tpu.memory_space<vmem>>, %arg1: memref<10000x128xbf16, #tpu.memory_space<vmem>>, %arg2: memref<10000x1xf32, #tpu.memory_space<vmem>>, %arg3: memref<128xf32, #tpu.memory_space<vmem>>, %arg4: memref<1x10000xi32, #tpu.memory_space<vmem>>, %arg5: memref<10000x128xf32, #tpu.memory_space<vmem>>, %arg6: memref<10000x128xbf16, #tpu.memory_space<vmem>>, %arg7: memref<384x384xf32, #tpu.memory_space<vmem>>, %arg8: memref<384xf32, #tpu.memory_space<vmem>>, %arg9: memref<512x384xf32, #tpu.memory_space<vmem>>) attributes {dimension_semantics = [], scalar_prefetch = 0 : i64, scratch_operands = 0 : i64, tpu.core_type = #tpu.core_type<tc>} {
    %get3A = arith.constant 0 : index
    %get3A_0 = arith.constant 0 : index
    %get3A_1 = arith.constant 0 : index
    %get3A_2 = vector.load %arg0[%get3A, %get3A_0, %get3A_1] : memref<2x10240x128xbf16, #tpu.memory_space<vmem>>, vector<1x10000x128xbf16>
    %get3A_3 = vector.shape_cast %get3A_2 : vector<1x10000x128xbf16> to vector<10000x128xbf16>
    %convert_element_type3A = arith.extf %get3A_3 : vector<10000x128xbf16> to vector<10000x128xf32>
    %get3A_4 = arith.constant 1 : index
    %get3A_5 = arith.constant 0 : index
    %get3A_6 = arith.constant 0 : index
    %get3A_7 = vector.load %arg0[%get3A_4, %get3A_5, %get3A_6] : memref<2x10240x128xbf16, #tpu.memory_space<vmem>>, vector<1x10000x128xbf16>
    %get3A_8 = vector.shape_cast %get3A_7 : vector<1x10000x128xbf16> to vector<10000x128xbf16>
    %convert_element_type3A_9 = arith.extf %get3A_8 : vector<10000x128xbf16> to vector<10000x128xf32>
    %add3A = arith.addf %convert_element_type3A, %convert_element_type3A_9 : vector<10000x128xf32>
    %get3A_10 = arith.constant 0 : index
    %get3A_11 = arith.constant 0 : index
    %get3A_12 = vector.load %arg1[%get3A_10, %get3A_11] : memref<10000x128xbf16, #tpu.memory_space<vmem>>, vector<10000x128xbf16>
    %convert_element_type3A_13 = arith.extf %get3A_12 : vector<10000x128xbf16> to vector<10000x128xf32>
    %add3A_14 = arith.addf %add3A, %convert_element_type3A_13 : vector<10000x128xf32>
    %get3A_15 = arith.constant 0 : index
    %get3A_16 = arith.constant 0 : index
    %get3A_17 = vector.load %arg2[%get3A_15, %get3A_16] : memref<10000x1xf32, #tpu.memory_space<vmem>>, vector<10000x1xf32>
    %mul3A = vector.broadcast %get3A_17 : vector<10000x1xf32> to vector<10000x128xf32>
    %mul3A_18 = arith.mulf %add3A_14, %mul3A : vector<10000x128xf32>
    %get3A_19 = arith.constant 0 : index
    %get3A_20 = vector.load %arg3[%get3A_19] : memref<128xf32, #tpu.memory_space<vmem>>, vector<128xf32>
    %broadcast_in_dim3A = vector.shape_cast %get3A_20 : vector<128xf32> to vector<1x128xf32>
    %add3A_21 = vector.broadcast %broadcast_in_dim3A : vector<1x128xf32> to vector<10000x128xf32>
    %add3A_22 = arith.addf %mul3A_18, %add3A_21 : vector<10000x128xf32>
    %tanh3A = math.tanh %add3A_22 : vector<10000x128xf32>
    %iota3A = tpu.iota {dimensions = array<i32: 0>} : vector<512x10000xi32>
    %get3A_23 = arith.constant 0 : index
    %get3A_24 = arith.constant 0 : index
    %get3A_25 = vector.load %arg4[%get3A_23, %get3A_24] : memref<1x10000xi32, #tpu.memory_space<vmem>>, vector<1x10000xi32>
    %eq3A = vector.broadcast %get3A_25 : vector<1x10000xi32> to vector<512x10000xi32>
    %eq3A_26 = arith.cmpi eq, %eq3A, %iota3A : vector<512x10000xi32>
    %convert_element_type3A_27 = arith.extui %eq3A_26 : vector<512x10000xi1> to vector<512x10000xi32>
    %convert_element_type3A_28 = arith.sitofp %convert_element_type3A_27 : vector<512x10000xi32> to vector<512x10000xf32>
    %convert_element_type3A_29 = arith.truncf %convert_element_type3A_28 : vector<512x10000xf32> to vector<512x10000xbf16>
    %get3A_30 = arith.constant 0 : index
    %get3A_31 = arith.constant 0 : index
    %get3A_32 = vector.load %arg5[%get3A_30, %get3A_31] : memref<10000x128xf32, #tpu.memory_space<vmem>>, vector<10000x128xf32>
    %convert_element_type3A_33 = arith.truncf %get3A_32 : vector<10000x128xf32> to vector<10000x128xbf16>
    %dot_general3A = arith.constant dense<0.000000e+00> : vector<512x128xf32>
    %dot_general3A_34 = tpu.matmul %convert_element_type3A_29, %convert_element_type3A_33, %dot_general3A {dimension_numbers = #tpu.dot_dimension_numbers<[1], [0], [0], [1], [0, 0, 1, 1], [], []>, transpose_lhs_hint = false} : vector<512x10000xbf16>, vector<10000x128xbf16>, vector<512x128xf32> -> vector<512x128xf32>
    %get3A_35 = arith.constant 0 : index
    %get3A_36 = arith.constant 0 : index
    %get3A_37 = vector.load %arg6[%get3A_35, %get3A_36] : memref<10000x128xbf16, #tpu.memory_space<vmem>>, vector<10000x128xbf16>
    %dot_general3A_38 = arith.constant dense<0.000000e+00> : vector<512x128xf32>
    %dot_general3A_39 = tpu.matmul %convert_element_type3A_29, %get3A_37, %dot_general3A_38 {dimension_numbers = #tpu.dot_dimension_numbers<[1], [0], [0], [1], [0, 0, 1, 1], [], []>, transpose_lhs_hint = false} : vector<512x10000xbf16>, vector<10000x128xbf16>, vector<512x128xf32> -> vector<512x128xf32>
    %convert_element_type3A_40 = arith.truncf %tanh3A : vector<10000x128xf32> to vector<10000x128xbf16>
    %dot_general3A_41 = arith.constant dense<0.000000e+00> : vector<512x128xf32>
    %dot_general3A_42 = tpu.matmul %convert_element_type3A_29, %convert_element_type3A_40, %dot_general3A_41 {dimension_numbers = #tpu.dot_dimension_numbers<[1], [0], [0], [1], [0, 0, 1, 1], [], []>, transpose_lhs_hint = false} : vector<512x10000xbf16>, vector<10000x128xbf16>, vector<512x128xf32> -> vector<512x128xf32>
    %concatenate3A = tpu.concatenate %dot_general3A_34, %dot_general3A_39, %dot_general3A_42 in 1 : vector<512x128xf32>, vector<512x128xf32>, vector<512x128xf32> -> vector<512x384xf32>
    %get3A_43 = arith.constant 0 : index
    %get3A_44 = arith.constant 0 : index
    %get3A_45 = vector.load %arg7[%get3A_43, %get3A_44] : memref<384x384xf32, #tpu.memory_space<vmem>>, vector<384x384xf32>
    %dot_general3A_46 = arith.constant dense<0.000000e+00> : vector<512x384xf32>
    %dot_general3A_47 = tpu.matmul %concatenate3A, %get3A_45, %dot_general3A_46 {dimension_numbers = #tpu.dot_dimension_numbers<[1], [0], [0], [1], [0, 0, 1, 1], [], []>, transpose_lhs_hint = false} : vector<512x384xf32>, vector<384x384xf32>, vector<512x384xf32> -> vector<512x384xf32>
    %get3A_48 = arith.constant 0 : index
    %get3A_49 = vector.load %arg8[%get3A_48] : memref<384xf32, #tpu.memory_space<vmem>>, vector<384xf32>
    %broadcast_in_dim3A_50 = vector.shape_cast %get3A_49 : vector<384xf32> to vector<1x384xf32>
    %add3A_51 = vector.broadcast %broadcast_in_dim3A_50 : vector<1x384xf32> to vector<512x384xf32>
    %add3A_52 = arith.addf %dot_general3A_47, %add3A_51 : vector<512x384xf32>
    %swap3A = arith.constant 0 : index
    %swap3A_53 = arith.constant 0 : index
    %swap3A_54 = vector.load %arg9[%swap3A, %swap3A_53] : memref<512x384xf32, #tpu.memory_space<vmem>>, vector<512x384xf32>
    tpu.vector_store %arg9[%swap3A, %swap3A_53], %add3A_52 {strides = array<i32>} : memref<512x384xf32, #tpu.memory_space<vmem>>, vector<512x384xf32>,
    return
  }
}

</mosaic_0001>

<sc_bundles>
// kernel: kernel.11.cloned.1.call-start
scs
__scs_entry_jumppad:
0x0: {  	(pc) =	sbr.rel $0x88, $3  }
0x1: {  	(tag) =	ssettag $0x0;
	lr =	simm.s32 $0x1  }
0x2: {  	[smem:$0x3F98] =	sst lr;
	_ =	strace $0xD0000000  }
0x3: {  	_ = 	snop  }
0x4: {  	_ = 	snop  }
0x5: {  	_ = 	snop  }
0x6: {  	_ = 	snop  }
0x7: {  	_ = 	snop  }
__scs_overlays_trampoline_lowered:
0x8: {  	[smem:$0x3FA7] =	sst s0  }
0x9: {  	[smem:$0x3FA8] =	sst s1  }
0xa: {  	[smem:$0x3FA9] =	sst s2  }
0xb: {  	[smem:$0x3FAA] =	sst s3  }
0xc: {  	[smem:$0x3FAB] =	sst s4  }
0xd: {  	[smem:$0x3FAC] =	sst s5  }
0xe: {  	[smem:$0x3FAD] =	sst s6  }
0xf: {  	[smem:$0x3FAE] =	sst s7  }
0x10: {  	[smem:$0x3FAF] =	sst s8  }
0x11: {  	[smem:$0x3FB0] =	sst s9;
	s0 =	simm.s32 @!p0 $0x0  }
0x12: {  	s1 =	sld [smem:$0x3F96];
	s0 =	simm.s32 @p0 $0x1  }
0x13: {  	[smem:$0x3FB1] =	sst s0;
	s0 =	simm.s32 @!p1 $0x0  }
0x14: {  	s2 =	sld [smem:$0x3F95];
	s0 =	simm.s32 @p1 $0x1  }
0x15: {  	[smem:$0x3FB2] =	sst s0;
	s0 =	simm.s32 @!p2 $0x0  }
0x16: {  	s3 =	sld [smem:$0x3FDB];
	s0 =	simm.s32 @p2 $0x1  }
0x17: {  	s4 =	simm.s32 $0x1BF5;
	[smem:$0x3FB4] =	sst s0  }
0x18: {  	s0 =	sld [smem:$0x3F97];
	_ =	swait.ge [sflag:s4], $0x0  }
0x19: {  	s7 =	sld [smem:$0x3F98]  }
0x1a: {  	s8 =	sadd.s32 $0xFFFFE003, lr  }
0x1b: {  	s9 =	sadd.s32 $0xFFFFFEF7, lr;
	s5 =	simm.s32 $0xFFFFFFFF;
	p2 =	slt.u32 s8, $0xFFFFF086  }
0x1c: {  	p1 =	slt.u32 s9, $0xF7A;
	s5 =	simm.s32 @!p2 $0x0  }
0x1d: {  	s5 =	simm.s32 @p1 $0x1;
	p0 =	seq.s32 s7, s2  }
0x1e: {  	s7 =	smul.u32 @!p0 $0xF7A, s2;
	p2 =	seq.s32 @!p0 s5, $0x0  }
0x1f: {  	s9 =	smul.u32 $0xF7A, s1;
	s8 =	simm.s32 @!p0 $0x1BF5;
	p2 =	por !p2, p0  }
0x20: {  	[sflag:s8] =	ssyncset.s32 @!p0 $0xFFFFF086;
	s6 =	sadd.s32 @!p0 s3, s7;
	s7 =	simm.s32 @!p0 $0x108  }
0x21: {  	s3 =	sadd.s32 s3, s9;
	s6 =	sadd.s32 @!p0 $0x88, s6;
	s7 =	simm.s32 @p2 $0x1082  }
0x22: {  	[simem:s7], [sflag:s8] =	dma.local @!p0 [hbm:s6], $0xF7A  }
0x23: {  	s9 =	sor.u32 $0xD0000000, s2;
	s6 =	simm.s32 $0x108;
	_ =	swait.ge @!p0 [sflag:s8], $0x0  }
0x24: {  	s3 =	sadd.s32 $0x88, s3;
	s6 =	simm.s32 @!p1 $0x1082;
	[sflag:s4] =	ssyncset.s32 $0xFFFFF086  }
0x25: {  	[simem:s6], [sflag:s4] =	dma.local [hbm:s3], $0xF7A  }
0x26: {  	[smem:$0x3F98] =	sst s1;
	(tag) =	ssettag s2;
	_ =	strace s9  }
0x27: {  	s1 =	sld [smem:$0x3FA8]  }
0x28: {  	s2 =	sld [smem:$0x3FA9]  }
0x29: {  	s4 =	sld [smem:$0x3FAB]  }
0x2a: {  	p0 =	seq.s32 s5, $0x0;
	s5 =	sld [smem:$0x3FAC]  }
0x2b: {  	s6 =	sld [smem:$0x3FAD]  }
0x2c: {  	s7 =	sld [smem:$0x3FAE]  }
0x2d: {  	s3 =	simm.s32 $0x108;
	s8 =	sld [smem:$0x3FAF]  }
0x2e: {  	s3 =	simm.s32 @!p0 $0x1082;
	s9 =	sld [smem:$0x3FB0]  }
0x2f: {  	lr =	sadd.s32 s0, s3;
	s0 =	sld [smem:$0x3FA7]  }
0x30: {  	s3 =	sld [smem:$0x3FAA]  }
0x31: {  	[smem:$0x3FB3] =	sst s10  }
0x32: {  	s10 =	sld [smem:$0x3FB1];
	_ =	sdelay $0x3  }
0x33: {  	p0 =	seq.s32 s10, $0x1;
	s10 =	sld [smem:$0x3FB3];
	_ =	sdelay $0x3  }
0x34: {  	[smem:$0x3FB3] =	sst s10  }
0x35: {  	s10 =	sld [smem:$0x3FB2];
	_ =	sdelay $0x3  }
0x36: {  	p1 =	seq.s32 s10, $0x1;
	s10 =	sld [smem:$0x3FB3];
	_ =	sdelay $0x3  }
0x37: {  	[smem:$0x3FB3] =	sst s10  }
0x38: {  	s10 =	sld [smem:$0x3FB4]  }
0x39: {  	_ = 	snop;
	(pc) =	sbr.ind lr, $3  }
0x3a: {  	_ = 	snop  }
0x3b: {  	_ = 	snop  }
0x3c: {  	p2 =	seq.s32 s10, $0x1;
	s10 =	sld [smem:$0x3FB3]  }
0x3d: {  	_ =	shalt  }
0x3e: {  	_ =	shalt  }
0x3f: {  	_ =	shalt  }
0x40: {  	_ =	shalt  }
0x41: {  	_ =	shalt  }
0x42: {  	_ =	shalt  }
0x43: {  	_ =	shalt  }
0x44: {  	_ =	shalt  }
0x45: {  	_ =	shalt  }
0x46: {  	_ =	shalt  }
0x47: {  	_ =	shalt  }
0x48: {  	_ =	shalt  }
0x49: {  	_ =	shalt  }
0x4a: {  	_ =	shalt  }
0x4b: {  	_ =	shalt  }
0x4c: {  	_ =	shalt  }
0x4d: {  	_ =	shalt  }
0x4e: {  	_ =	shalt  }
0x4f: {  	_ =	shalt  }
0x50: {  	_ =	shalt  }
0x51: {  	_ =	shalt  }
0x52: {  	_ =	shalt  }
0x53: {  	_ =	shalt  }
0x54: {  	_ =	shalt  }
0x55: {  	_ =	shalt  }
0x56: {  	_ =	shalt  }
0x57: {  	_ =	shalt  }
0x58: {  	_ =	shalt  }
0x59: {  	_ =	shalt  }
0x5a: {  	_ =	shalt  }
0x5b: {  	_ =	shalt  }
0x5c: {  	_ =	shalt  }
0x5d: {  	_ =	shalt  }
0x5e: {  	_ =	shalt  }
0x5f: {  	_ =	shalt  }
0x60: {  	_ =	shalt  }
0x61: {  	_ =	shalt  }
0x62: {  	_ =	shalt  }
0x63: {  	_ =	shalt  }
0x64: {  	_ =	shalt  }
0x65: {  	_ =	shalt  }
0x66: {  	_ =	shalt  }
0x67: {  	_ =	shalt  }
0x68: {  	_ =	shalt  }
0x69: {  	_ =	shalt  }
0x6a: {  	_ =	shalt  }
0x6b: {  	_ =	shalt  }
0x6c: {  	_ =	shalt  }
0x6d: {  	_ =	shalt  }
0x6e: {  	_ =	shalt  }
0x6f: {  	_ =	shalt  }
0x70: {  	_ =	shalt  }
0x71: {  	_ =	shalt  }
0x72: {  	_ =	shalt  }
0x73: {  	_ =	shalt  }
0x74: {  	_ =	shalt  }
0x75: {  	_ =	shalt  }
0x76: {  	_ =	shalt  }
0x77: {  	_ =	shalt  }
0x78: {  	_ =	shalt  }
0x79: {  	_ =	shalt  }
0x7a: {  	_ =	shalt  }
0x7b: {  	_ =	shalt  }
0x7c: {  	_ =	shalt  }
0x7d: {  	_ =	shalt  }
0x7e: {  	_ =	shalt  }
0x7f: {  	_ =	shalt  }
0x80: {  	_ =	shalt  }
0x81: {  	_ =	shalt  }
0x82: {  	_ =	shalt  }
0x83: {  	_ =	shalt  }
0x84: {  	_ =	shalt  }
0x85: {  	_ =	shalt  }
0x86: {  	_ =	shalt  }
0x87: {  	_ =	shalt  }
.Lfunc_end0:
.L_simem_size_0:
called_computation.1_lowered:
.L_overlay_start_0:
0x88: {  	s2 =	sld [smem:$0x3FD9]  }
0x89: {  	s3 =	sld [smem:$0x3FFE];
	_ =	sdelay $0x1  }
0x8a: {  	s1 =	srdreg.scid  }
0x8b: {  	s0 =	sand.u32 $0x1, s1  }
0x8c: {  	s16 =	sshll.u32 s0, $0xA;
	s2 =	sadd.s32 s3, s2  }
0x8d: {  	s2 =	sadd.s32 s2, s16  }
0x8e: {  	[smem:$0x3FBF] =	sst s2  }
0x8f: {  	_ = 	snop  }
0x90: {  	(tm) =	ssettm $0x1  }
0x91: {  	s17 =	sld [smem:$0x3FFB];
	_ =	sdelay $0x3  }
0x92: {  	_ =	strace s17  }
0x93: {  	s2 =	sld [smem:$0x3FFC];
	_ =	sdelay $0x3  }
0x94: {  	_ =	strace s2  }
0x95: {  	s2 =	sld [smem:$0x3FFD];
	_ =	sdelay $0x3  }
0x96: {  	_ =	strace s2  }
0x97: {  	_ =	strace $0x8FFFFFFF  }
0x98: {  	s18 =	sld [smem:$0x3FDB];
	_ =	sdelay $0x1  }
0x99: {  	s19 =	simm.s32 $_scs_section_size  }
0x9a: {  	s4 =	simm.s32 $_size__tile_overlayer_lowered;
	s5 =	simm.s32 $_tile_overlayer_lowered  }
0x9b: {  	s22 =	simm.s32 $0x1BFF;
	s21 =	sshll.u32 s5, $0x1;
	s2 =	sadd.s32 s19, s18  }
0x9c: {  	s6 =	simm.s32 $0x0;
	s20 =	sshll.u32 s4, $0x1;
	s4 =	sadd.s32 s21, s2  }
0x9d: {  	[timem:s6], [sflag:s22] =	dma.local [hbm:s4], s20  }
0x9e: {  	_ =	swait.ge [sflag:s22], s20  }
0x9f: {  	s3 =	ssub.s32 $0x0, s20;
	[sflag:s22] =	ssyncset.done $0x0  }
0xa0: {  	[sflag:s22] =	ssyncadd.s32 s3;
	_ =	sdelay $0x1  }
0xa1: {  	s23 =	simm.s32 $0x1B8B  }
0xa2: {  	_ =	swait.ge [sflag:s23], $0x1  }
0xa3: {  	[sflag:s23] =	ssyncset.done $0x0  }
0xa4: {  	s25 =	simm.s32 $0x1B8E;
	s24 =	sld [smem:$0x3FFE];
	[sflag:s23] =	ssyncadd.s32 $0xFFFFFFFF  }
0xa5: {  	s26 =	simm.s32 $execute0_lowered;
	[smem:$0x3FD2] =	sst s25  }
0xa6: {  	s4 =	sshll.u32 s26, $0x1;
	_ =	strace $0x80000049;
	[dreg:$0x1] =	wrdreg $0xFFFFFFFF  }
0xa7: {  	s28 =	simm.s32 $_size_execute0_lowered;
	s2 =	sadd.s32 s2, s4;
	[dreg:$0x0] =	wrdreg $0x0  }
0xa8: {  	s4 =	sshll.u32 s28, $0x1;
	[dreg:$0x2] =	wrdreg s2  }
0xa9: {  	[dreg:$0x3] =	wrdreg s4  }
0xaa: {  	[dreg:$0x4] =	wrdreg $0xC0  }
0xab: {  	_ =	task [dreg:s6], $0x5FFFF  }
0xac: {  	[dreg:$0x1] =	wrdreg $0xFFFFFFFF  }
0xad: {  	[dreg:$0x0] =	wrdreg $0x60  }
0xae: {  	[dreg:$0x2] =	wrdreg s24  }
0xaf: {  	[dreg:$0x3] =	wrdreg $0x0  }
0xb0: {  	[dreg:$0x4] =	wrdreg $0x9  }
0xb1: {  	_ =	task.clear_ibuf [dreg:s6], $0x5FFFF;
	_ =	strace $0x90000049  }
0xb2: {  	s29 =	simm.s32 $0x9;
	_ =	strace $0x8000004B  }
0xb3: {  	_ =	swait.ge [sflag:s29], $0x1  }
0xb4: {  	[sflag:s29] =	ssyncadd.s32 $0xFFFFFFFF  }
0xb5: {  	_ =	strace $0x9000004B  }
0xb6: {  	_ =	sfence  }
0xb7: {  	s30 =	sld [smem:$0x0];
	_ =	sdelay $0x2  }
0xb8: {  	s31 =	sshll.u32 s1, $0xD;
	s1 =	sshrl.u32 s1, $0x2  }
0xb9: {  	s3 =	sand.u32 $0x4000, s31;
	s1 =	sadd.s32 s1, s30  }
0xba: {  	s0 =	sor.u32 s3, s0;
	s1 =	sshll.u32 s1, $0x11  }
0xbb: {  	s0 =	sor.u32 s1, s0  }
0xbc: {  	s0 =	sadd.s32 $0x8F2B, s0  }
0xbd: {  	[sflag:s0] =	ssyncadd.remote.s32 $0x1  }
0xbe: {  	_ =	sfence.sel $0xFFFF  }
0xbf: {  	[dreg:$0x0] =	wrdreg $0xFFFFFFFF;
	(pc) =	sbr.abs _section_cstart, $3  }
0xc0: {  	[dreg:$0x1] =	wrdreg $0xFFFFFFFF  }
0xc1: {  	_ =	task.clear_ibuf [dreg:s6], $0x2FFFF;
	_ =	strace $0x9FFFFFFF  }
0xc2: {  	(tm) =	ssettm $0x7FFFFFFF  }
0xc3: {  	_ =	shalt  }
tec
execute0_lowered:
.L_overlay_start_1:
0x0: {  	(tag) =	ssettag $0x1  }
0x1: {  	s0 =	srdreg.scid;
	s1 =	rddreg [dreg:$0x0]  }
0x2: {  	s7 =	stileid.u32;
	s2 =	rddreg [dreg:$0x1];
	s23 =	simm.s32 $0x0  }
0x3: {  	s16 =	simm.s32 $0x6;
	s17 =	simm.s32 $0xA000;
	s20 =	simm.s32 $0x50  }
0x4: {  	s22 =	simm.s32 $0x10220;
	s28 =	simm.s32 $0x12A20;
	s29 =	simm.s32 $0x1  }
0x5: {  	s30 =	simm.s32 $0x13E20;
	s31 =	simm.s32 $0x2;
	s6 =	smul.u32 $0x28000, s7  }
0x6: {  	s0 =	sand.u32 $0x1, s0;
	s3 =	sshll.u32 s7, $0x1;
	s14 =	smul.u32 $0x14000, s7  }
0x7: {  	[smem:$0x7FF] =	sst s23;
	s4 =	sor.u32 s0, s3;
	s5 =	smul.u32 $0x14000, s0  }
0x8: {  	_ =	strace $0x8000004A;
	s0 =	ssub.s32 $0x2, s0;
	s18 =	smul.u32 $0x4E2, s4  }
0x9: {  	s4 =	sadd.s32 $0x16000, s1;
	s24 =	sshrl.u32 s0, $0x1;
	s6 =	sshrl.u32 s6, $0x2  }
0xa: {  	s25 =	sshrl.u32 s14, $0x1;
	s21 =	sshrl.u32 s14, $0x4;
	s15 =	sadd.s32 s5, s1  }
0xb: {  	s0 =	ssub.s32 s0, s24;
	s12 =	sadd.s32 s6, s2;
	s5 =	sadd.s32 s25, s2  }
0xc: {  	s25 =	simm.s32 $0x11620;
	s13 =	sadd.s32 s18, s1;
	s26 =	sadd.s32 $0x1400, s12  }
0xd: {  	s7 =	sadd.s32 $0x2800, s12;
	s8 =	sadd.s32 $0x3C00, s12;
	s9 =	sadd.s32 $0x5000, s12  }
0xe: {  	s10 =	sadd.s32 $0x6400, s12;
	s11 =	sadd.s32 $0x7800, s12;
	s12 =	sadd.s32 $0x8C00, s12  }
0xf: {  	s1 =	sadd.s32 $0xC240, s1;
	s19 =	sadd.s32 $0x29A00, s15;
	s14 =	smax.u32 s0, $0x1  }
0x10: {  	s15 =	simm.s32 $0xEE20;
	s0 =	simm.s32 $0x4;
	[dreg:$0x3] =	wrdreg s26  }
0x11: {  	s13 =	sadd.s32 $0x2600, s13;
	s18 =	sadd.s32 s18, s1;
	s24 =	sadd.s32 s21, s19  }
0x12: {  	v0 =	vimm.bf16 $0.0e+00;
	s1 =	simm.s32 $0x3;
	s19 =	simm.s32 $0x5;
	s21 =	simm.s32 $0x0  }
.LBB2_1:
0x13: {  	s3 =	simm.s32 $0x0  }
0x14: {  	s23 =	sand.u32 $0x7F00, s3;
	s26 =	sand.u32 $0x60, s3  }
0x15: {  	s23 =	sshrl.u32 s23, $0x2;
	s26 =	sshrl.u32 s26, $0x1  }
0x16: {  	s26 =	sor.u32 s26, s23  }
0x17: {  	s23 =	simm.s32 $0x40;
	[tilespmem:s26+$0xEE20] =	vst v0;
	s26 =	simm.s32 $0x0  }
.LBB2_2:
0x18: {  	p0 =	sne.s32 s23, $0x4FC0  }
.Ltmp0:
0x19: {  	s3 =	sand.u32 $0x7F00, s23;
	s26 =	sadd.s32 $0x20, s26;
	(pc) =	sbr.rel @p0 .LBB2_2-.Ltmp0, $4  }
0x1a: {  	s23 =	sadd.s32 $0x40, s23;
	s6 =	sand.u32 $0x60, s26  }
0x1b: {  	s3 =	sshrl.u32 s3, $0x2;
	s6 =	sshrl.u32 s6, $0x1  }
0x1c: {  	s3 =	sor.u32 s6, s3  }
0x1d: {  	[tilespmem:s3+$0xEE20] =	vst v0  }
0x1e: {  	[spmem:s5] =	stream.linear.scatter [tilespmem:s15], [sflag:$0x6], $0x1400, $0x38;
	[tilespmem:$0x15220] =	vst v63  }
0x1f: {  	_ =	swait.ge [sflag:s16], $0x1400  }
0x20: {  	[sflag:s16] =	ssyncset.done $0x0  }
0x21: {  	s3 =	rddreg [dreg:$0x3];
	[sflag:s16] =	ssyncadd.s32 $0xFFFFEC00  }
0x22: {  	[spmem:s3] =	stream.linear.scatter [tilespmem:s15], [sflag:$0x6], $0x1400, $0x38;
	[tilespmem:$0x15220] =	vst v63  }
0x23: {  	_ =	swait.ge [sflag:s16], $0x1400  }
0x24: {  	[sflag:s16] =	ssyncset.done $0x0  }
0x25: {  	[sflag:s16] =	ssyncadd.s32 $0xFFFFEC00  }
0x26: {  	[spmem:s7] =	stream.linear.scatter [tilespmem:s15], [sflag:$0x6], $0x1400, $0x38;
	[tilespmem:$0x15220] =	vst v63  }
0x27: {  	_ =	swait.ge [sflag:s16], $0x1400  }
0x28: {  	[sflag:s16] =	ssyncset.done $0x0  }
0x29: {  	[sflag:s16] =	ssyncadd.s32 $0xFFFFEC00  }
0x2a: {  	[spmem:s8] =	stream.linear.scatter [tilespmem:s15], [sflag:$0x6], $0x1400, $0x38;
	[tilespmem:$0x15220] =	vst v63  }
0x2b: {  	_ =	swait.ge [sflag:s16], $0x1400  }
0x2c: {  	[sflag:s16] =	ssyncset.done $0x0  }
0x2d: {  	[sflag:s16] =	ssyncadd.s32 $0xFFFFEC00  }
0x2e: {  	[spmem:s9] =	stream.linear.scatter [tilespmem:s15], [sflag:$0x6], $0x1400, $0x38;
	[tilespmem:$0x15220] =	vst v63  }
0x2f: {  	_ =	swait.ge [sflag:s16], $0x1400  }
0x30: {  	[sflag:s16] =	ssyncset.done $0x0  }
0x31: {  	[sflag:s16] =	ssyncadd.s32 $0xFFFFEC00  }
0x32: {  	[spmem:s10] =	stream.linear.scatter [tilespmem:s15], [sflag:$0x6], $0x1400, $0x38;
	[tilespmem:$0x15220] =	vst v63  }
0x33: {  	_ =	swait.ge [sflag:s16], $0x1400  }
0x34: {  	[sflag:s16] =	ssyncset.done $0x0  }
0x35: {  	[sflag:s16] =	ssyncadd.s32 $0xFFFFEC00  }
0x36: {  	[spmem:s11] =	stream.linear.scatter [tilespmem:s15], [sflag:$0x6], $0x1400, $0x38;
	[tilespmem:$0x15220] =	vst v63  }
0x37: {  	_ =	swait.ge [sflag:s16], $0x1400  }
0x38: {  	[sflag:s16] =	ssyncset.done $0x0  }
0x39: {  	[sflag:s16] =	ssyncadd.s32 $0xFFFFEC00  }
0x3a: {  	[spmem:s12] =	stream.linear.scatter [tilespmem:s15], [sflag:$0x6], $0x1400, $0x38;
	[tilespmem:$0x15220] =	vst v63  }
0x3b: {  	_ =	swait.ge [sflag:s16], $0x1400  }
0x3c: {  	[sflag:s16] =	ssyncset.done $0x0  }
0x3d: {  	[sflag:s16] =	ssyncadd.s32 $0xFFFFEC00  }
0x3e: {  	s23 =	simm.s32 $0x0;
	[bflag:$0x0] =	sbarrier.arrive $0xFFFF  }
0x3f: {  	[tilespmem:s17], [sflag:$0x6] =	stream.linear.gather [hbm4b:s13+s23], $0x2710, $0x38;
	[tilespmem:$0x15220] =	vst v63  }
0x40: {  	_ =	swait.ge [sflag:s16], $0x2710  }
0x41: {  	[sflag:s16] =	ssyncset.done $0x0  }
0x42: {  	s6 =	simm.s32 $0xC710;
	[sflag:s16] =	ssyncadd.s32 $0xFFFFD8F0  }
0x43: {  	[tilespmem:s6], [sflag:$0x6] =	stream.linear.gather [hbm4b:s18+s23], $0x2710, $0x38;
	[tilespmem:$0x15220] =	vst v63  }
0x44: {  	_ =	swait.ge [sflag:s16], $0x2710  }
0x45: {  	[sflag:s16] =	ssyncset.done $0x0  }
0x46: {  	[sflag:s16] =	ssyncadd.s32 $0xFFFFD8F0  }
0x47: {  	[tilespmem:s15], [sflag:$0x1] =	stream.indirect.gather [hbm4b:s4+s20], $0x40, s17, s20, $0xb8;
	[tilespmem:$0x15220] =	vst v63  }
0x48: {  	s26 =	simm.s32 $0xA050  }
0x49: {  	[tilespmem:s22], [sflag:$0x2] =	stream.indirect.gather [hbm4b:s4+s20], $0x40, s26, s20, $0xb8;
	[tilespmem:$0x15220] =	vst v63  }
0x4a: {  	s6 =	simm.s32 $0xA0A0  }
0x4b: {  	[tilespmem:s25], [sflag:$0x3] =	stream.indirect.gather [hbm4b:s4+s20], $0x40, s6, s20, $0xb8;
	[tilespmem:$0x15220] =	vst v63  }
0x4c: {  	s23 =	simm.s32 $0xA0F0  }
0x4d: {  	[tilespmem:s28], [sflag:$0x4] =	stream.indirect.gather [hbm4b:s4+s20], $0x40, s23, s20, $0xb8;
	[tilespmem:$0x15220] =	vst v63  }
0x4e: {  	_ =	swait.ge [sflag:s29], $0x1400  }
0x4f: {  	[sflag:s29] =	ssyncset.done $0x0  }
0x50: {  	s26 =	simm.s32 $0xA140;
	[sflag:s29] =	ssyncadd.s32 $0xFFFFEC00  }
0x51: {  	[tilespmem:s30], [sflag:$0x5] =	stream.indirect.gather [hbm4b:s4+s20], $0x40, s26, s20, $0xb8;
	[tilespmem:$0x15220] =	vst v63  }
0x52: {  	s6 =	simm.s32 $0xC710  }
0x53: {  	[spmem:s2] =	stream.indirect.scatter.add.bf16 [tilespmem:s15], [sflag:$0x6], $0x40, s6, s20, $0xb8;
	[tilespmem:$0x15220] =	vst v63  }
0x54: {  	_ =	swait.ge [sflag:s16], $0x1400  }
0x55: {  	[sflag:s16] =	ssyncset.done $0x0  }
0x56: {  	[sflag:s16] =	ssyncadd.s32 $0xFFFFEC00  }
0x57: {  	_ =	swait.ge [sflag:s31], $0x1400  }
0x58: {  	[sflag:s31] =	ssyncset.done $0x0  }
0x59: {  	s23 =	simm.s32 $0xA190;
	[sflag:s31] =	ssyncadd.s32 $0xFFFFEC00  }
0x5a: {  	[tilespmem:s15], [sflag:$0x1] =	stream.indirect.gather [hbm4b:s4+s20], $0x40, s23, s20, $0xb8;
	[tilespmem:$0x15220] =	vst v63  }
0x5b: {  	s26 =	simm.s32 $0xC760  }
0x5c: {  	[spmem:s2] =	stream.indirect.scatter.add.bf16 [tilespmem:s22], [sflag:$0x6], $0x40, s26, s20, $0xb8;
	[tilespmem:$0x15220] =	vst v63  }
0x5d: {  	_ =	swait.ge [sflag:s16], $0x1400  }
0x5e: {  	[sflag:s16] =	ssyncset.done $0x0  }
0x5f: {  	[sflag:s16] =	ssyncadd.s32 $0xFFFFEC00  }
0x60: {  	_ =	swait.ge [sflag:s1], $0x1400  }
0x61: {  	[sflag:s1] =	ssyncset.done $0x0  }
0x62: {  	s6 =	simm.s32 $0xA1E0;
	[sflag:s1] =	ssyncadd.s32 $0xFFFFEC00  }
0x63: {  	[tilespmem:s22], [sflag:$0x2] =	stream.indirect.gather [hbm4b:s4+s20], $0x40, s6, s20, $0xb8;
	[tilespmem:$0x15220] =	vst v63  }
0x64: {  	s23 =	simm.s32 $0xC7B0  }
0x65: {  	[spmem:s2] =	stream.indirect.scatter.add.bf16 [tilespmem:s25], [sflag:$0x6], $0x40, s23, s20, $0xb8;
	[tilespmem:$0x15220] =	vst v63  }
0x66: {  	_ =	swait.ge [sflag:s16], $0x1400  }
0x67: {  	[sflag:s16] =	ssyncset.done $0x0  }
0x68: {  	[sflag:s16] =	ssyncadd.s32 $0xFFFFEC00  }
0x69: {  	_ =	swait.ge [sflag:s0], $0x1400  }
0x6a: {  	[sflag:s0] =	ssyncset.done $0x0  }
0x6b: {  	s26 =	simm.s32 $0xA230;
	[sflag:s0] =	ssyncadd.s32 $0xFFFFEC00  }
0x6c: {  	[tilespmem:s25], [sflag:$0x3] =	stream.indirect.gather [hbm4b:s4+s20], $0x40, s26, s20, $0xb8;
	[tilespmem:$0x15220] =	vst v63  }
0x6d: {  	s6 =	simm.s32 $0xC800  }
0x6e: {  	[spmem:s2] =	stream.indirect.scatter.add.bf16 [tilespmem:s28], [sflag:$0x6], $0x40, s6, s20, $0xb8;
	[tilespmem:$0x15220] =	vst v63  }
0x6f: {  	_ =	swait.ge [sflag:s16], $0x1400  }
0x70: {  	[sflag:s16] =	ssyncset.done $0x0  }
0x71: {  	[sflag:s16] =	ssyncadd.s32 $0xFFFFEC00  }
0x72: {  	_ =	swait.ge [sflag:s19], $0x1400  }
0x73: {  	[sflag:s19] =	ssyncset.done $0x0  }
0x74: {  	s23 =	simm.s32 $0xA280;
	[sflag:s19] =	ssyncadd.s32 $0xFFFFEC00  }
0x75: {  	[tilespmem:s28], [sflag:$0x4] =	stream.indirect.gather [hbm4b:s4+s20], $0x40, s23, s20, $0xb8;
	[tilespmem:$0x15220] =	vst v63  }
0x76: {  	s26 =	simm.s32 $0xC850  }
0x77: {  	[spmem:s2] =	stream.indirect.scatter.add.bf16 [tilespmem:s30], [sflag:$0x6], $0x40, s26, s20, $0xb8;
	[tilespmem:$0x15220] =	vst v63  }
0x78: {  	_ =	swait.ge [sflag:s16], $0x1400  }
0x79: {  	s23 =	simm.s32 $0x640;
	[sflag:s16] =	ssyncset.done $0x0  }
.LBB2_4:
0x7a: {  	p0 =	sne.s32 s23, $0x8FC0  }
0x7b: {  	[sflag:s16] =	ssyncadd.s32 $0xFFFFEC00;
	s3 =	smov.u32 s23;
	s23 =	sadd.s32 $0x640, s23  }
0x7c: {  	_ = 	snop  }
0x7d: {  	_ =	swait.ge [sflag:s29], $0x1400  }
0x7e: {  	s26 =	sshra.s32 s3, $0x2;
	[sflag:s29] =	ssyncset.done $0x0  }
0x7f: {  	s3 =	sadd.s32 $0xA140, s26;
	[sflag:s29] =	ssyncadd.s32 $0xFFFFEC00  }
0x80: {  	[tilespmem:s30], [sflag:$0x5] =	stream.indirect.gather [hbm4b:s4+s20], $0x40, s3, s20, $0xb8;
	[tilespmem:$0x15220] =	vst v63  }
0x81: {  	s3 =	sadd.s32 $0xC710, s26  }
0x82: {  	[spmem:s2] =	stream.indirect.scatter.add.bf16 [tilespmem:s15], [sflag:$0x6], $0x40, s3, s20, $0xb8;
	[tilespmem:$0x15220] =	vst v63  }
0x83: {  	_ =	swait.ge [sflag:s16], $0x1400  }
0x84: {  	[sflag:s16] =	ssyncset.done $0x0  }
0x85: {  	[sflag:s16] =	ssyncadd.s32 $0xFFFFEC00  }
0x86: {  	_ =	swait.ge [sflag:s31], $0x1400  }
0x87: {  	[sflag:s31] =	ssyncset.done $0x0  }
0x88: {  	s3 =	sadd.s32 $0xA190, s26;
	[sflag:s31] =	ssyncadd.s32 $0xFFFFEC00  }
0x89: {  	[tilespmem:s15], [sflag:$0x1] =	stream.indirect.gather [hbm4b:s4+s20], $0x40, s3, s20, $0xb8;
	[tilespmem:$0x15220] =	vst v63  }
0x8a: {  	s3 =	sadd.s32 $0xC760, s26  }
0x8b: {  	[spmem:s2] =	stream.indirect.scatter.add.bf16 [tilespmem:s22], [sflag:$0x6], $0x40, s3, s20, $0xb8;
	[tilespmem:$0x15220] =	vst v63  }
0x8c: {  	_ =	swait.ge [sflag:s16], $0x1400  }
0x8d: {  	[sflag:s16] =	ssyncset.done $0x0  }
0x8e: {  	[sflag:s16] =	ssyncadd.s32 $0xFFFFEC00  }
0x8f: {  	_ =	swait.ge [sflag:s1], $0x1400  }
0x90: {  	[sflag:s1] =	ssyncset.done $0x0  }
0x91: {  	s3 =	sadd.s32 $0xA1E0, s26;
	[sflag:s1] =	ssyncadd.s32 $0xFFFFEC00  }
0x92: {  	[tilespmem:s22], [sflag:$0x2] =	stream.indirect.gather [hbm4b:s4+s20], $0x40, s3, s20, $0xb8;
	[tilespmem:$0x15220] =	vst v63  }
0x93: {  	s3 =	sadd.s32 $0xC7B0, s26  }
0x94: {  	[spmem:s2] =	stream.indirect.scatter.add.bf16 [tilespmem:s25], [sflag:$0x6], $0x40, s3, s20, $0xb8;
	[tilespmem:$0x15220] =	vst v63  }
0x95: {  	_ =	swait.ge [sflag:s16], $0x1400  }
0x96: {  	[sflag:s16] =	ssyncset.done $0x0  }
0x97: {  	[sflag:s16] =	ssyncadd.s32 $0xFFFFEC00  }
0x98: {  	_ =	swait.ge [sflag:s0], $0x1400  }
0x99: {  	[sflag:s0] =	ssyncset.done $0x0  }
0x9a: {  	s3 =	sadd.s32 $0xA230, s26;
	[sflag:s0] =	ssyncadd.s32 $0xFFFFEC00  }
0x9b: {  	[tilespmem:s25], [sflag:$0x3] =	stream.indirect.gather [hbm4b:s4+s20], $0x40, s3, s20, $0xb8;
	[tilespmem:$0x15220] =	vst v63  }
0x9c: {  	s3 =	sadd.s32 $0xC800, s26  }
0x9d: {  	[spmem:s2] =	stream.indirect.scatter.add.bf16 [tilespmem:s28], [sflag:$0x6], $0x40, s3, s20, $0xb8;
	[tilespmem:$0x15220] =	vst v63  }
0x9e: {  	_ =	swait.ge [sflag:s16], $0x1400  }
0x9f: {  	[sflag:s16] =	ssyncset.done $0x0  }
0xa0: {  	[sflag:s16] =	ssyncadd.s32 $0xFFFFEC00  }
0xa1: {  	_ =	swait.ge [sflag:s19], $0x1400  }
0xa2: {  	[sflag:s19] =	ssyncset.done $0x0  }
0xa3: {  	s3 =	sadd.s32 $0xA280, s26;
	[sflag:s19] =	ssyncadd.s32 $0xFFFFEC00  }
0xa4: {  	[tilespmem:s28], [sflag:$0x4] =	stream.indirect.gather [hbm4b:s4+s20], $0x40, s3, s20, $0xb8;
	[tilespmem:$0x15220] =	vst v63  }
.Ltmp1:
0xa5: {  	_ = 	snop;
	(pc) =	sbr.rel @p0 .LBB2_4-.Ltmp1, $4  }
0xa6: {  	s3 =	sadd.s32 $0xC850, s26  }
0xa7: {  	[spmem:s2] =	stream.indirect.scatter.add.bf16 [tilespmem:s30], [sflag:$0x6], $0x40, s3, s20, $0xb8;
	[tilespmem:$0x15220] =	vst v63  }
0xa8: {  	_ =	swait.ge [sflag:s16], $0x1400  }
0xa9: {  	[sflag:s16] =	ssyncset.done $0x0  }
0xaa: {  	[sflag:s16] =	ssyncadd.s32 $0xFFFFEC00  }
0xab: {  	_ =	swait.ge [sflag:s29], $0x1400  }
0xac: {  	[sflag:s29] =	ssyncset.done $0x0  }
0xad: {  	s3 =	simm.s32 $0xC6C0;
	[sflag:s29] =	ssyncadd.s32 $0xFFFFEC00  }
0xae: {  	[tilespmem:s30], [sflag:$0x5] =	stream.indirect.gather [hbm4b:s4+s20], $0x40, s3, s20, $0xb8;
	[tilespmem:$0x15220] =	vst v63  }
0xaf: {  	s6 =	simm.s32 $0xEC90  }
0xb0: {  	[spmem:s2] =	stream.indirect.scatter.add.bf16 [tilespmem:s15], [sflag:$0x6], $0x40, s6, s20, $0xb8;
	[tilespmem:$0x15220] =	vst v63  }
0xb1: {  	_ =	swait.ge [sflag:s16], $0x1400  }
0xb2: {  	[sflag:s16] =	ssyncset.done $0x0  }
0xb3: {  	[sflag:s16] =	ssyncadd.s32 $0xFFFFEC00  }
0xb4: {  	_ =	swait.ge [sflag:s31], $0x1400  }
0xb5: {  	[sflag:s31] =	ssyncset.done $0x0  }
0xb6: {  	s23 =	simm.s32 $0xECE0;
	[sflag:s31] =	ssyncadd.s32 $0xFFFFEC00  }
0xb7: {  	[spmem:s2] =	stream.indirect.scatter.add.bf16 [tilespmem:s22], [sflag:$0x6], $0x40, s23, s20, $0xb8;
	[tilespmem:$0x15220] =	vst v63  }
0xb8: {  	_ =	swait.ge [sflag:s16], $0x1400  }
0xb9: {  	[sflag:s16] =	ssyncset.done $0x0  }
0xba: {  	[sflag:s16] =	ssyncadd.s32 $0xFFFFEC00  }
0xbb: {  	_ =	swait.ge [sflag:s1], $0x1400  }
0xbc: {  	[sflag:s1] =	ssyncset.done $0x0  }
0xbd: {  	s26 =	simm.s32 $0xED30;
	[sflag:s1] =	ssyncadd.s32 $0xFFFFEC00  }
0xbe: {  	[spmem:s2] =	stream.indirect.scatter.add.bf16 [tilespmem:s25], [sflag:$0x6], $0x40, s26, s20, $0xb8;
	[tilespmem:$0x15220] =	vst v63  }
0xbf: {  	_ =	swait.ge [sflag:s16], $0x1400  }
0xc0: {  	[sflag:s16] =	ssyncset.done $0x0  }
0xc1: {  	[sflag:s16] =	ssyncadd.s32 $0xFFFFEC00  }
0xc2: {  	_ =	swait.ge [sflag:s0], $0x1400  }
0xc3: {  	[sflag:s0] =	ssyncset.done $0x0  }
0xc4: {  	s6 =	simm.s32 $0xED80;
	[sflag:s0] =	ssyncadd.s32 $0xFFFFEC00  }
0xc5: {  	[spmem:s2] =	stream.indirect.scatter.add.bf16 [tilespmem:s28], [sflag:$0x6], $0x40, s6, s20, $0xb8;
	[tilespmem:$0x15220] =	vst v63  }
0xc6: {  	_ =	swait.ge [sflag:s16], $0x1400  }
0xc7: {  	[sflag:s16] =	ssyncset.done $0x0  }
0xc8: {  	[sflag:s16] =	ssyncadd.s32 $0xFFFFEC00  }
0xc9: {  	_ =	swait.ge [sflag:s19], $0x1400  }
0xca: {  	[sflag:s19] =	ssyncset.done $0x0  }
0xcb: {  	s23 =	simm.s32 $0xEDD0;
	[sflag:s19] =	ssyncadd.s32 $0xFFFFEC00  }
0xcc: {  	[spmem:s2] =	stream.indirect.scatter.add.bf16 [tilespmem:s30], [sflag:$0x6], $0x40, s23, s20, $0xb8;
	[tilespmem:$0x15220] =	vst v63  }
0xcd: {  	s26 =	stileid.u32;
	_ =	swait.ge [sflag:s16], $0x1400  }
0xce: {  	s21 =	sadd.s32 $0x1, s21;
	s3 =	sshll.u32 s26, $0x6;
	[sflag:s16] =	ssyncset.done $0x0  }
0xcf: {  	p0 =	sne.s32 s21, s14;
	s3 =	sor.u32 $0x1C06, s3;
	[sflag:s16] =	ssyncadd.s32 $0xFFFFEC00  }
.Ltmp2:
0xd0: {  	s6 =	sshrl.u32 s5, $0x3;
	[bflag:$0x0] =	sbarrier.arrive $0xFFFF;
	(pc) =	sbr.rel @p0 .LBB2_1-.Ltmp2, $4  }
0xd1: {  	[hbm:s24], [sflag:s3] =	dma.local [spmem:s6], $0x1400  }
0xd2: {  	_ =	swait.ge [sflag:s16], $0x1400  }
0xd3: {  	[sflag:s16] =	ssyncset.done $0x0  }
0xd4: {  	[sflag:s16] =	ssyncadd.s32 $0xFFFFEC00  }
0xd5: {  	_ =	sfence.sel $0x180000  }
0xd6: {  	[bflag:$0x0] =	sbarrier.arrive $0xFFFF  }
0xd7: {  	_ =	strace $0x9000004A  }
0xd8: {  	s0 =	stileid.u32;
	[bflag:$0x2] =	sbarrier.arrive $0xFFFF  }
0xd9: {  	p0 =	sne.s32 s0, $0x0;
	s0 =	rddreg [dreg:$0x2]  }
0xda: {  	s0 =	sadd.s32 @!p0 $0x100000, s0  }
0xdb: {  	[sflag:s0] =	ssyncadd.tile.s32 @!p0 $0x1;
	_ =	shalt  }
.Lfunc_end2:
_tile_overlayer_lowered:
.L_overlay_start_2:
0xdc: {  	(tag) =	ssettag $0x2  }
0xdd: {  	s0 =	rddreg [dreg:$0x0];
	s2 =	stileid.u32  }
0xde: {  	s1 =	rddreg [dreg:$0x1];
	p0 =	sne.s32 s2, $0x0  }
0xdf: {  	s3 =	rddreg [dreg:$0x2];
	[bflag:$0x3] =	sbarrier.arrive $0xFFFF;
	s2 =	simm.s32 @!p0 $0x1C06  }
0xe0: {  	[timem:s3], [sflag:s2] =	dma.local @!p0 [hbm:s0], s1  }
0xe1: {  	s0 =	simm.s32 @!p0 $0x6  }
0xe2: {  	_ =	swait.ge @!p0 [sflag:s0], s1  }
0xe3: {  	s1 =	ssub.s32 @!p0 $0x0, s1;
	[sflag:s0] =	ssyncset.done @!p0 $0x0  }
0xe4: {  	[sflag:s0] =	ssyncadd.s32 @!p0 s1  }
0xe5: {  	[bflag:$0x3] =	sbarrier.arrive $0xFFFF  }
0xe6: {  	_ =	shalt  }

// kernel: kernel.14.cloned.1.call-start
scs
__scs_entry_jumppad:
0x0: {  	(pc) =	sbr.rel $0x88, $3  }
0x1: {  	(tag) =	ssettag $0x0;
	lr =	simm.s32 $0x1  }
0x2: {  	[smem:$0x3F98] =	sst lr;
	_ =	strace $0xD0000000  }
0x3: {  	_ = 	snop  }
0x4: {  	_ = 	snop  }
0x5: {  	_ = 	snop  }
0x6: {  	_ = 	snop  }
0x7: {  	_ = 	snop  }
__scs_overlays_trampoline_lowered:
0x8: {  	[smem:$0x3FA7] =	sst s0  }
0x9: {  	[smem:$0x3FA8] =	sst s1  }
0xa: {  	[smem:$0x3FA9] =	sst s2  }
0xb: {  	[smem:$0x3FAA] =	sst s3  }
0xc: {  	[smem:$0x3FAB] =	sst s4  }
0xd: {  	[smem:$0x3FAC] =	sst s5  }
0xe: {  	[smem:$0x3FAD] =	sst s6  }
0xf: {  	[smem:$0x3FAE] =	sst s7  }
0x10: {  	[smem:$0x3FAF] =	sst s8  }
0x11: {  	[smem:$0x3FB0] =	sst s9;
	s0 =	simm.s32 @!p0 $0x0  }
0x12: {  	s1 =	sld [smem:$0x3F96];
	s0 =	simm.s32 @p0 $0x1  }
0x13: {  	[smem:$0x3FB1] =	sst s0;
	s0 =	simm.s32 @!p1 $0x0  }
0x14: {  	s2 =	sld [smem:$0x3F95];
	s0 =	simm.s32 @p1 $0x1  }
0x15: {  	[smem:$0x3FB2] =	sst s0;
	s0 =	simm.s32 @!p2 $0x0  }
0x16: {  	s3 =	sld [smem:$0x3FDB];
	s0 =	simm.s32 @p2 $0x1  }
0x17: {  	s4 =	simm.s32 $0x1BF5;
	[smem:$0x3FB4] =	sst s0  }
0x18: {  	s0 =	sld [smem:$0x3F97];
	_ =	swait.ge [sflag:s4], $0x0  }
0x19: {  	s7 =	sld [smem:$0x3F98]  }
0x1a: {  	s8 =	sadd.s32 $0xFFFFE003, lr  }
0x1b: {  	s9 =	sadd.s32 $0xFFFFFEF7, lr;
	s5 =	simm.s32 $0xFFFFFFFF;
	p2 =	slt.u32 s8, $0xFFFFF086  }
0x1c: {  	p1 =	slt.u32 s9, $0xF7A;
	s5 =	simm.s32 @!p2 $0x0  }
0x1d: {  	s5 =	simm.s32 @p1 $0x1;
	p0 =	seq.s32 s7, s2  }
0x1e: {  	s7 =	smul.u32 @!p0 $0xF7A, s2;
	p2 =	seq.s32 @!p0 s5, $0x0  }
0x1f: {  	s9 =	smul.u32 $0xF7A, s1;
	s8 =	simm.s32 @!p0 $0x1BF5;
	p2 =	por !p2, p0  }
0x20: {  	[sflag:s8] =	ssyncset.s32 @!p0 $0xFFFFF086;
	s6 =	sadd.s32 @!p0 s3, s7;
	s7 =	simm.s32 @!p0 $0x108  }
0x21: {  	s3 =	sadd.s32 s3, s9;
	s6 =	sadd.s32 @!p0 $0x88, s6;
	s7 =	simm.s32 @p2 $0x1082  }
0x22: {  	[simem:s7], [sflag:s8] =	dma.local @!p0 [hbm:s6], $0xF7A  }
0x23: {  	s9 =	sor.u32 $0xD0000000, s2;
	s6 =	simm.s32 $0x108;
	_ =	swait.ge @!p0 [sflag:s8], $0x0  }
0x24: {  	s3 =	sadd.s32 $0x88, s3;
	s6 =	simm.s32 @!p1 $0x1082;
	[sflag:s4] =	ssyncset.s32 $0xFFFFF086  }
0x25: {  	[simem:s6], [sflag:s4] =	dma.local [hbm:s3], $0xF7A  }
0x26: {  	[smem:$0x3F98] =	sst s1;
	(tag) =	ssettag s2;
	_ =	strace s9  }
0x27: {  	s1 =	sld [smem:$0x3FA8]  }
0x28: {  	s2 =	sld [smem:$0x3FA9]  }
0x29: {  	s4 =	sld [smem:$0x3FAB]  }
0x2a: {  	p0 =	seq.s32 s5, $0x0;
	s5 =	sld [smem:$0x3FAC]  }
0x2b: {  	s6 =	sld [smem:$0x3FAD]  }
0x2c: {  	s7 =	sld [smem:$0x3FAE]  }
0x2d: {  	s3 =	simm.s32 $0x108;
	s8 =	sld [smem:$0x3FAF]  }
0x2e: {  	s3 =	simm.s32 @!p0 $0x1082;
	s9 =	sld [smem:$0x3FB0]  }
0x2f: {  	lr =	sadd.s32 s0, s3;
	s0 =	sld [smem:$0x3FA7]  }
0x30: {  	s3 =	sld [smem:$0x3FAA]  }
0x31: {  	[smem:$0x3FB3] =	sst s10  }
0x32: {  	s10 =	sld [smem:$0x3FB1];
	_ =	sdelay $0x3  }
0x33: {  	p0 =	seq.s32 s10, $0x1;
	s10 =	sld [smem:$0x3FB3];
	_ =	sdelay $0x3  }
0x34: {  	[smem:$0x3FB3] =	sst s10  }
0x35: {  	s10 =	sld [smem:$0x3FB2];
	_ =	sdelay $0x3  }
0x36: {  	p1 =	seq.s32 s10, $0x1;
	s10 =	sld [smem:$0x3FB3];
	_ =	sdelay $0x3  }
0x37: {  	[smem:$0x3FB3] =	sst s10  }
0x38: {  	s10 =	sld [smem:$0x3FB4]  }
0x39: {  	_ = 	snop;
	(pc) =	sbr.ind lr, $3  }
0x3a: {  	_ = 	snop  }
0x3b: {  	_ = 	snop  }
0x3c: {  	p2 =	seq.s32 s10, $0x1;
	s10 =	sld [smem:$0x3FB3]  }
0x3d: {  	_ =	shalt  }
0x3e: {  	_ =	shalt  }
0x3f: {  	_ =	shalt  }
0x40: {  	_ =	shalt  }
0x41: {  	_ =	shalt  }
0x42: {  	_ =	shalt  }
0x43: {  	_ =	shalt  }
0x44: {  	_ =	shalt  }
0x45: {  	_ =	shalt  }
0x46: {  	_ =	shalt  }
0x47: {  	_ =	shalt  }
0x48: {  	_ =	shalt  }
0x49: {  	_ =	shalt  }
0x4a: {  	_ =	shalt  }
0x4b: {  	_ =	shalt  }
0x4c: {  	_ =	shalt  }
0x4d: {  	_ =	shalt  }
0x4e: {  	_ =	shalt  }
0x4f: {  	_ =	shalt  }
0x50: {  	_ =	shalt  }
0x51: {  	_ =	shalt  }
0x52: {  	_ =	shalt  }
0x53: {  	_ =	shalt  }
0x54: {  	_ =	shalt  }
0x55: {  	_ =	shalt  }
0x56: {  	_ =	shalt  }
0x57: {  	_ =	shalt  }
0x58: {  	_ =	shalt  }
0x59: {  	_ =	shalt  }
0x5a: {  	_ =	shalt  }
0x5b: {  	_ =	shalt  }
0x5c: {  	_ =	shalt  }
0x5d: {  	_ =	shalt  }
0x5e: {  	_ =	shalt  }
0x5f: {  	_ =	shalt  }
0x60: {  	_ =	shalt  }
0x61: {  	_ =	shalt  }
0x62: {  	_ =	shalt  }
0x63: {  	_ =	shalt  }
0x64: {  	_ =	shalt  }
0x65: {  	_ =	shalt  }
0x66: {  	_ =	shalt  }
0x67: {  	_ =	shalt  }
0x68: {  	_ =	shalt  }
0x69: {  	_ =	shalt  }
0x6a: {  	_ =	shalt  }
0x6b: {  	_ =	shalt  }
0x6c: {  	_ =	shalt  }
0x6d: {  	_ =	shalt  }
0x6e: {  	_ =	shalt  }
0x6f: {  	_ =	shalt  }
0x70: {  	_ =	shalt  }
0x71: {  	_ =	shalt  }
0x72: {  	_ =	shalt  }
0x73: {  	_ =	shalt  }
0x74: {  	_ =	shalt  }
0x75: {  	_ =	shalt  }
0x76: {  	_ =	shalt  }
0x77: {  	_ =	shalt  }
0x78: {  	_ =	shalt  }
0x79: {  	_ =	shalt  }
0x7a: {  	_ =	shalt  }
0x7b: {  	_ =	shalt  }
0x7c: {  	_ =	shalt  }
0x7d: {  	_ =	shalt  }
0x7e: {  	_ =	shalt  }
0x7f: {  	_ =	shalt  }
0x80: {  	_ =	shalt  }
0x81: {  	_ =	shalt  }
0x82: {  	_ =	shalt  }
0x83: {  	_ =	shalt  }
0x84: {  	_ =	shalt  }
0x85: {  	_ =	shalt  }
0x86: {  	_ =	shalt  }
0x87: {  	_ =	shalt  }
.Lfunc_end0:
.L_simem_size_0:
called_computation.2_lowered:
.L_overlay_start_0:
0x88: {  	s2 =	sld [smem:$0x3FD9]  }
0x89: {  	s3 =	sld [smem:$0x3FFE];
	_ =	sdelay $0x1  }
0x8a: {  	s1 =	srdreg.scid  }
0x8b: {  	s0 =	sand.u32 $0x1, s1  }
0x8c: {  	s16 =	sshll.u32 s0, $0xA;
	s2 =	sadd.s32 s3, s2  }
0x8d: {  	s2 =	sadd.s32 s2, s16  }
0x8e: {  	[smem:$0x3FBF] =	sst s2  }
0x8f: {  	_ = 	snop  }
0x90: {  	(tm) =	ssettm $0x1  }
0x91: {  	s17 =	sld [smem:$0x3FFB];
	_ =	sdelay $0x3  }
0x92: {  	_ =	strace s17  }
0x93: {  	s2 =	sld [smem:$0x3FFC];
	_ =	sdelay $0x3  }
0x94: {  	_ =	strace s2  }
0x95: {  	s2 =	sld [smem:$0x3FFD];
	_ =	sdelay $0x3  }
0x96: {  	_ =	strace s2  }
0x97: {  	_ =	strace $0x8FFFFFFF  }
0x98: {  	s18 =	sld [smem:$0x3FDB];
	_ =	sdelay $0x1  }
0x99: {  	s19 =	simm.s32 $_scs_section_size  }
0x9a: {  	s4 =	simm.s32 $_size__tile_overlayer_lowered;
	s5 =	simm.s32 $_tile_overlayer_lowered  }
0x9b: {  	s22 =	simm.s32 $0x1BFF;
	s21 =	sshll.u32 s5, $0x1;
	s2 =	sadd.s32 s19, s18  }
0x9c: {  	s6 =	simm.s32 $0x0;
	s20 =	sshll.u32 s4, $0x1;
	s4 =	sadd.s32 s21, s2  }
0x9d: {  	[timem:s6], [sflag:s22] =	dma.local [hbm:s4], s20  }
0x9e: {  	_ =	swait.ge [sflag:s22], s20  }
0x9f: {  	s3 =	ssub.s32 $0x0, s20;
	[sflag:s22] =	ssyncset.done $0x0  }
0xa0: {  	[sflag:s22] =	ssyncadd.s32 s3;
	_ =	sdelay $0x1  }
0xa1: {  	s23 =	simm.s32 $0x1B8B  }
0xa2: {  	_ =	swait.ge [sflag:s23], $0x1  }
0xa3: {  	[sflag:s23] =	ssyncset.done $0x0  }
0xa4: {  	s25 =	simm.s32 $0x1B8E;
	s24 =	sld [smem:$0x3FFE];
	[sflag:s23] =	ssyncadd.s32 $0xFFFFFFFF  }
0xa5: {  	s26 =	simm.s32 $execute0_lowered;
	[smem:$0x3FD2] =	sst s25  }
0xa6: {  	s4 =	sshll.u32 s26, $0x1;
	_ =	strace $0x8000004C;
	[dreg:$0x1] =	wrdreg $0xFFFFFFFF  }
0xa7: {  	s28 =	simm.s32 $_size_execute0_lowered;
	s2 =	sadd.s32 s2, s4;
	[dreg:$0x0] =	wrdreg $0x0  }
0xa8: {  	s4 =	sshll.u32 s28, $0x1;
	[dreg:$0x2] =	wrdreg s2  }
0xa9: {  	[dreg:$0x3] =	wrdreg s4  }
0xaa: {  	[dreg:$0x4] =	wrdreg $0xC0  }
0xab: {  	_ =	task [dreg:s6], $0x5FFFF  }
0xac: {  	[dreg:$0x1] =	wrdreg $0xFFFFFFFF  }
0xad: {  	[dreg:$0x0] =	wrdreg $0x60  }
0xae: {  	[dreg:$0x2] =	wrdreg s24  }
0xaf: {  	[dreg:$0x3] =	wrdreg $0x0  }
0xb0: {  	[dreg:$0x4] =	wrdreg $0x9  }
0xb1: {  	_ =	task.clear_ibuf [dreg:s6], $0x5FFFF;
	_ =	strace $0x9000004C  }
0xb2: {  	s29 =	simm.s32 $0x9;
	_ =	strace $0x8000004E  }
0xb3: {  	_ =	swait.ge [sflag:s29], $0x1  }
0xb4: {  	[sflag:s29] =	ssyncadd.s32 $0xFFFFFFFF  }
0xb5: {  	_ =	strace $0x9000004E  }
0xb6: {  	_ =	sfence  }
0xb7: {  	s30 =	sld [smem:$0x0];
	_ =	sdelay $0x2  }
0xb8: {  	s31 =	sshll.u32 s1, $0xD;
	s1 =	sshrl.u32 s1, $0x2  }
0xb9: {  	s3 =	sand.u32 $0x4000, s31;
	s1 =	sadd.s32 s1, s30  }
0xba: {  	s0 =	sor.u32 s3, s0;
	s1 =	sshll.u32 s1, $0x11  }
0xbb: {  	s0 =	sor.u32 s1, s0  }
0xbc: {  	s0 =	sadd.s32 $0x8F2B, s0  }
0xbd: {  	[sflag:s0] =	ssyncadd.remote.s32 $0x1  }
0xbe: {  	_ =	sfence.sel $0xFFFF  }
0xbf: {  	[dreg:$0x0] =	wrdreg $0xFFFFFFFF;
	(pc) =	sbr.abs _section_cstart, $3  }
0xc0: {  	[dreg:$0x1] =	wrdreg $0xFFFFFFFF  }
0xc1: {  	_ =	task.clear_ibuf [dreg:s6], $0x2FFFF;
	_ =	strace $0x9FFFFFFF  }
0xc2: {  	(tm) =	ssettm $0x7FFFFFFF  }
0xc3: {  	_ =	shalt  }
tec
execute0_lowered:
.L_overlay_start_1:
0x0: {  	(tag) =	ssettag $0x1  }
0x1: {  	s0 =	srdreg.scid;
	s1 =	rddreg [dreg:$0x0]  }
0x2: {  	s7 =	stileid.u32;
	s2 =	rddreg [dreg:$0x1];
	s23 =	simm.s32 $0x0  }
0x3: {  	s16 =	simm.s32 $0x6;
	s17 =	simm.s32 $0xA000;
	s20 =	simm.s32 $0x50  }
0x4: {  	s22 =	simm.s32 $0x10220;
	s28 =	simm.s32 $0x12A20;
	s29 =	simm.s32 $0x1  }
0x5: {  	s30 =	simm.s32 $0x13E20;
	s31 =	simm.s32 $0x2;
	s6 =	smul.u32 $0x28000, s7  }
0x6: {  	s0 =	sand.u32 $0x1, s0;
	s3 =	sshll.u32 s7, $0x1;
	s14 =	smul.u32 $0x14000, s7  }
0x7: {  	[smem:$0x7FF] =	sst s23;
	s4 =	sor.u32 s0, s3;
	s5 =	smul.u32 $0x14000, s0  }
0x8: {  	_ =	strace $0x8000004D;
	s0 =	ssub.s32 $0x2, s0;
	s18 =	smul.u32 $0x4E2, s4  }
0x9: {  	s4 =	sadd.s32 $0x16000, s1;
	s24 =	sshrl.u32 s0, $0x1;
	s6 =	sshrl.u32 s6, $0x2  }
0xa: {  	s25 =	sshrl.u32 s14, $0x1;
	s21 =	sshrl.u32 s14, $0x4;
	s15 =	sadd.s32 s5, s1  }
0xb: {  	s0 =	ssub.s32 s0, s24;
	s12 =	sadd.s32 s6, s2;
	s5 =	sadd.s32 s25, s2  }
0xc: {  	s25 =	simm.s32 $0x11620;
	s13 =	sadd.s32 s18, s1;
	s26 =	sadd.s32 $0x1400, s12  }
0xd: {  	s7 =	sadd.s32 $0x2800, s12;
	s8 =	sadd.s32 $0x3C00, s12;
	s9 =	sadd.s32 $0x5000, s12  }
0xe: {  	s10 =	sadd.s32 $0x6400, s12;
	s11 =	sadd.s32 $0x7800, s12;
	s12 =	sadd.s32 $0x8C00, s12  }
0xf: {  	s1 =	sadd.s32 $0xC240, s1;
	s19 =	sadd.s32 $0x29A00, s15;
	s14 =	smax.u32 s0, $0x1  }
0x10: {  	s15 =	simm.s32 $0xEE20;
	s0 =	simm.s32 $0x4;
	[dreg:$0x3] =	wrdreg s26  }
0x11: {  	s13 =	sadd.s32 $0x2600, s13;
	s18 =	sadd.s32 s18, s1;
	s24 =	sadd.s32 s21, s19  }
0x12: {  	v0 =	vimm.bf16 $0.0e+00;
	s1 =	simm.s32 $0x3;
	s19 =	simm.s32 $0x5;
	s21 =	simm.s32 $0x0  }
.LBB2_1:
0x13: {  	s3 =	simm.s32 $0x0  }
0x14: {  	s23 =	sand.u32 $0x7F00, s3;
	s26 =	sand.u32 $0x60, s3  }
0x15: {  	s23 =	sshrl.u32 s23, $0x2;
	s26 =	sshrl.u32 s26, $0x1  }
0x16: {  	s26 =	sor.u32 s26, s23  }
0x17: {  	s23 =	simm.s32 $0x40;
	[tilespmem:s26+$0xEE20] =	vst v0;
	s26 =	simm.s32 $0x0  }
.LBB2_2:
0x18: {  	p0 =	sne.s32 s23, $0x4FC0  }
.Ltmp0:
0x19: {  	s3 =	sand.u32 $0x7F00, s23;
	s26 =	sadd.s32 $0x20, s26;
	(pc) =	sbr.rel @p0 .LBB2_2-.Ltmp0, $4  }
0x1a: {  	s23 =	sadd.s32 $0x40, s23;
	s6 =	sand.u32 $0x60, s26  }
0x1b: {  	s3 =	sshrl.u32 s3, $0x2;
	s6 =	sshrl.u32 s6, $0x1  }
0x1c: {  	s3 =	sor.u32 s6, s3  }
0x1d: {  	[tilespmem:s3+$0xEE20] =	vst v0  }
0x1e: {  	[spmem:s5] =	stream.linear.scatter [tilespmem:s15], [sflag:$0x6], $0x1400, $0x38;
	[tilespmem:$0x15220] =	vst v63  }
0x1f: {  	_ =	swait.ge [sflag:s16], $0x1400  }
0x20: {  	[sflag:s16] =	ssyncset.done $0x0  }
0x21: {  	s3 =	rddreg [dreg:$0x3];
	[sflag:s16] =	ssyncadd.s32 $0xFFFFEC00  }
0x22: {  	[spmem:s3] =	stream.linear.scatter [tilespmem:s15], [sflag:$0x6], $0x1400, $0x38;
	[tilespmem:$0x15220] =	vst v63  }
0x23: {  	_ =	swait.ge [sflag:s16], $0x1400  }
0x24: {  	[sflag:s16] =	ssyncset.done $0x0  }
0x25: {  	[sflag:s16] =	ssyncadd.s32 $0xFFFFEC00  }
0x26: {  	[spmem:s7] =	stream.linear.scatter [tilespmem:s15], [sflag:$0x6], $0x1400, $0x38;
	[tilespmem:$0x15220] =	vst v63  }
0x27: {  	_ =	swait.ge [sflag:s16], $0x1400  }
0x28: {  	[sflag:s16] =	ssyncset.done $0x0  }
0x29: {  	[sflag:s16] =	ssyncadd.s32 $0xFFFFEC00  }
0x2a: {  	[spmem:s8] =	stream.linear.scatter [tilespmem:s15], [sflag:$0x6], $0x1400, $0x38;
	[tilespmem:$0x15220] =	vst v63  }
0x2b: {  	_ =	swait.ge [sflag:s16], $0x1400  }
0x2c: {  	[sflag:s16] =	ssyncset.done $0x0  }
0x2d: {  	[sflag:s16] =	ssyncadd.s32 $0xFFFFEC00  }
0x2e: {  	[spmem:s9] =	stream.linear.scatter [tilespmem:s15], [sflag:$0x6], $0x1400, $0x38;
	[tilespmem:$0x15220] =	vst v63  }
0x2f: {  	_ =	swait.ge [sflag:s16], $0x1400  }
0x30: {  	[sflag:s16] =	ssyncset.done $0x0  }
0x31: {  	[sflag:s16] =	ssyncadd.s32 $0xFFFFEC00  }
0x32: {  	[spmem:s10] =	stream.linear.scatter [tilespmem:s15], [sflag:$0x6], $0x1400, $0x38;
	[tilespmem:$0x15220] =	vst v63  }
0x33: {  	_ =	swait.ge [sflag:s16], $0x1400  }
0x34: {  	[sflag:s16] =	ssyncset.done $0x0  }
0x35: {  	[sflag:s16] =	ssyncadd.s32 $0xFFFFEC00  }
0x36: {  	[spmem:s11] =	stream.linear.scatter [tilespmem:s15], [sflag:$0x6], $0x1400, $0x38;
	[tilespmem:$0x15220] =	vst v63  }
0x37: {  	_ =	swait.ge [sflag:s16], $0x1400  }
0x38: {  	[sflag:s16] =	ssyncset.done $0x0  }
0x39: {  	[sflag:s16] =	ssyncadd.s32 $0xFFFFEC00  }
0x3a: {  	[spmem:s12] =	stream.linear.scatter [tilespmem:s15], [sflag:$0x6], $0x1400, $0x38;
	[tilespmem:$0x15220] =	vst v63  }
0x3b: {  	_ =	swait.ge [sflag:s16], $0x1400  }
0x3c: {  	[sflag:s16] =	ssyncset.done $0x0  }
0x3d: {  	[sflag:s16] =	ssyncadd.s32 $0xFFFFEC00  }
0x3e: {  	s23 =	simm.s32 $0x0;
	[bflag:$0x0] =	sbarrier.arrive $0xFFFF  }
0x3f: {  	[tilespmem:s17], [sflag:$0x6] =	stream.linear.gather [hbm4b:s13+s23], $0x2710, $0x38;
	[tilespmem:$0x15220] =	vst v63  }
0x40: {  	_ =	swait.ge [sflag:s16], $0x2710  }
0x41: {  	[sflag:s16] =	ssyncset.done $0x0  }
0x42: {  	s6 =	simm.s32 $0xC710;
	[sflag:s16] =	ssyncadd.s32 $0xFFFFD8F0  }
0x43: {  	[tilespmem:s6], [sflag:$0x6] =	stream.linear.gather [hbm4b:s18+s23], $0x2710, $0x38;
	[tilespmem:$0x15220] =	vst v63  }
0x44: {  	_ =	swait.ge [sflag:s16], $0x2710  }
0x45: {  	[sflag:s16] =	ssyncset.done $0x0  }
0x46: {  	[sflag:s16] =	ssyncadd.s32 $0xFFFFD8F0  }
0x47: {  	[tilespmem:s15], [sflag:$0x1] =	stream.indirect.gather [hbm4b:s4+s20], $0x40, s17, s20, $0xb8;
	[tilespmem:$0x15220] =	vst v63  }
0x48: {  	s26 =	simm.s32 $0xA050  }
0x49: {  	[tilespmem:s22], [sflag:$0x2] =	stream.indirect.gather [hbm4b:s4+s20], $0x40, s26, s20, $0xb8;
	[tilespmem:$0x15220] =	vst v63  }
0x4a: {  	s6 =	simm.s32 $0xA0A0  }
0x4b: {  	[tilespmem:s25], [sflag:$0x3] =	stream.indirect.gather [hbm4b:s4+s20], $0x40, s6, s20, $0xb8;
	[tilespmem:$0x15220] =	vst v63  }
0x4c: {  	s23 =	simm.s32 $0xA0F0  }
0x4d: {  	[tilespmem:s28], [sflag:$0x4] =	stream.indirect.gather [hbm4b:s4+s20], $0x40, s23, s20, $0xb8;
	[tilespmem:$0x15220] =	vst v63  }
0x4e: {  	_ =	swait.ge [sflag:s29], $0x1400  }
0x4f: {  	[sflag:s29] =	ssyncset.done $0x0  }
0x50: {  	s26 =	simm.s32 $0xA140;
	[sflag:s29] =	ssyncadd.s32 $0xFFFFEC00  }
0x51: {  	[tilespmem:s30], [sflag:$0x5] =	stream.indirect.gather [hbm4b:s4+s20], $0x40, s26, s20, $0xb8;
	[tilespmem:$0x15220] =	vst v63  }
0x52: {  	s6 =	simm.s32 $0xC710  }
0x53: {  	[spmem:s2] =	stream.indirect.scatter.add.bf16 [tilespmem:s15], [sflag:$0x6], $0x40, s6, s20, $0xb8;
	[tilespmem:$0x15220] =	vst v63  }
0x54: {  	_ =	swait.ge [sflag:s16], $0x1400  }
0x55: {  	[sflag:s16] =	ssyncset.done $0x0  }
0x56: {  	[sflag:s16] =	ssyncadd.s32 $0xFFFFEC00  }
0x57: {  	_ =	swait.ge [sflag:s31], $0x1400  }
0x58: {  	[sflag:s31] =	ssyncset.done $0x0  }
0x59: {  	s23 =	simm.s32 $0xA190;
	[sflag:s31] =	ssyncadd.s32 $0xFFFFEC00  }
0x5a: {  	[tilespmem:s15], [sflag:$0x1] =	stream.indirect.gather [hbm4b:s4+s20], $0x40, s23, s20, $0xb8;
	[tilespmem:$0x15220] =	vst v63  }
0x5b: {  	s26 =	simm.s32 $0xC760  }
0x5c: {  	[spmem:s2] =	stream.indirect.scatter.add.bf16 [tilespmem:s22], [sflag:$0x6], $0x40, s26, s20, $0xb8;
	[tilespmem:$0x15220] =	vst v63  }
0x5d: {  	_ =	swait.ge [sflag:s16], $0x1400  }
0x5e: {  	[sflag:s16] =	ssyncset.done $0x0  }
0x5f: {  	[sflag:s16] =	ssyncadd.s32 $0xFFFFEC00  }
0x60: {  	_ =	swait.ge [sflag:s1], $0x1400  }
0x61: {  	[sflag:s1] =	ssyncset.done $0x0  }
0x62: {  	s6 =	simm.s32 $0xA1E0;
	[sflag:s1] =	ssyncadd.s32 $0xFFFFEC00  }
0x63: {  	[tilespmem:s22], [sflag:$0x2] =	stream.indirect.gather [hbm4b:s4+s20], $0x40, s6, s20, $0xb8;
	[tilespmem:$0x15220] =	vst v63  }
0x64: {  	s23 =	simm.s32 $0xC7B0  }
0x65: {  	[spmem:s2] =	stream.indirect.scatter.add.bf16 [tilespmem:s25], [sflag:$0x6], $0x40, s23, s20, $0xb8;
	[tilespmem:$0x15220] =	vst v63  }
0x66: {  	_ =	swait.ge [sflag:s16], $0x1400  }
0x67: {  	[sflag:s16] =	ssyncset.done $0x0  }
0x68: {  	[sflag:s16] =	ssyncadd.s32 $0xFFFFEC00  }
0x69: {  	_ =	swait.ge [sflag:s0], $0x1400  }
0x6a: {  	[sflag:s0] =	ssyncset.done $0x0  }
0x6b: {  	s26 =	simm.s32 $0xA230;
	[sflag:s0] =	ssyncadd.s32 $0xFFFFEC00  }
0x6c: {  	[tilespmem:s25], [sflag:$0x3] =	stream.indirect.gather [hbm4b:s4+s20], $0x40, s26, s20, $0xb8;
	[tilespmem:$0x15220] =	vst v63  }
0x6d: {  	s6 =	simm.s32 $0xC800  }
0x6e: {  	[spmem:s2] =	stream.indirect.scatter.add.bf16 [tilespmem:s28], [sflag:$0x6], $0x40, s6, s20, $0xb8;
	[tilespmem:$0x15220] =	vst v63  }
0x6f: {  	_ =	swait.ge [sflag:s16], $0x1400  }
0x70: {  	[sflag:s16] =	ssyncset.done $0x0  }
0x71: {  	[sflag:s16] =	ssyncadd.s32 $0xFFFFEC00  }
0x72: {  	_ =	swait.ge [sflag:s19], $0x1400  }
0x73: {  	[sflag:s19] =	ssyncset.done $0x0  }
0x74: {  	s23 =	simm.s32 $0xA280;
	[sflag:s19] =	ssyncadd.s32 $0xFFFFEC00  }
0x75: {  	[tilespmem:s28], [sflag:$0x4] =	stream.indirect.gather [hbm4b:s4+s20], $0x40, s23, s20, $0xb8;
	[tilespmem:$0x15220] =	vst v63  }
0x76: {  	s26 =	simm.s32 $0xC850  }
0x77: {  	[spmem:s2] =	stream.indirect.scatter.add.bf16 [tilespmem:s30], [sflag:$0x6], $0x40, s26, s20, $0xb8;
	[tilespmem:$0x15220] =	vst v63  }
0x78: {  	_ =	swait.ge [sflag:s16], $0x1400  }
0x79: {  	s23 =	simm.s32 $0x640;
	[sflag:s16] =	ssyncset.done $0x0  }
.LBB2_4:
0x7a: {  	p0 =	sne.s32 s23, $0x8FC0  }
0x7b: {  	[sflag:s16] =	ssyncadd.s32 $0xFFFFEC00;
	s3 =	smov.u32 s23;
	s23 =	sadd.s32 $0x640, s23  }
0x7c: {  	_ = 	snop  }
0x7d: {  	_ =	swait.ge [sflag:s29], $0x1400  }
0x7e: {  	s26 =	sshra.s32 s3, $0x2;
	[sflag:s29] =	ssyncset.done $0x0  }
0x7f: {  	s3 =	sadd.s32 $0xA140, s26;
	[sflag:s29] =	ssyncadd.s32 $0xFFFFEC00  }
0x80: {  	[tilespmem:s30], [sflag:$0x5] =	stream.indirect.gather [hbm4b:s4+s20], $0x40, s3, s20, $0xb8;
	[tilespmem:$0x15220] =	vst v63  }
0x81: {  	s3 =	sadd.s32 $0xC710, s26  }
0x82: {  	[spmem:s2] =	stream.indirect.scatter.add.bf16 [tilespmem:s15], [sflag:$0x6], $0x40, s3, s20, $0xb8;
	[tilespmem:$0x15220] =	vst v63  }
0x83: {  	_ =	swait.ge [sflag:s16], $0x1400  }
0x84: {  	[sflag:s16] =	ssyncset.done $0x0  }
0x85: {  	[sflag:s16] =	ssyncadd.s32 $0xFFFFEC00  }
0x86: {  	_ =	swait.ge [sflag:s31], $0x1400  }
0x87: {  	[sflag:s31] =	ssyncset.done $0x0  }
0x88: {  	s3 =	sadd.s32 $0xA190, s26;
	[sflag:s31] =	ssyncadd.s32 $0xFFFFEC00  }
0x89: {  	[tilespmem:s15], [sflag:$0x1] =	stream.indirect.gather [hbm4b:s4+s20], $0x40, s3, s20, $0xb8;
	[tilespmem:$0x15220] =	vst v63  }
0x8a: {  	s3 =	sadd.s32 $0xC760, s26  }
0x8b: {  	[spmem:s2] =	stream.indirect.scatter.add.bf16 [tilespmem:s22], [sflag:$0x6], $0x40, s3, s20, $0xb8;
	[tilespmem:$0x15220] =	vst v63  }
0x8c: {  	_ =	swait.ge [sflag:s16], $0x1400  }
0x8d: {  	[sflag:s16] =	ssyncset.done $0x0  }
0x8e: {  	[sflag:s16] =	ssyncadd.s32 $0xFFFFEC00  }
0x8f: {  	_ =	swait.ge [sflag:s1], $0x1400  }
0x90: {  	[sflag:s1] =	ssyncset.done $0x0  }
0x91: {  	s3 =	sadd.s32 $0xA1E0, s26;
	[sflag:s1] =	ssyncadd.s32 $0xFFFFEC00  }
0x92: {  	[tilespmem:s22], [sflag:$0x2] =	stream.indirect.gather [hbm4b:s4+s20], $0x40, s3, s20, $0xb8;
	[tilespmem:$0x15220] =	vst v63  }
0x93: {  	s3 =	sadd.s32 $0xC7B0, s26  }
0x94: {  	[spmem:s2] =	stream.indirect.scatter.add.bf16 [tilespmem:s25], [sflag:$0x6], $0x40, s3, s20, $0xb8;
	[tilespmem:$0x15220] =	vst v63  }
0x95: {  	_ =	swait.ge [sflag:s16], $0x1400  }
0x96: {  	[sflag:s16] =	ssyncset.done $0x0  }
0x97: {  	[sflag:s16] =	ssyncadd.s32 $0xFFFFEC00  }
0x98: {  	_ =	swait.ge [sflag:s0], $0x1400  }
0x99: {  	[sflag:s0] =	ssyncset.done $0x0  }
0x9a: {  	s3 =	sadd.s32 $0xA230, s26;
	[sflag:s0] =	ssyncadd.s32 $0xFFFFEC00  }
0x9b: {  	[tilespmem:s25], [sflag:$0x3] =	stream.indirect.gather [hbm4b:s4+s20], $0x40, s3, s20, $0xb8;
	[tilespmem:$0x15220] =	vst v63  }
0x9c: {  	s3 =	sadd.s32 $0xC800, s26  }
0x9d: {  	[spmem:s2] =	stream.indirect.scatter.add.bf16 [tilespmem:s28], [sflag:$0x6], $0x40, s3, s20, $0xb8;
	[tilespmem:$0x15220] =	vst v63  }
0x9e: {  	_ =	swait.ge [sflag:s16], $0x1400  }
0x9f: {  	[sflag:s16] =	ssyncset.done $0x0  }
0xa0: {  	[sflag:s16] =	ssyncadd.s32 $0xFFFFEC00  }
0xa1: {  	_ =	swait.ge [sflag:s19], $0x1400  }
0xa2: {  	[sflag:s19] =	ssyncset.done $0x0  }
0xa3: {  	s3 =	sadd.s32 $0xA280, s26;
	[sflag:s19] =	ssyncadd.s32 $0xFFFFEC00  }
0xa4: {  	[tilespmem:s28], [sflag:$0x4] =	stream.indirect.gather [hbm4b:s4+s20], $0x40, s3, s20, $0xb8;
	[tilespmem:$0x15220] =	vst v63  }
.Ltmp1:
0xa5: {  	_ = 	snop;
	(pc) =	sbr.rel @p0 .LBB2_4-.Ltmp1, $4  }
0xa6: {  	s3 =	sadd.s32 $0xC850, s26  }
0xa7: {  	[spmem:s2] =	stream.indirect.scatter.add.bf16 [tilespmem:s30], [sflag:$0x6], $0x40, s3, s20, $0xb8;
	[tilespmem:$0x15220] =	vst v63  }
0xa8: {  	_ =	swait.ge [sflag:s16], $0x1400  }
0xa9: {  	[sflag:s16] =	ssyncset.done $0x0  }
0xaa: {  	[sflag:s16] =	ssyncadd.s32 $0xFFFFEC00  }
0xab: {  	_ =	swait.ge [sflag:s29], $0x1400  }
0xac: {  	[sflag:s29] =	ssyncset.done $0x0  }
0xad: {  	s3 =	simm.s32 $0xC6C0;
	[sflag:s29] =	ssyncadd.s32 $0xFFFFEC00  }
0xae: {  	[tilespmem:s30], [sflag:$0x5] =	stream.indirect.gather [hbm4b:s4+s20], $0x40, s3, s20, $0xb8;
	[tilespmem:$0x15220] =	vst v63  }
0xaf: {  	s6 =	simm.s32 $0xEC90  }
0xb0: {  	[spmem:s2] =	stream.indirect.scatter.add.bf16 [tilespmem:s15], [sflag:$0x6], $0x40, s6, s20, $0xb8;
	[tilespmem:$0x15220] =	vst v63  }
0xb1: {  	_ =	swait.ge [sflag:s16], $0x1400  }
0xb2: {  	[sflag:s16] =	ssyncset.done $0x0  }
0xb3: {  	[sflag:s16] =	ssyncadd.s32 $0xFFFFEC00  }
0xb4: {  	_ =	swait.ge [sflag:s31], $0x1400  }
0xb5: {  	[sflag:s31] =	ssyncset.done $0x0  }
0xb6: {  	s23 =	simm.s32 $0xECE0;
	[sflag:s31] =	ssyncadd.s32 $0xFFFFEC00  }
0xb7: {  	[spmem:s2] =	stream.indirect.scatter.add.bf16 [tilespmem:s22], [sflag:$0x6], $0x40, s23, s20, $0xb8;
	[tilespmem:$0x15220] =	vst v63  }
0xb8: {  	_ =	swait.ge [sflag:s16], $0x1400  }
0xb9: {  	[sflag:s16] =	ssyncset.done $0x0  }
0xba: {  	[sflag:s16] =	ssyncadd.s32 $0xFFFFEC00  }
0xbb: {  	_ =	swait.ge [sflag:s1], $0x1400  }
0xbc: {  	[sflag:s1] =	ssyncset.done $0x0  }
0xbd: {  	s26 =	simm.s32 $0xED30;
	[sflag:s1] =	ssyncadd.s32 $0xFFFFEC00  }
0xbe: {  	[spmem:s2] =	stream.indirect.scatter.add.bf16 [tilespmem:s25], [sflag:$0x6], $0x40, s26, s20, $0xb8;
	[tilespmem:$0x15220] =	vst v63  }
0xbf: {  	_ =	swait.ge [sflag:s16], $0x1400  }
0xc0: {  	[sflag:s16] =	ssyncset.done $0x0  }
0xc1: {  	[sflag:s16] =	ssyncadd.s32 $0xFFFFEC00  }
0xc2: {  	_ =	swait.ge [sflag:s0], $0x1400  }
0xc3: {  	[sflag:s0] =	ssyncset.done $0x0  }
0xc4: {  	s6 =	simm.s32 $0xED80;
	[sflag:s0] =	ssyncadd.s32 $0xFFFFEC00  }
0xc5: {  	[spmem:s2] =	stream.indirect.scatter.add.bf16 [tilespmem:s28], [sflag:$0x6], $0x40, s6, s20, $0xb8;
	[tilespmem:$0x15220] =	vst v63  }
0xc6: {  	_ =	swait.ge [sflag:s16], $0x1400  }
0xc7: {  	[sflag:s16] =	ssyncset.done $0x0  }
0xc8: {  	[sflag:s16] =	ssyncadd.s32 $0xFFFFEC00  }
0xc9: {  	_ =	swait.ge [sflag:s19], $0x1400  }
0xca: {  	[sflag:s19] =	ssyncset.done $0x0  }
0xcb: {  	s23 =	simm.s32 $0xEDD0;
	[sflag:s19] =	ssyncadd.s32 $0xFFFFEC00  }
0xcc: {  	[spmem:s2] =	stream.indirect.scatter.add.bf16 [tilespmem:s30], [sflag:$0x6], $0x40, s23, s20, $0xb8;
	[tilespmem:$0x15220] =	vst v63  }
0xcd: {  	s26 =	stileid.u32;
	_ =	swait.ge [sflag:s16], $0x1400  }
0xce: {  	s21 =	sadd.s32 $0x1, s21;
	s3 =	sshll.u32 s26, $0x6;
	[sflag:s16] =	ssyncset.done $0x0  }
0xcf: {  	p0 =	sne.s32 s21, s14;
	s3 =	sor.u32 $0x1C06, s3;
	[sflag:s16] =	ssyncadd.s32 $0xFFFFEC00  }
.Ltmp2:
0xd0: {  	s6 =	sshrl.u32 s5, $0x3;
	[bflag:$0x0] =	sbarrier.arrive $0xFFFF;
	(pc) =	sbr.rel @p0 .LBB2_1-.Ltmp2, $4  }
0xd1: {  	[hbm:s24], [sflag:s3] =	dma.local [spmem:s6], $0x1400  }
0xd2: {  	_ =	swait.ge [sflag:s16], $0x1400  }
0xd3: {  	[sflag:s16] =	ssyncset.done $0x0  }
0xd4: {  	[sflag:s16] =	ssyncadd.s32 $0xFFFFEC00  }
0xd5: {  	_ =	sfence.sel $0x180000  }
0xd6: {  	[bflag:$0x0] =	sbarrier.arrive $0xFFFF  }
0xd7: {  	_ =	strace $0x9000004D  }
0xd8: {  	s0 =	stileid.u32;
	[bflag:$0x2] =	sbarrier.arrive $0xFFFF  }
0xd9: {  	p0 =	sne.s32 s0, $0x0;
	s0 =	rddreg [dreg:$0x2]  }
0xda: {  	s0 =	sadd.s32 @!p0 $0x100000, s0  }
0xdb: {  	[sflag:s0] =	ssyncadd.tile.s32 @!p0 $0x1;
	_ =	shalt  }
.Lfunc_end2:
_tile_overlayer_lowered:
.L_overlay_start_2:
0xdc: {  	(tag) =	ssettag $0x2  }
0xdd: {  	s0 =	rddreg [dreg:$0x0];
	s2 =	stileid.u32  }
0xde: {  	s1 =	rddreg [dreg:$0x1];
	p0 =	sne.s32 s2, $0x0  }
0xdf: {  	s3 =	rddreg [dreg:$0x2];
	[bflag:$0x3] =	sbarrier.arrive $0xFFFF;
	s2 =	simm.s32 @!p0 $0x1C06  }
0xe0: {  	[timem:s3], [sflag:s2] =	dma.local @!p0 [hbm:s0], s1  }
0xe1: {  	s0 =	simm.s32 @!p0 $0x6  }
0xe2: {  	_ =	swait.ge @!p0 [sflag:s0], s1  }
0xe3: {  	s1 =	ssub.s32 @!p0 $0x0, s1;
	[sflag:s0] =	ssyncset.done @!p0 $0x0  }
0xe4: {  	[sflag:s0] =	ssyncadd.s32 @!p0 s1  }
0xe5: {  	[bflag:$0x3] =	sbarrier.arrive $0xFFFF  }
0xe6: {  	_ =	shalt  }

// kernel: kernel.8.cloned.1.call-start
scs
__scs_entry_jumppad:
0x0: {  	(pc) =	sbr.rel $0x88, $3  }
0x1: {  	(tag) =	ssettag $0x0;
	lr =	simm.s32 $0x1  }
0x2: {  	[smem:$0x3F98] =	sst lr;
	_ =	strace $0xD0000000  }
0x3: {  	_ = 	snop  }
0x4: {  	_ = 	snop  }
0x5: {  	_ = 	snop  }
0x6: {  	_ = 	snop  }
0x7: {  	_ = 	snop  }
__scs_overlays_trampoline_lowered:
0x8: {  	[smem:$0x3FA7] =	sst s0  }
0x9: {  	[smem:$0x3FA8] =	sst s1  }
0xa: {  	[smem:$0x3FA9] =	sst s2  }
0xb: {  	[smem:$0x3FAA] =	sst s3  }
0xc: {  	[smem:$0x3FAB] =	sst s4  }
0xd: {  	[smem:$0x3FAC] =	sst s5  }
0xe: {  	[smem:$0x3FAD] =	sst s6  }
0xf: {  	[smem:$0x3FAE] =	sst s7  }
0x10: {  	[smem:$0x3FAF] =	sst s8  }
0x11: {  	[smem:$0x3FB0] =	sst s9;
	s0 =	simm.s32 @!p0 $0x0  }
0x12: {  	s1 =	sld [smem:$0x3F96];
	s0 =	simm.s32 @p0 $0x1  }
0x13: {  	[smem:$0x3FB1] =	sst s0;
	s0 =	simm.s32 @!p1 $0x0  }
0x14: {  	s2 =	sld [smem:$0x3F95];
	s0 =	simm.s32 @p1 $0x1  }
0x15: {  	[smem:$0x3FB2] =	sst s0;
	s0 =	simm.s32 @!p2 $0x0  }
0x16: {  	s3 =	sld [smem:$0x3FDB];
	s0 =	simm.s32 @p2 $0x1  }
0x17: {  	s4 =	simm.s32 $0x1BF5;
	[smem:$0x3FB4] =	sst s0  }
0x18: {  	s0 =	sld [smem:$0x3F97];
	_ =	swait.ge [sflag:s4], $0x0  }
0x19: {  	s7 =	sld [smem:$0x3F98]  }
0x1a: {  	s8 =	sadd.s32 $0xFFFFE003, lr  }
0x1b: {  	s9 =	sadd.s32 $0xFFFFFEF7, lr;
	s5 =	simm.s32 $0xFFFFFFFF;
	p2 =	slt.u32 s8, $0xFFFFF086  }
0x1c: {  	p1 =	slt.u32 s9, $0xF7A;
	s5 =	simm.s32 @!p2 $0x0  }
0x1d: {  	s5 =	simm.s32 @p1 $0x1;
	p0 =	seq.s32 s7, s2  }
0x1e: {  	s7 =	smul.u32 @!p0 $0xF7A, s2;
	p2 =	seq.s32 @!p0 s5, $0x0  }
0x1f: {  	s9 =	smul.u32 $0xF7A, s1;
	s8 =	simm.s32 @!p0 $0x1BF5;
	p2 =	por !p2, p0  }
0x20: {  	[sflag:s8] =	ssyncset.s32 @!p0 $0xFFFFF086;
	s6 =	sadd.s32 @!p0 s3, s7;
	s7 =	simm.s32 @!p0 $0x108  }
0x21: {  	s3 =	sadd.s32 s3, s9;
	s6 =	sadd.s32 @!p0 $0x88, s6;
	s7 =	simm.s32 @p2 $0x1082  }
0x22: {  	[simem:s7], [sflag:s8] =	dma.local @!p0 [hbm:s6], $0xF7A  }
0x23: {  	s9 =	sor.u32 $0xD0000000, s2;
	s6 =	simm.s32 $0x108;
	_ =	swait.ge @!p0 [sflag:s8], $0x0  }
0x24: {  	s3 =	sadd.s32 $0x88, s3;
	s6 =	simm.s32 @!p1 $0x1082;
	[sflag:s4] =	ssyncset.s32 $0xFFFFF086  }
0x25: {  	[simem:s6], [sflag:s4] =	dma.local [hbm:s3], $0xF7A  }
0x26: {  	[smem:$0x3F98] =	sst s1;
	(tag) =	ssettag s2;
	_ =	strace s9  }
0x27: {  	s1 =	sld [smem:$0x3FA8]  }
0x28: {  	s2 =	sld [smem:$0x3FA9]  }
0x29: {  	s4 =	sld [smem:$0x3FAB]  }
0x2a: {  	p0 =	seq.s32 s5, $0x0;
	s5 =	sld [smem:$0x3FAC]  }
0x2b: {  	s6 =	sld [smem:$0x3FAD]  }
0x2c: {  	s7 =	sld [smem:$0x3FAE]  }
0x2d: {  	s3 =	simm.s32 $0x108;
	s8 =	sld [smem:$0x3FAF]  }
0x2e: {  	s3 =	simm.s32 @!p0 $0x1082;
	s9 =	sld [smem:$0x3FB0]  }
0x2f: {  	lr =	sadd.s32 s0, s3;
	s0 =	sld [smem:$0x3FA7]  }
0x30: {  	s3 =	sld [smem:$0x3FAA]  }
0x31: {  	[smem:$0x3FB3] =	sst s10  }
0x32: {  	s10 =	sld [smem:$0x3FB1];
	_ =	sdelay $0x3  }
0x33: {  	p0 =	seq.s32 s10, $0x1;
	s10 =	sld [smem:$0x3FB3];
	_ =	sdelay $0x3  }
0x34: {  	[smem:$0x3FB3] =	sst s10  }
0x35: {  	s10 =	sld [smem:$0x3FB2];
	_ =	sdelay $0x3  }
0x36: {  	p1 =	seq.s32 s10, $0x1;
	s10 =	sld [smem:$0x3FB3];
	_ =	sdelay $0x3  }
0x37: {  	[smem:$0x3FB3] =	sst s10  }
0x38: {  	s10 =	sld [smem:$0x3FB4]  }
0x39: {  	_ = 	snop;
	(pc) =	sbr.ind lr, $3  }
0x3a: {  	_ = 	snop  }
0x3b: {  	_ = 	snop  }
0x3c: {  	p2 =	seq.s32 s10, $0x1;
	s10 =	sld [smem:$0x3FB3]  }
0x3d: {  	_ =	shalt  }
0x3e: {  	_ =	shalt  }
0x3f: {  	_ =	shalt  }
0x40: {  	_ =	shalt  }
0x41: {  	_ =	shalt  }
0x42: {  	_ =	shalt  }
0x43: {  	_ =	shalt  }
0x44: {  	_ =	shalt  }
0x45: {  	_ =	shalt  }
0x46: {  	_ =	shalt  }
0x47: {  	_ =	shalt  }
0x48: {  	_ =	shalt  }
0x49: {  	_ =	shalt  }
0x4a: {  	_ =	shalt  }
0x4b: {  	_ =	shalt  }
0x4c: {  	_ =	shalt  }
0x4d: {  	_ =	shalt  }
0x4e: {  	_ =	shalt  }
0x4f: {  	_ =	shalt  }
0x50: {  	_ =	shalt  }
0x51: {  	_ =	shalt  }
0x52: {  	_ =	shalt  }
0x53: {  	_ =	shalt  }
0x54: {  	_ =	shalt  }
0x55: {  	_ =	shalt  }
0x56: {  	_ =	shalt  }
0x57: {  	_ =	shalt  }
0x58: {  	_ =	shalt  }
0x59: {  	_ =	shalt  }
0x5a: {  	_ =	shalt  }
0x5b: {  	_ =	shalt  }
0x5c: {  	_ =	shalt  }
0x5d: {  	_ =	shalt  }
0x5e: {  	_ =	shalt  }
0x5f: {  	_ =	shalt  }
0x60: {  	_ =	shalt  }
0x61: {  	_ =	shalt  }
0x62: {  	_ =	shalt  }
0x63: {  	_ =	shalt  }
0x64: {  	_ =	shalt  }
0x65: {  	_ =	shalt  }
0x66: {  	_ =	shalt  }
0x67: {  	_ =	shalt  }
0x68: {  	_ =	shalt  }
0x69: {  	_ =	shalt  }
0x6a: {  	_ =	shalt  }
0x6b: {  	_ =	shalt  }
0x6c: {  	_ =	shalt  }
0x6d: {  	_ =	shalt  }
0x6e: {  	_ =	shalt  }
0x6f: {  	_ =	shalt  }
0x70: {  	_ =	shalt  }
0x71: {  	_ =	shalt  }
0x72: {  	_ =	shalt  }
0x73: {  	_ =	shalt  }
0x74: {  	_ =	shalt  }
0x75: {  	_ =	shalt  }
0x76: {  	_ =	shalt  }
0x77: {  	_ =	shalt  }
0x78: {  	_ =	shalt  }
0x79: {  	_ =	shalt  }
0x7a: {  	_ =	shalt  }
0x7b: {  	_ =	shalt  }
0x7c: {  	_ =	shalt  }
0x7d: {  	_ =	shalt  }
0x7e: {  	_ =	shalt  }
0x7f: {  	_ =	shalt  }
0x80: {  	_ =	shalt  }
0x81: {  	_ =	shalt  }
0x82: {  	_ =	shalt  }
0x83: {  	_ =	shalt  }
0x84: {  	_ =	shalt  }
0x85: {  	_ =	shalt  }
0x86: {  	_ =	shalt  }
0x87: {  	_ =	shalt  }
.Lfunc_end0:
.L_simem_size_0:
called_computation_lowered:
.L_overlay_start_0:
0x88: {  	s2 =	sld [smem:$0x3FD9]  }
0x89: {  	s3 =	sld [smem:$0x3FFE];
	_ =	sdelay $0x1  }
0x8a: {  	s1 =	srdreg.scid  }
0x8b: {  	s0 =	sand.u32 $0x1, s1  }
0x8c: {  	s17 =	sshll.u32 s0, $0xA;
	s2 =	sadd.s32 s3, s2  }
0x8d: {  	s2 =	sadd.s32 s2, s17  }
0x8e: {  	[smem:$0x3FBF] =	sst s2  }
0x8f: {  	_ = 	snop  }
0x90: {  	s2 =	sld [smem:$0x3FD0];
	(tm) =	ssettm $0x1  }
0x91: {  	s18 =	sld [smem:$0x3FFB];
	_ =	sdelay $0x3  }
0x92: {  	_ =	strace s18  }
0x93: {  	s3 =	sld [smem:$0x3FFC];
	_ =	sdelay $0x3  }
0x94: {  	_ =	strace s3  }
0x95: {  	s3 =	sld [smem:$0x3FFD];
	_ =	sdelay $0x3  }
0x96: {  	_ =	strace s3  }
0x97: {  	_ =	strace $0x8FFFFFFF  }
0x98: {  	s19 =	sld [smem:$0x3FDB];
	_ =	sdelay $0x1  }
0x99: {  	s4 =	simm.s32 $_scs_section_size  }
0x9a: {  	s5 =	simm.s32 $_size__tile_overlayer_lowered;
	s6 =	simm.s32 $_tile_overlayer_lowered  }
0x9b: {  	s22 =	simm.s32 $0x1BFF;
	s21 =	sshll.u32 s6, $0x1;
	s3 =	sadd.s32 s4, s19  }
0x9c: {  	s7 =	simm.s32 $0x0;
	s20 =	sshll.u32 s5, $0x1;
	s5 =	sadd.s32 s21, s3  }
0x9d: {  	[timem:s7], [sflag:s22] =	dma.local [hbm:s5], s20  }
0x9e: {  	_ =	swait.ge [sflag:s22], s20  }
0x9f: {  	s4 =	ssub.s32 $0x0, s20;
	[sflag:s22] =	ssyncset.done $0x0  }
0xa0: {  	[sflag:s22] =	ssyncadd.s32 s4;
	_ =	sdelay $0x1  }
0xa1: {  	s23 =	simm.s32 $0x1B8B  }
0xa2: {  	_ =	swait.ge [sflag:s23], $0x1  }
0xa3: {  	[sflag:s23] =	ssyncset.done $0x0  }
0xa4: {  	s25 =	simm.s32 $0x1B8E;
	s24 =	sld [smem:$0x3FFE];
	[sflag:s23] =	ssyncadd.s32 $0xFFFFFFFF  }
0xa5: {  	s26 =	simm.s32 $execute0_lowered;
	[smem:$0x3FD2] =	sst s25  }
0xa6: {  	s5 =	sshll.u32 s26, $0x1;
	_ =	strace $0x80000046;
	[dreg:$0x1] =	wrdreg $0xFFFFFFFF  }
0xa7: {  	s28 =	simm.s32 $_size_execute0_lowered;
	s3 =	sadd.s32 s3, s5;
	[dreg:$0x0] =	wrdreg $0x0  }
0xa8: {  	s5 =	sshll.u32 s28, $0x1;
	[dreg:$0x2] =	wrdreg s3  }
0xa9: {  	[dreg:$0x3] =	wrdreg s5  }
0xaa: {  	[dreg:$0x4] =	wrdreg $0xC0  }
0xab: {  	_ =	task [dreg:s7], $0x5FFFF  }
0xac: {  	[dreg:$0x1] =	wrdreg $0xFFFFFFFF  }
0xad: {  	[dreg:$0x0] =	wrdreg $0x60  }
0xae: {  	[dreg:$0x2] =	wrdreg s24  }
0xaf: {  	[dreg:$0x3] =	wrdreg s2  }
0xb0: {  	[dreg:$0x4] =	wrdreg $0x0  }
0xb1: {  	[dreg:$0x5] =	wrdreg $0x9  }
0xb2: {  	_ =	task.clear_ibuf [dreg:s7], $0x6FFFF;
	_ =	strace $0x90000046  }
0xb3: {  	s29 =	simm.s32 $0x9;
	_ =	strace $0x80000048  }
0xb4: {  	_ =	swait.ge [sflag:s29], $0x1  }
0xb5: {  	[sflag:s29] =	ssyncadd.s32 $0xFFFFFFFF  }
0xb6: {  	_ =	strace $0x90000048  }
0xb7: {  	_ =	sfence  }
0xb8: {  	s30 =	sld [smem:$0x0];
	_ =	sdelay $0x2  }
0xb9: {  	s31 =	sshll.u32 s1, $0xD;
	s1 =	sshrl.u32 s1, $0x2  }
0xba: {  	s3 =	sand.u32 $0x4000, s31;
	s1 =	sadd.s32 s1, s30  }
0xbb: {  	s0 =	sor.u32 s3, s0;
	s1 =	sshll.u32 s1, $0x11  }
0xbc: {  	s0 =	sor.u32 s1, s0  }
0xbd: {  	s0 =	sadd.s32 $0x8F2B, s0  }
0xbe: {  	[sflag:s0] =	ssyncadd.remote.s32 $0x1  }
0xbf: {  	_ =	sfence.sel $0xFFFF  }
0xc0: {  	[dreg:$0x0] =	wrdreg $0xFFFFFFFF;
	(pc) =	sbr.abs _section_cstart, $3  }
0xc1: {  	[dreg:$0x1] =	wrdreg $0xFFFFFFFF  }
0xc2: {  	_ =	task.clear_ibuf [dreg:s7], $0x2FFFF;
	_ =	strace $0x9FFFFFFF  }
0xc3: {  	(tm) =	ssettm $0x7FFFFFFF  }
tec
execute0_lowered:
.L_overlay_start_1:
0x0: {  	(tag) =	ssettag $0x1  }
0x1: {  	s5 =	rddreg [dreg:$0x0]  }
0x2: {  	s6 =	rddreg [dreg:$0x1]  }
0x3: {  	s1 =	rddreg [dreg:$0x2]  }
0x4: {  	s0 =	rddreg [dreg:$0x3];
	s2 =	simm.s32 $0x0  }
0x5: {  	s3 =	srdreg.scid;
	s12 =	simm.s32 $0x1;
	s16 =	simm.s32 $0x0  }
0x6: {  	[smem:$0x7FF] =	sst s2;
	s4 =	sand.u32 $0x1, s3;
	s3 =	stileid.u32  }
0x7: {  	s11 =	sadd.s32 $0xC240, s5;
	_ =	strace $0x80000047;
	s10 =	smul.u32 $0x280, s3  }
0x8: {  	s7 =	ssub.s32 $0x2, s4;
	s9 =	sshll.u32 s3, $0x1;
	s30 =	smul.u32 $0x500, s4  }
0x9: {  	s31 =	sshll.u32 s3, $0x6;
	s8 =	sshrl.u32 s7, $0x1;
	s29 =	sor.u32 s4, s9  }
0xa: {  	s9 =	simm.s32 $0x280;
	s7 =	ssub.s32 s7, s8;
	s4 =	sadd.s32 s10, s1  }
0xb: {  	s8 =	smul.u32 $0x4E2, s29;
	s13 =	sadd.s32 s6, s30;
	s14 =	sshrl.u32 s10, $0x3  }
0xc: {  	s6 =	simm.s32 $0x2A10;
	s10 =	simm.s32 $0x50;
	s5 =	smax.u32 s7, $0x1  }
0xd: {  	s7 =	simm.s32 $0x2;
	s13 =	sadd.s32 s14, s13;
	s14 =	sor.u32 $0x1C02, s31  }
0xe: {  	v0 =	vimm.f32 $1.000000000e+00;
	v1 =	vimm.f32 $0.0e+00;
	s15 =	sshrl.u32 s4, $0x3;
	s8 =	sadd.s32 s8, s11;
	s11 =	simm.s32 $0x2990  }
.LBB2_1:
0xf: {  	[tilespmem:$0x2990] =	vst v0  }
0x10: {  	[tilespmem:$0x29A0] =	vst v0  }
0x11: {  	[tilespmem:$0x29B0] =	vst v0  }
0x12: {  	[tilespmem:$0x29C0] =	vst v0  }
0x13: {  	[tilespmem:$0x29D0] =	vst v0  }
0x14: {  	[tilespmem:$0x29E0] =	vst v0  }
0x15: {  	[tilespmem:$0x29F0] =	vst v0  }
0x16: {  	[tilespmem:$0x2A00] =	vst v0  }
0x17: {  	[tilespmem:$0x2A10] =	vst v1  }
0x18: {  	[tilespmem:$0x2A20] =	vst v1  }
0x19: {  	[tilespmem:$0x2A30] =	vst v1  }
0x1a: {  	[tilespmem:$0x2A40] =	vst v1  }
0x1b: {  	[tilespmem:$0x2A50] =	vst v1  }
0x1c: {  	[tilespmem:$0x2A60] =	vst v1  }
0x1d: {  	[tilespmem:$0x2A70] =	vst v1  }
0x1e: {  	[tilespmem:$0x2A80] =	vst v1  }
0x1f: {  	[tilespmem:$0x2A90] =	vst v1  }
0x20: {  	[tilespmem:$0x2AA0] =	vst v1  }
0x21: {  	[tilespmem:$0x2AB0] =	vst v1  }
0x22: {  	[tilespmem:$0x2AC0] =	vst v1  }
0x23: {  	[tilespmem:$0x2AD0] =	vst v1  }
0x24: {  	[tilespmem:$0x2AE0] =	vst v1  }
0x25: {  	[tilespmem:$0x2AF0] =	vst v1  }
0x26: {  	[tilespmem:$0x2B00] =	vst v1  }
0x27: {  	[tilespmem:$0x2B10] =	vst v1  }
0x28: {  	[tilespmem:$0x2B20] =	vst v1  }
0x29: {  	[tilespmem:$0x2B30] =	vst v1  }
0x2a: {  	[tilespmem:$0x2B40] =	vst v1  }
0x2b: {  	[tilespmem:$0x2B50] =	vst v1  }
0x2c: {  	[tilespmem:$0x2B60] =	vst v1  }
0x2d: {  	[tilespmem:$0x2B70] =	vst v1  }
0x2e: {  	[tilespmem:$0x2B80] =	vst v1  }
0x2f: {  	[tilespmem:$0x2B90] =	vst v1  }
0x30: {  	[tilespmem:$0x2BA0] =	vst v1  }
0x31: {  	[tilespmem:$0x2BB0] =	vst v1  }
0x32: {  	[tilespmem:$0x2BC0] =	vst v1  }
0x33: {  	[tilespmem:$0x2BD0] =	vst v1  }
0x34: {  	[tilespmem:$0x2BE0] =	vst v1  }
0x35: {  	[tilespmem:$0x2BF0] =	vst v1  }
0x36: {  	[tilespmem:$0x2C00] =	vst v1  }
0x37: {  	[tilespmem:$0x2C10] =	vst v1  }
0x38: {  	[tilespmem:$0x2C20] =	vst v1  }
0x39: {  	[tilespmem:$0x2C30] =	vst v1  }
0x3a: {  	[tilespmem:$0x2C40] =	vst v1  }
0x3b: {  	[tilespmem:$0x2C50] =	vst v1  }
0x3c: {  	[tilespmem:$0x2C60] =	vst v1  }
0x3d: {  	[tilespmem:$0x2C70] =	vst v1  }
0x3e: {  	[tilespmem:$0x2C80] =	vst v1  }
0x3f: {  	[spmem:s4] =	stream.linear.scatter [tilespmem:s6], [sflag:$0x2], $0x280, $0x38;
	[tilespmem:$0x2C90] =	vst v63  }
0x40: {  	_ =	swait.ge [sflag:s7], $0x280  }
0x41: {  	[sflag:s7] =	ssyncset.done $0x0  }
0x42: {  	[sflag:s7] =	ssyncadd.s32 $0xFFFFFD80  }
0x43: {  	[bflag:$0x0] =	sbarrier.arrive $0xFFFF  }
0x44: {  	[tilespmem:s9], [sflag:$0x2] =	stream.linear.gather [hbm4b:s8+s2], $0x2710, $0x38;
	[tilespmem:$0x2C90] =	vst v63  }
0x45: {  	_ =	swait.ge [sflag:s7], $0x2710  }
0x46: {  	[sflag:s7] =	ssyncset.done $0x0  }
0x47: {  	s17 =	simm.s32 $0x0;
	[sflag:s7] =	ssyncadd.s32 $0xFFFFD8F0  }
.LBB2_2:
0x48: {  	p0 =	sne.s32 s17, $0x9B00  }
.Ltmp0:
0x49: {  	_ = 	snop;
	(pc) =	sbr.rel @p0 .LBB2_2-.Ltmp0, $4  }
0x4a: {  	_ = 	snop  }
0x4b: {  	s18 =	sshra.s32 s17, $0x2  }
0x4c: {  	s17 =	sadd.s32 $0x140, s17;
	s18 =	sadd.s32 $0x280, s18  }
0x4d: {  	[spmem:s1] =	stream.indirect.scatter.add.f32 [tilespmem:s11], [sflag:$0x1], $0x1, s18, s10, $0xb8;
	[tilespmem:$0x2C90] =	vst v63  }
0x4e: {  	_ =	swait.ge [sflag:s12], $0x50  }
0x4f: {  	s17 =	simm.s32 $0x7C;
	[sflag:s12] =	ssyncset.done $0x0  }
.LBB2_4:
0x50: {  	p0 =	sne.s32 s17, $0x1;
	s17 =	sadd.s32 $0xFFFFFFFF, s17;
	[sflag:s12] =	ssyncadd.s32 $0xFFFFFFB0  }
.Ltmp1:
0x51: {  	(pc) =	sbr.rel @p0 .LBB2_4-.Ltmp1, $3  }
0x52: {  	_ =	sdelay $0x1  }
0x53: {  	_ =	swait.ge [sflag:s12], $0x50  }
0x54: {  	[sflag:s12] =	ssyncset.done $0x0  }
0x55: {  	s16 =	sadd.s32 $0x1, s16  }
0x56: {  	[sflag:s12] =	ssyncadd.s32 $0xFFFFFFB0;
	p0 =	sne.s32 s16, s5  }
.Ltmp2:
0x57: {  	[bflag:$0x0] =	sbarrier.arrive $0xFFFF;
	(pc) =	sbr.rel @p0 .LBB2_1-.Ltmp2, $4  }
0x58: {  	[hbm:s13], [sflag:s14] =	dma.local [spmem:s15], $0x50  }
0x59: {  	_ =	swait.ge [sflag:s7], $0x50  }
0x5a: {  	[sflag:s7] =	ssyncset.done $0x0  }
0x5b: {  	[sflag:s7] =	ssyncadd.s32 $0xFFFFFFB0  }
0x5c: {  	_ =	sfence.sel $0x180000  }
0x5d: {  	[bflag:$0x0] =	sbarrier.arrive $0xFFFF  }
0x5e: {  	p0 =	sne.s32 s3, $0x0;
	_ =	strace $0x90000047  }
0x5f: {  	s0 =	sadd.s32 @!p0 $0x100000, s0;
	[bflag:$0x2] =	sbarrier.arrive $0xFFFF  }
0x60: {  	[sflag:s0] =	ssyncadd.tile.s32 @!p0 $0x1;
	_ =	shalt  }
.Lfunc_end2:
_tile_overlayer_lowered:
.L_overlay_start_2:
0x61: {  	(tag) =	ssettag $0x2  }
0x62: {  	s0 =	rddreg [dreg:$0x0];
	s2 =	stileid.u32  }
0x63: {  	s1 =	rddreg [dreg:$0x1];
	p0 =	sne.s32 s2, $0x0  }
0x64: {  	s3 =	rddreg [dreg:$0x2];
	[bflag:$0x3] =	sbarrier.arrive $0xFFFF;
	s2 =	simm.s32 @!p0 $0x1C02  }
0x65: {  	[timem:s3], [sflag:s2] =	dma.local @!p0 [hbm:s0], s1  }
0x66: {  	s0 =	simm.s32 @!p0 $0x2  }
0x67: {  	_ =	swait.ge @!p0 [sflag:s0], s1  }
0x68: {  	s1 =	ssub.s32 @!p0 $0x0, s1;
	[sflag:s0] =	ssyncset.done @!p0 $0x0  }
0x69: {  	[sflag:s0] =	ssyncadd.s32 @!p0 s1  }
0x6a: {  	[bflag:$0x3] =	sbarrier.arrive $0xFFFF  }
0x6b: {  	_ =	shalt  }

</sc_bundles>
